<compile_context>
chip_gen: v7x
topology: tpu7x:2x2x1
jax: 0.10.2.dev20260603
libtpu: 0.0.44.dev20260713+nightly
codegen_flags: <defaults>
</compile_context>

<pallas_src>
import functools

import jax
import jax.numpy as jnp
from jax import lax
from jax.experimental import pallas as pl
from jax.experimental.pallas import tpu as pltpu
from jax.experimental.pallas import tpu_sc as plsc

E = 8
TOPK = 2
TILE = 256
D = 1024
F = 4096
MOE_D = 2048



def _gmm_body(meta_ref, xd_ref, w13_hbm, w2_hbm, wrow_ref, y_ref,
              w13_buf, w2_buf, sem13, sem2):
    i = pl.program_id(0)
    e = meta_ref[0, i]
    p = meta_ref[1, i]
    first = meta_ref[2, i]
    nxt = meta_ref[3, i]
    hasn = meta_ref[4, i]

    @pl.when(i == 0)
    def _():
        pltpu.make_async_copy(w13_hbm.at[e], w13_buf.at[p], sem13.at[p]).start()
        pltpu.make_async_copy(w2_hbm.at[e], w2_buf.at[p], sem2.at[p]).start()

    @pl.when((first == 1) & (hasn == 1))
    def _():
        q = 1 - p
        pltpu.make_async_copy(w13_hbm.at[nxt], w13_buf.at[q], sem13.at[q]).start()
        pltpu.make_async_copy(w2_hbm.at[nxt], w2_buf.at[q], sem2.at[q]).start()

    @pl.when(first == 1)
    def _():
        pltpu.make_async_copy(w13_hbm.at[e], w13_buf.at[p], sem13.at[p]).wait()
        pltpu.make_async_copy(w2_hbm.at[e], w2_buf.at[p], sem2.at[p]).wait()

    h = jnp.dot(xd_ref[...], w13_buf[p], preferred_element_type=jnp.float32)
    gate = h[:, :MOE_D]
    up = h[:, MOE_D:]
    a = jax.nn.silu(gate) * up
    y = jnp.dot(a, w2_buf[p], preferred_element_type=jnp.float32)
    y_ref[...] = y * wrow_ref[...]


def _seg_meta(eot, nt):
    idx = jnp.arange(nt, dtype=jnp.int32)
    prev = jnp.concatenate([eot[:1] - 1, eot[:-1]])
    first = (eot != prev).astype(jnp.int32)
    seg = jnp.cumsum(first) - 1
    par = (seg % 2).astype(jnp.int32)
    diff = (eot[None, :] != eot[:, None]) & (idx[None, :] > idx[:, None])
    hasn = jnp.any(diff, axis=1)
    j = jnp.argmax(diff, axis=1)
    nxt = jnp.where(hasn, eot[j], eot)
    return jnp.stack([eot, par, first, nxt, hasn.astype(jnp.int32)])


def _grouped_mlp(eot, xd, w13, w2, wrow, nt):
    meta = _seg_meta(eot, nt)
    grid_spec = pltpu.PrefetchScalarGridSpec(
        num_scalar_prefetch=1,
        grid=(nt,),
        in_specs=[
            pl.BlockSpec((TILE, D), lambda i, meta: (i, 0)),
            pl.BlockSpec(memory_space=pl.ANY),
            pl.BlockSpec(memory_space=pl.ANY),
            pl.BlockSpec((TILE, 1), lambda i, meta: (i, 0)),
        ],
        out_specs=pl.BlockSpec((TILE, D), lambda i, meta: (i, 0)),
        scratch_shapes=[
            pltpu.VMEM((2, D, F), jnp.float32),
            pltpu.VMEM((2, MOE_D, D), jnp.float32),
            pltpu.SemaphoreType.DMA((2,)),
            pltpu.SemaphoreType.DMA((2,)),
        ],
    )
    return pl.pallas_call(
        _gmm_body,
        grid_spec=grid_spec,
        out_shape=jax.ShapeDtypeStruct((nt * TILE, D), jnp.float32),
        compiler_params=pltpu.CompilerParams(
            vmem_limit_bytes=110 * 1024 * 1024,
        ),
    )(meta, xd, w13, w2, wrow)



def _routing_body(x_ref, rp_ref, e1_ref, e2_ref, w1_ref, w2_ref):
    l = jnp.dot(x_ref[...], rp_ref[...], preferred_element_type=jnp.float32)
    col = jax.lax.broadcasted_iota(jnp.int32, l.shape, 1)
    lm = jnp.where(col < E, l, -jnp.inf)
    m1 = jnp.max(lm, axis=1, keepdims=True)
    i1 = jnp.min(jnp.where(lm == m1, col, 128), axis=1, keepdims=True)
    l2 = jnp.where(col == i1, -jnp.inf, lm)
    m2 = jnp.max(l2, axis=1, keepdims=True)
    i2 = jnp.min(jnp.where(l2 == m2, col, 128), axis=1, keepdims=True)
    s = jnp.exp(m2 - m1)
    w1 = 1.0 / (1.0 + s)
    e1_ref[...] = i1
    e2_ref[...] = i2
    w1_ref[...] = w1
    w2_ref[...] = 1.0 - w1


def _routing(x_flat, router, tokens):
    rp = jnp.zeros((D, 128), jnp.float32).at[:, :E].set(router)
    return pl.pallas_call(
        _routing_body,
        out_shape=[
            jax.ShapeDtypeStruct((tokens, 1), jnp.int32),
            jax.ShapeDtypeStruct((tokens, 1), jnp.int32),
            jax.ShapeDtypeStruct((tokens, 1), jnp.float32),
            jax.ShapeDtypeStruct((tokens, 1), jnp.float32),
        ],
    )(x_flat, rp)



_NC = 2
_NS = 16
_NW = _NC * _NS


def _sc_collect(y, pos, tokens):
    per_w = tokens // _NW
    mesh = plsc.VectorSubcoreMesh(core_axis_name="c", subcore_axis_name="s")

    @functools.partial(
        pl.kernel, mesh=mesh,
        out_type=jax.ShapeDtypeStruct((tokens, D), jnp.float32),
        scratch_types=[
            pltpu.VMEM((32,), jnp.int32),
            pltpu.VMEM((32,), jnp.int32),
            pltpu.VMEM((32, D), jnp.float32),
            pltpu.VMEM((32, D), jnp.float32),
            pltpu.VMEM((32, D), jnp.float32),
            pltpu.SemaphoreType.DMA,
        ],
    )
    def k(y_hbm, pos_hbm, out_hbm, p1_v, p2_v, r1_v, r2_v, o_v, sem):
        wid = lax.axis_index("s") * _NC + lax.axis_index("c")
        base = wid * per_w
        for c in range(per_w // 32):
            tok0 = base + c * 32
            pltpu.sync_copy(pos_hbm.at[pl.ds(tok0, 32)], p1_v)
            pltpu.sync_copy(pos_hbm.at[pl.ds(tokens + tok0, 32)], p2_v)
            g1 = pltpu.make_async_copy(y_hbm.at[p1_v], r1_v, sem)
            g2 = pltpu.make_async_copy(y_hbm.at[p2_v], r2_v, sem)
            g1.start()
            g2.start()
            g1.wait()
            g2.wait()

            def rbody(r, carry):
                for l in range(D // 16):
                    sl = pl.ds(l * 16, 16)
                    o_v[r, sl] = r1_v[r, sl] + r2_v[r, sl]
                return carry

            lax.fori_loop(0, 32, rbody, 0)
            pltpu.sync_copy(o_v, out_hbm.at[pl.ds(tok0, 32)])

    return k(y, pos)


def kernel(x, moe_router, moe_w13, moe_w2):
    b, s, d = x.shape
    tokens = b * s
    x_flat = x.reshape(tokens, d)
    nt = tokens * TOPK // TILE + E - 1
    r_pad = nt * TILE

    e1, e2, w1, w2 = _routing(x_flat, moe_router, tokens)

    e_slot = jnp.concatenate([e1[:, 0], e2[:, 0]])
    w_slot = jnp.concatenate([w1[:, 0], w2[:, 0]])
    oh = (e_slot[:, None] == jnp.arange(E)[None, :]).astype(jnp.int32)
    pref = jnp.cumsum(oh, axis=0)
    cnt = pref[-1]
    padded = ((cnt + TILE - 1) // TILE) * TILE
    pad_off = jnp.concatenate([jnp.zeros((1,), jnp.int32),
                               jnp.cumsum(padded)[:-1].astype(jnp.int32)])
    rank = jnp.sum(pref * oh, axis=1) - 1
    pos = (pad_off[e_slot] + rank).astype(jnp.int32)
    src = jnp.zeros((r_pad,), jnp.int32).at[pos].set(
        jnp.arange(tokens * TOPK, dtype=jnp.int32) % tokens)
    wdisp = jnp.zeros((r_pad,), jnp.float32).at[pos].set(w_slot)
    pad_end = (pad_off + padded).astype(jnp.int32)
    tile_start = jnp.arange(nt, dtype=jnp.int32) * TILE
    eot = jnp.minimum(
        jnp.sum((pad_end[None, :] <= tile_start[:, None]).astype(jnp.int32),
                axis=1), E - 1).astype(jnp.int32)

    xd = x_flat[src]

    y = _grouped_mlp(eot, xd, moe_w13, moe_w2, wdisp[:, None], nt)

    out_flat = _sc_collect(y, pos, tokens)
    return out_flat.reshape(b, s, d)

# --- scband reference (transcript-rebuilt; emitter-appended) ---
"""Pipeline reference for scband-mo-emlp-82617990905863 (READ-ONLY COPY).

The authoritative reference and input builder live on the scoring server;
editing this copy changes nothing except your own understanding.
"""

import jax, jax.numpy as jnp
import numpy as np

NUM_EXPERTS = 8
TOP_K = 2


def _gmm(x, w, group_sizes):
    # Grouped matmul: rows of x are sorted by expert; group_sizes[e] rows go to w[e].
    offsets = jnp.cumsum(group_sizes)
    row_ids = jnp.arange(x.shape[0], dtype=jnp.int32)
    expert_ids = jnp.searchsorted(offsets, row_ids, side='right')
    out = jnp.zeros((x.shape[0], w.shape[-1]), dtype=x.dtype)
    for e in range(w.shape[0]):
        mask = (expert_ids == e)[:, None].astype(x.dtype)
        out = out + (x * mask) @ w[e]
    return out


def setup_inputs(seed: int = 0) -> dict:
    key = jax.random.key(seed)
    k1, k2, k3, k4 = jax.random.split(key, 4)
    x = jax.random.normal(k1, (1, 2048, 1024), dtype=jnp.float32)
    moe_router = jax.random.normal(k2, (1024, NUM_EXPERTS), dtype=jnp.float32) * 0.02
    moe_w13 = jax.random.normal(k3, (NUM_EXPERTS, 1024, 4096), dtype=jnp.float32) * 0.02
    moe_w2 = jax.random.normal(k4, (NUM_EXPERTS, 2048, 1024), dtype=jnp.float32) * 0.02
    return {"x": x, "moe_router": moe_router, "moe_w13": moe_w13, "moe_w2": moe_w2}


def reference(x, moe_router, moe_w13, moe_w2):
    # Faithful port of _moe_mlp_local (non-EP routed path).
    b, s, d = x.shape
    x_flat = x.reshape(b * s, d)
    router_logits = jnp.einsum('td,de->te', x_flat, moe_router)
    topk_logits, topk_idx = jax.lax.top_k(router_logits, TOP_K)
    topk_weights = jax.nn.softmax(topk_logits, axis=-1).astype(x.dtype)
    tokens, topk = topk_idx.shape
    expert_ids = topk_idx.reshape(tokens * topk)
    dispatch_weights = topk_weights.reshape(tokens * topk)
    sort_idx = jnp.argsort(expert_ids, axis=0)
    token_ids = jnp.arange(tokens * topk, dtype=jnp.int32) // topk
    token_ids_sort = token_ids[sort_idx]
    x_sort = x_flat[token_ids_sort]
    w_sort = dispatch_weights[sort_idx].astype(x_flat.dtype)
    group_sizes = jnp.bincount(expert_ids, length=NUM_EXPERTS).astype(jnp.int32)
    w13_out = _gmm(x_sort, moe_w13, group_sizes)
    moe_dim = moe_w2.shape[1]
    gate, up = jnp.split(w13_out, [moe_dim], axis=-1)
    out_dispatch = _gmm(jax.nn.silu(gate) * up, moe_w2, group_sizes)
    out_flat = jnp.zeros_like(x_flat).at[token_ids_sort].add(out_dispatch * w_sort[:, None], mode='drop')
    return out_flat.reshape(b, s, d)

if __name__ == "__main__":
    import jax
    _d = setup_inputs()
    print(jax.jit(kernel)(*tuple(_d.values())))

</pallas_src>

<mosaic_0001>
#map = affine_map<(d0, d1) -> (0, 0)>
#map1 = affine_map<(d0, d1) -> (0)>
module attributes {stable_mosaic.version = 14 : i64} {
  func.func @k(%arg0: i32, %arg1: i32, %arg2: memref<5888x1024xf32, #tpu.memory_space<hbm>>, %arg3: memref<4096xi32, #tpu.memory_space<hbm>>, %arg4: memref<2048x1024xf32, #tpu.memory_space<hbm>>, %arg5: memref<32xi32, #tpu.memory_space<vmem>>, %arg6: memref<32xi32, #tpu.memory_space<vmem>>, %arg7: memref<32x1024xf32, #tpu.memory_space<vmem>>, %arg8: memref<32x1024xf32, #tpu.memory_space<vmem>>, %arg9: memref<32x1024xf32, #tpu.memory_space<vmem>>, %arg10: memref<!tpu.dma_semaphore, #tpu.memory_space<semaphore_mem>>) attributes {dimension_semantics = [#tpu.dimension_semantics<core_parallel>, #tpu.dimension_semantics<subcore_parallel>], iteration_bounds = array<i64: 2, 16>, scalar_prefetch = 0 : i64, scratch_operands = 6 : i64, tpu.core_type = #tpu.core_type<sc_vector_subcore>, window_params = [{transform_indices = #map}, {transform_indices = #map1}, {transform_indices = #map}]} {
    %mul3A = arith.constant 2 : i32
    %mul3A_0 = arith.muli %arg1, %mul3A : i32
    %add3A = arith.addi %mul3A_0, %arg0 : i32
    %mul3A_1 = arith.constant 64 : i32
    %mul3A_2 = arith.muli %add3A, %mul3A_1 : i32
    %add3A_3 = arith.constant 0 : i32
    %add3A_4 = arith.addi %mul3A_2, %add3A_3 : i32
    "tpu.region"() ({
      %run_scoped3A = tpu.sem_alloc : memref<!tpu.dma_semaphore, #tpu.memory_space<semaphore_mem>>
      %dma_start3A_44 = tpu.memref_slice %arg3[%add3A_4] : memref<4096xi32, #tpu.memory_space<hbm>> -> memref<32xi32, #tpu.memory_space<hbm>>
      %dma_start3A_45 = tpu.memref_slice %arg3[%add3A_4] : memref<4096xi32, #tpu.memory_space<hbm>> -> memref<32xi32, #tpu.memory_space<hbm>>
      tpu.enqueue_dma source(%dma_start3A_45 : memref<32xi32, #tpu.memory_space<hbm>>) target(%arg5 : memref<32xi32, #tpu.memory_space<vmem>>) target_semaphore(%run_scoped3A : memref<!tpu.dma_semaphore, #tpu.memory_space<semaphore_mem>>)
      %dma_wait3A_46 = tpu.memref_slice %arg3[%add3A_4] : memref<4096xi32, #tpu.memory_space<hbm>> -> memref<32xi32, #tpu.memory_space<hbm>>
      %dma_wait3A_47 = tpu.memref_slice %arg3[%add3A_4] : memref<4096xi32, #tpu.memory_space<hbm>> -> memref<32xi32, #tpu.memory_space<hbm>>
      tpu.wait_dma2 semaphore(%run_scoped3A : memref<!tpu.dma_semaphore, #tpu.memory_space<semaphore_mem>>) src(%dma_wait3A_47 : memref<32xi32, #tpu.memory_space<hbm>>) dst(%arg5 : memref<32xi32, #tpu.memory_space<vmem>>)
      tpu.yield
    }) : () -> ()
    %add3A_5 = arith.constant 2048 : i32
    %add3A_6 = arith.addi %add3A_5, %add3A_4 : i32
    "tpu.region"() ({
      %run_scoped3A = tpu.sem_alloc : memref<!tpu.dma_semaphore, #tpu.memory_space<semaphore_mem>>
      %dma_start3A_44 = tpu.memref_slice %arg3[%add3A_6] : memref<4096xi32, #tpu.memory_space<hbm>> -> memref<32xi32, #tpu.memory_space<hbm>>
      %dma_start3A_45 = tpu.memref_slice %arg3[%add3A_6] : memref<4096xi32, #tpu.memory_space<hbm>> -> memref<32xi32, #tpu.memory_space<hbm>>
      tpu.enqueue_dma source(%dma_start3A_45 : memref<32xi32, #tpu.memory_space<hbm>>) target(%arg6 : memref<32xi32, #tpu.memory_space<vmem>>) target_semaphore(%run_scoped3A : memref<!tpu.dma_semaphore, #tpu.memory_space<semaphore_mem>>)
      %dma_wait3A_46 = tpu.memref_slice %arg3[%add3A_6] : memref<4096xi32, #tpu.memory_space<hbm>> -> memref<32xi32, #tpu.memory_space<hbm>>
      %dma_wait3A_47 = tpu.memref_slice %arg3[%add3A_6] : memref<4096xi32, #tpu.memory_space<hbm>> -> memref<32xi32, #tpu.memory_space<hbm>>
      tpu.wait_dma2 semaphore(%run_scoped3A : memref<!tpu.dma_semaphore, #tpu.memory_space<semaphore_mem>>) src(%dma_wait3A_47 : memref<32xi32, #tpu.memory_space<hbm>>) dst(%arg6 : memref<32xi32, #tpu.memory_space<vmem>>)
      tpu.yield
    }) : () -> ()
    %dma_start3A = arith.constant 0 : i32
    %dma_start3A_7 = arith.constant 0 : i32
    %dma_start3A_8 = tpu.memref_slice %arg2[%dma_start3A, %dma_start3A_7] : memref<5888x1024xf32, #tpu.memory_space<hbm>> -> memref<5888x1024xf32, #tpu.memory_space<hbm>>
    tpu.enqueue_indirect_dma source(%dma_start3A_8 : memref<5888x1024xf32, #tpu.memory_space<hbm>>) target(%arg7 : memref<32x1024xf32, #tpu.memory_space<vmem>>) offsets(%arg5 : memref<32xi32, #tpu.memory_space<vmem>>) semaphore(%arg10 : memref<!tpu.dma_semaphore, #tpu.memory_space<semaphore_mem>>)
    %dma_start3A_9 = arith.constant 0 : i32
    %dma_start3A_10 = arith.constant 0 : i32
    %dma_start3A_11 = tpu.memref_slice %arg2[%dma_start3A_9, %dma_start3A_10] : memref<5888x1024xf32, #tpu.memory_space<hbm>> -> memref<5888x1024xf32, #tpu.memory_space<hbm>>
    tpu.enqueue_indirect_dma source(%dma_start3A_11 : memref<5888x1024xf32, #tpu.memory_space<hbm>>) target(%arg8 : memref<32x1024xf32, #tpu.memory_space<vmem>>) offsets(%arg6 : memref<32xi32, #tpu.memory_space<vmem>>) semaphore(%arg10 : memref<!tpu.dma_semaphore, #tpu.memory_space<semaphore_mem>>)
    %dma_wait3A = arith.constant 0 : i32
    %dma_wait3A_12 = arith.constant 0 : i32
    %dma_wait3A_13 = tpu.memref_slice %arg2[%dma_wait3A, %dma_wait3A_12] : memref<5888x1024xf32, #tpu.memory_space<hbm>> -> memref<5888x1024xf32, #tpu.memory_space<hbm>>
    tpu.wait_indirect_dma semaphore(%arg10 : memref<!tpu.dma_semaphore, #tpu.memory_space<semaphore_mem>>) src(%dma_wait3A_13 : memref<5888x1024xf32, #tpu.memory_space<hbm>>) dst(%arg7 : memref<32x1024xf32, #tpu.memory_space<vmem>>)
    %dma_wait3A_14 = arith.constant 0 : i32
    %dma_wait3A_15 = arith.constant 0 : i32
    %dma_wait3A_16 = tpu.memref_slice %arg2[%dma_wait3A_14, %dma_wait3A_15] : memref<5888x1024xf32, #tpu.memory_space<hbm>> -> memref<5888x1024xf32, #tpu.memory_space<hbm>>
    tpu.wait_indirect_dma semaphore(%arg10 : memref<!tpu.dma_semaphore, #tpu.memory_space<semaphore_mem>>) src(%dma_wait3A_16 : memref<5888x1024xf32, #tpu.memory_space<hbm>>) dst(%arg8 : memref<32x1024xf32, #tpu.memory_space<vmem>>)
    %scan3A = arith.constant 0 : i32
    %scan3A_17 = arith.constant 0 : i32
    %scan3A_18 = arith.constant 32 : i32
    %scan3A_19 = arith.addi %scan3A_17, %scan3A_18 : i32
    %scan3A_20 = arith.constant 1 : i32
    scf.for %scan3A_44 = %scan3A_17 to %scan3A_19 step %scan3A_20  : i32 {
      %get3A = arith.index_cast %scan3A_44 : i32 to index
      %get3A_45 = arith.constant 0 : index
      %get3A_46 = tpu.vector_load %arg7[%get3A, %get3A_45] {strides = array<i32>} : memref<32x1024xf32, #tpu.memory_space<vmem>>, vector<1x16xf32>,
      %get3A_47 = vector.shape_cast %get3A_46 : vector<1x16xf32> to vector<16xf32>
      %get3A_48 = arith.index_cast %scan3A_44 : i32 to index
      %get3A_49 = arith.constant 0 : index
      %get3A_50 = tpu.vector_load %arg8[%get3A_48, %get3A_49] {strides = array<i32>} : memref<32x1024xf32, #tpu.memory_space<vmem>>, vector<1x16xf32>,
      %get3A_51 = vector.shape_cast %get3A_50 : vector<1x16xf32> to vector<16xf32>
      %add3A_52 = arith.addf %get3A_47, %get3A_51 : vector<16xf32>
      %swap3A = arith.index_cast %scan3A_44 : i32 to index
      %swap3A_53 = arith.constant 0 : index
      %swap3A_54 = tpu.vector_load %arg9[%swap3A, %swap3A_53] {strides = array<i32>} : memref<32x1024xf32, #tpu.memory_space<vmem>>, vector<1x16xf32>,
      %swap3A_55 = vector.shape_cast %swap3A_54 : vector<1x16xf32> to vector<16xf32>
      %swap3A_56 = vector.shape_cast %add3A_52 : vector<16xf32> to vector<1x16xf32>
      tpu.vector_store %arg9[%swap3A, %swap3A_53], %swap3A_56 {strides = array<i32>} : memref<32x1024xf32, #tpu.memory_space<vmem>>, vector<1x16xf32>,
      %get3A_57 = arith.index_cast %scan3A_44 : i32 to index
      %get3A_58 = arith.constant 16 : index
      %get3A_59 = tpu.vector_load %arg7[%get3A_57, %get3A_58] {strides = array<i32>} : memref<32x1024xf32, #tpu.memory_space<vmem>>, vector<1x16xf32>,
      %get3A_60 = vector.shape_cast %get3A_59 : vector<1x16xf32> to vector<16xf32>
      %get3A_61 = arith.index_cast %scan3A_44 : i32 to index
      %get3A_62 = arith.constant 16 : index
      %get3A_63 = tpu.vector_load %arg8[%get3A_61, %get3A_62] {strides = array<i32>} : memref<32x1024xf32, #tpu.memory_space<vmem>>, vector<1x16xf32>,
      %get3A_64 = vector.shape_cast %get3A_63 : vector<1x16xf32> to vector<16xf32>
      %add3A_65 = arith.addf %get3A_60, %get3A_64 : vector<16xf32>
      %swap3A_66 = arith.index_cast %scan3A_44 : i32 to index
      %swap3A_67 = arith.constant 16 : index
      %swap3A_68 = tpu.vector_load %arg9[%swap3A_66, %swap3A_67] {strides = array<i32>} : memref<32x1024xf32, #tpu.memory_space<vmem>>, vector<1x16xf32>,
      %swap3A_69 = vector.shape_cast %swap3A_68 : vector<1x16xf32> to vector<16xf32>
      %swap3A_70 = vector.shape_cast %add3A_65 : vector<16xf32> to vector<1x16xf32>
      tpu.vector_store %arg9[%swap3A_66, %swap3A_67], %swap3A_70 {strides = array<i32>} : memref<32x1024xf32, #tpu.memory_space<vmem>>, vector<1x16xf32>,
      %get3A_71 = arith.index_cast %scan3A_44 : i32 to index
      %get3A_72 = arith.constant 32 : index
      %get3A_73 = tpu.vector_load %arg7[%get3A_71, %get3A_72] {strides = array<i32>} : memref<32x1024xf32, #tpu.memory_space<vmem>>, vector<1x16xf32>,
      %get3A_74 = vector.shape_cast %get3A_73 : vector<1x16xf32> to vector<16xf32>
      %get3A_75 = arith.index_cast %scan3A_44 : i32 to index
      %get3A_76 = arith.constant 32 : index
      %get3A_77 = tpu.vector_load %arg8[%get3A_75, %get3A_76] {strides = array<i32>} : memref<32x1024xf32, #tpu.memory_space<vmem>>, vector<1x16xf32>,
      %get3A_78 = vector.shape_cast %get3A_77 : vector<1x16xf32> to vector<16xf32>
      %add3A_79 = arith.addf %get3A_74, %get3A_78 : vector<16xf32>
      %swap3A_80 = arith.index_cast %scan3A_44 : i32 to index
      %swap3A_81 = arith.constant 32 : index
      %swap3A_82 = tpu.vector_load %arg9[%swap3A_80, %swap3A_81] {strides = array<i32>} : memref<32x1024xf32, #tpu.memory_space<vmem>>, vector<1x16xf32>,
      %swap3A_83 = vector.shape_cast %swap3A_82 : vector<1x16xf32> to vector<16xf32>
      %swap3A_84 = vector.shape_cast %add3A_79 : vector<16xf32> to vector<1x16xf32>
      tpu.vector_store %arg9[%swap3A_80, %swap3A_81], %swap3A_84 {strides = array<i32>} : memref<32x1024xf32, #tpu.memory_space<vmem>>, vector<1x16xf32>,
      %get3A_85 = arith.index_cast %scan3A_44 : i32 to index
      %get3A_86 = arith.constant 48 : index
      %get3A_87 = tpu.vector_load %arg7[%get3A_85, %get3A_86] {strides = array<i32>} : memref<32x1024xf32, #tpu.memory_space<vmem>>, vector<1x16xf32>,
      %get3A_88 = vector.shape_cast %get3A_87 : vector<1x16xf32> to vector<16xf32>
      %get3A_89 = arith.index_cast %scan3A_44 : i32 to index
      %get3A_90 = arith.constant 48 : index
      %get3A_91 = tpu.vector_load %arg8[%get3A_89, %get3A_90] {strides = array<i32>} : memref<32x1024xf32, #tpu.memory_space<vmem>>, vector<1x16xf32>,
      %get3A_92 = vector.shape_cast %get3A_91 : vector<1x16xf32> to vector<16xf32>
      %add3A_93 = arith.addf %get3A_88, %get3A_92 : vector<16xf32>
      %swap3A_94 = arith.index_cast %scan3A_44 : i32 to index
      %swap3A_95 = arith.constant 48 : index
      %swap3A_96 = tpu.vector_load %arg9[%swap3A_94, %swap3A_95] {strides = array<i32>} : memref<32x1024xf32, #tpu.memory_space<vmem>>, vector<1x16xf32>,
      %swap3A_97 = vector.shape_cast %swap3A_96 : vector<1x16xf32> to vector<16xf32>
      %swap3A_98 = vector.shape_cast %add3A_93 : vector<16xf32> to vector<1x16xf32>
      tpu.vector_store %arg9[%swap3A_94, %swap3A_95], %swap3A_98 {strides = array<i32>} : memref<32x1024xf32, #tpu.memory_space<vmem>>, vector<1x16xf32>,
      %get3A_99 = arith.index_cast %scan3A_44 : i32 to index
      %get3A_100 = arith.constant 64 : index
      %get3A_101 = tpu.vector_load %arg7[%get3A_99, %get3A_100] {strides = array<i32>} : memref<32x1024xf32, #tpu.memory_space<vmem>>, vector<1x16xf32>,
      %get3A_102 = vector.shape_cast %get3A_101 : vector<1x16xf32> to vector<16xf32>
      %get3A_103 = arith.index_cast %scan3A_44 : i32 to index
      %get3A_104 = arith.constant 64 : index
      %get3A_105 = tpu.vector_load %arg8[%get3A_103, %get3A_104] {strides = array<i32>} : memref<32x1024xf32, #tpu.memory_space<vmem>>, vector<1x16xf32>,
      %get3A_106 = vector.shape_cast %get3A_105 : vector<1x16xf32> to vector<16xf32>
      %add3A_107 = arith.addf %get3A_102, %get3A_106 : vector<16xf32>
      %swap3A_108 = arith.index_cast %scan3A_44 : i32 to index
      %swap3A_109 = arith.constant 64 : index
      %swap3A_110 = tpu.vector_load %arg9[%swap3A_108, %swap3A_109] {strides = array<i32>} : memref<32x1024xf32, #tpu.memory_space<vmem>>, vector<1x16xf32>,
      %swap3A_111 = vector.shape_cast %swap3A_110 : vector<1x16xf32> to vector<16xf32>
      %swap3A_112 = vector.shape_cast %add3A_107 : vector<16xf32> to vector<1x16xf32>
      tpu.vector_store %arg9[%swap3A_108, %swap3A_109], %swap3A_112 {strides = array<i32>} : memref<32x1024xf32, #tpu.memory_space<vmem>>, vector<1x16xf32>,
      %get3A_113 = arith.index_cast %scan3A_44 : i32 to index
      %get3A_114 = arith.constant 80 : index
      %get3A_115 = tpu.vector_load %arg7[%get3A_113, %get3A_114] {strides = array<i32>} : memref<32x1024xf32, #tpu.memory_space<vmem>>, vector<1x16xf32>,
      %get3A_116 = vector.shape_cast %get3A_115 : vector<1x16xf32> to vector<16xf32>
      %get3A_117 = arith.index_cast %scan3A_44 : i32 to index
      %get3A_118 = arith.constant 80 : index
      %get3A_119 = tpu.vector_load %arg8[%get3A_117, %get3A_118] {strides = array<i32>} : memref<32x1024xf32, #tpu.memory_space<vmem>>, vector<1x16xf32>,
      %get3A_120 = vector.shape_cast %get3A_119 : vector<1x16xf32> to vector<16xf32>
      %add3A_121 = arith.addf %get3A_116, %get3A_120 : vector<16xf32>
      %swap3A_122 = arith.index_cast %scan3A_44 : i32 to index
      %swap3A_123 = arith.constant 80 : index
      %swap3A_124 = tpu.vector_load %arg9[%swap3A_122, %swap3A_123] {strides = array<i32>} : memref<32x1024xf32, #tpu.memory_space<vmem>>, vector<1x16xf32>,
      %swap3A_125 = vector.shape_cast %swap3A_124 : vector<1x16xf32> to vector<16xf32>
      %swap3A_126 = vector.shape_cast %add3A_121 : vector<16xf32> to vector<1x16xf32>
      tpu.vector_store %arg9[%swap3A_122, %swap3A_123], %swap3A_126 {strides = array<i32>} : memref<32x1024xf32, #tpu.memory_space<vmem>>, vector<1x16xf32>,
      %get3A_127 = arith.index_cast %scan3A_44 : i32 to index
      %get3A_128 = arith.constant 96 : index
      %get3A_129 = tpu.vector_load %arg7[%get3A_127, %get3A_128] {strides = array<i32>} : memref<32x1024xf32, #tpu.memory_space<vmem>>, vector<1x16xf32>,
      %get3A_130 = vector.shape_cast %get3A_129 : vector<1x16xf32> to vector<16xf32>
      %get3A_131 = arith.index_cast %scan3A_44 : i32 to index
      %get3A_132 = arith.constant 96 : index
      %get3A_133 = tpu.vector_load %arg8[%get3A_131, %get3A_132] {strides = array<i32>} : memref<32x1024xf32, #tpu.memory_space<vmem>>, vector<1x16xf32>,
      %get3A_134 = vector.shape_cast %get3A_133 : vector<1x16xf32> to vector<16xf32>
      %add3A_135 = arith.addf %get3A_130, %get3A_134 : vector<16xf32>
      %swap3A_136 = arith.index_cast %scan3A_44 : i32 to index
      %swap3A_137 = arith.constant 96 : index
      %swap3A_138 = tpu.vector_load %arg9[%swap3A_136, %swap3A_137] {strides = array<i32>} : memref<32x1024xf32, #tpu.memory_space<vmem>>, vector<1x16xf32>,
      %swap3A_139 = vector.shape_cast %swap3A_138 : vector<1x16xf32> to vector<16xf32>
      %swap3A_140 = vector.shape_cast %add3A_135 : vector<16xf32> to vector<1x16xf32>
      tpu.vector_store %arg9[%swap3A_136, %swap3A_137], %swap3A_140 {strides = array<i32>} : memref<32x1024xf32, #tpu.memory_space<vmem>>, vector<1x16xf32>,
      %get3A_141 = arith.index_cast %scan3A_44 : i32 to index
      %get3A_142 = arith.constant 112 : index
      %get3A_143 = tpu.vector_load %arg7[%get3A_141, %get3A_142] {strides = array<i32>} : memref<32x1024xf32, #tpu.memory_space<vmem>>, vector<1x16xf32>,
      %get3A_144 = vector.shape_cast %get3A_143 : vector<1x16xf32> to vector<16xf32>
      %get3A_145 = arith.index_cast %scan3A_44 : i32 to index
      %get3A_146 = arith.constant 112 : index
      %get3A_147 = tpu.vector_load %arg8[%get3A_145, %get3A_146] {strides = array<i32>} : memref<32x1024xf32, #tpu.memory_space<vmem>>, vector<1x16xf32>,
      %get3A_148 = vector.shape_cast %get3A_147 : vector<1x16xf32> to vector<16xf32>
      %add3A_149 = arith.addf %get3A_144, %get3A_148 : vector<16xf32>
      %swap3A_150 = arith.index_cast %scan3A_44 : i32 to index
      %swap3A_151 = arith.constant 112 : index
      %swap3A_152 = tpu.vector_load %arg9[%swap3A_150, %swap3A_151] {strides = array<i32>} : memref<32x1024xf32, #tpu.memory_space<vmem>>, vector<1x16xf32>,
      %swap3A_153 = vector.shape_cast %swap3A_152 : vector<1x16xf32> to vector<16xf32>
      %swap3A_154 = vector.shape_cast %add3A_149 : vector<16xf32> to vector<1x16xf32>
      tpu.vector_store %arg9[%swap3A_150, %swap3A_151], %swap3A_154 {strides = array<i32>} : memref<32x1024xf32, #tpu.memory_space<vmem>>, vector<1x16xf32>,
      %get3A_155 = arith.index_cast %scan3A_44 : i32 to index
      %get3A_156 = arith.constant 128 : index
      %get3A_157 = tpu.vector_load %arg7[%get3A_155, %get3A_156] {strides = array<i32>} : memref<32x1024xf32, #tpu.memory_space<vmem>>, vector<1x16xf32>,
      %get3A_158 = vector.shape_cast %get3A_157 : vector<1x16xf32> to vector<16xf32>
      %get3A_159 = arith.index_cast %scan3A_44 : i32 to index
      %get3A_160 = arith.constant 128 : index
      %get3A_161 = tpu.vector_load %arg8[%get3A_159, %get3A_160] {strides = array<i32>} : memref<32x1024xf32, #tpu.memory_space<vmem>>, vector<1x16xf32>,
      %get3A_162 = vector.shape_cast %get3A_161 : vector<1x16xf32> to vector<16xf32>
      %add3A_163 = arith.addf %get3A_158, %get3A_162 : vector<16xf32>
      %swap3A_164 = arith.index_cast %scan3A_44 : i32 to index
      %swap3A_165 = arith.constant 128 : index
      %swap3A_166 = tpu.vector_load %arg9[%swap3A_164, %swap3A_165] {strides = array<i32>} : memref<32x1024xf32, #tpu.memory_space<vmem>>, vector<1x16xf32>,
      %swap3A_167 = vector.shape_cast %swap3A_166 : vector<1x16xf32> to vector<16xf32>
      %swap3A_168 = vector.shape_cast %add3A_163 : vector<16xf32> to vector<1x16xf32>
      tpu.vector_store %arg9[%swap3A_164, %swap3A_165], %swap3A_168 {strides = array<i32>} : memref<32x1024xf32, #tpu.memory_space<vmem>>, vector<1x16xf32>,
      %get3A_169 = arith.index_cast %scan3A_44 : i32 to index
      %get3A_170 = arith.constant 144 : index
      %get3A_171 = tpu.vector_load %arg7[%get3A_169, %get3A_170] {strides = array<i32>} : memref<32x1024xf32, #tpu.memory_space<vmem>>, vector<1x16xf32>,
      %get3A_172 = vector.shape_cast %get3A_171 : vector<1x16xf32> to vector<16xf32>
      %get3A_173 = arith.index_cast %scan3A_44 : i32 to index
      %get3A_174 = arith.constant 144 : index
      %get3A_175 = tpu.vector_load %arg8[%get3A_173, %get3A_174] {strides = array<i32>} : memref<32x1024xf32, #tpu.memory_space<vmem>>, vector<1x16xf32>,
      %get3A_176 = vector.shape_cast %get3A_175 : vector<1x16xf32> to vector<16xf32>
      %add3A_177 = arith.addf %get3A_172, %get3A_176 : vector<16xf32>
      %swap3A_178 = arith.index_cast %scan3A_44 : i32 to index
      %swap3A_179 = arith.constant 144 : index
      %swap3A_180 = tpu.vector_load %arg9[%swap3A_178, %swap3A_179] {strides = array<i32>} : memref<32x1024xf32, #tpu.memory_space<vmem>>, vector<1x16xf32>,
      %swap3A_181 = vector.shape_cast %swap3A_180 : vector<1x16xf32> to vector<16xf32>
      %swap3A_182 = vector.shape_cast %add3A_177 : vector<16xf32> to vector<1x16xf32>
      tpu.vector_store %arg9[%swap3A_178, %swap3A_179], %swap3A_182 {strides = array<i32>} : memref<32x1024xf32, #tpu.memory_space<vmem>>, vector<1x16xf32>,
      %get3A_183 = arith.index_cast %scan3A_44 : i32 to index
      %get3A_184 = arith.constant 160 : index
      %get3A_185 = tpu.vector_load %arg7[%get3A_183, %get3A_184] {strides = array<i32>} : memref<32x1024xf32, #tpu.memory_space<vmem>>, vector<1x16xf32>,
      %get3A_186 = vector.shape_cast %get3A_185 : vector<1x16xf32> to vector<16xf32>
      %get3A_187 = arith.index_cast %scan3A_44 : i32 to index
      %get3A_188 = arith.constant 160 : index
      %get3A_189 = tpu.vector_load %arg8[%get3A_187, %get3A_188] {strides = array<i32>} : memref<32x1024xf32, #tpu.memory_space<vmem>>, vector<1x16xf32>,
      %get3A_190 = vector.shape_cast %get3A_189 : vector<1x16xf32> to vector<16xf32>
      %add3A_191 = arith.addf %get3A_186, %get3A_190 : vector<16xf32>
      %swap3A_192 = arith.index_cast %scan3A_44 : i32 to index
      %swap3A_193 = arith.constant 160 : index
      %swap3A_194 = tpu.vector_load %arg9[%swap3A_192, %swap3A_193] {strides = array<i32>} : memref<32x1024xf32, #tpu.memory_space<vmem>>, vector<1x16xf32>,
      %swap3A_195 = vector.shape_cast %swap3A_194 : vector<1x16xf32> to vector<16xf32>
      %swap3A_196 = vector.shape_cast %add3A_191 : vector<16xf32> to vector<1x16xf32>
      tpu.vector_store %arg9[%swap3A_192, %swap3A_193], %swap3A_196 {strides = array<i32>} : memref<32x1024xf32, #tpu.memory_space<vmem>>, vector<1x16xf32>,
      %get3A_197 = arith.index_cast %scan3A_44 : i32 to index
      %get3A_198 = arith.constant 176 : index
      %get3A_199 = tpu.vector_load %arg7[%get3A_197, %get3A_198] {strides = array<i32>} : memref<32x1024xf32, #tpu.memory_space<vmem>>, vector<1x16xf32>,
      %get3A_200 = vector.shape_cast %get3A_199 : vector<1x16xf32> to vector<16xf32>
      %get3A_201 = arith.index_cast %scan3A_44 : i32 to index
      %get3A_202 = arith.constant 176 : index
      %get3A_203 = tpu.vector_load %arg8[%get3A_201, %get3A_202] {strides = array<i32>} : memref<32x1024xf32, #tpu.memory_space<vmem>>, vector<1x16xf32>,
      %get3A_204 = vector.shape_cast %get3A_203 : vector<1x16xf32> to vector<16xf32>
      %add3A_205 = arith.addf %get3A_200, %get3A_204 : vector<16xf32>
      %swap3A_206 = arith.index_cast %scan3A_44 : i32 to index
      %swap3A_207 = arith.constant 176 : index
      %swap3A_208 = tpu.vector_load %arg9[%swap3A_206, %swap3A_207] {strides = array<i32>} : memref<32x1024xf32, #tpu.memory_space<vmem>>, vector<1x16xf32>,
      %swap3A_209 = vector.shape_cast %swap3A_208 : vector<1x16xf32> to vector<16xf32>
      %swap3A_210 = vector.shape_cast %add3A_205 : vector<16xf32> to vector<1x16xf32>
      tpu.vector_store %arg9[%swap3A_206, %swap3A_207], %swap3A_210 {strides = array<i32>} : memref<32x1024xf32, #tpu.memory_space<vmem>>, vector<1x16xf32>,
      %get3A_211 = arith.index_cast %scan3A_44 : i32 to index
      %get3A_212 = arith.constant 192 : index
      %get3A_213 = tpu.vector_load %arg7[%get3A_211, %get3A_212] {strides = array<i32>} : memref<32x1024xf32, #tpu.memory_space<vmem>>, vector<1x16xf32>,
      %get3A_214 = vector.shape_cast %get3A_213 : vector<1x16xf32> to vector<16xf32>
      %get3A_215 = arith.index_cast %scan3A_44 : i32 to index
      %get3A_216 = arith.constant 192 : index
      %get3A_217 = tpu.vector_load %arg8[%get3A_215, %get3A_216] {strides = array<i32>} : memref<32x1024xf32, #tpu.memory_space<vmem>>, vector<1x16xf32>,
      %get3A_218 = vector.shape_cast %get3A_217 : vector<1x16xf32> to vector<16xf32>
      %add3A_219 = arith.addf %get3A_214, %get3A_218 : vector<16xf32>
      %swap3A_220 = arith.index_cast %scan3A_44 : i32 to index
      %swap3A_221 = arith.constant 192 : index
      %swap3A_222 = tpu.vector_load %arg9[%swap3A_220, %swap3A_221] {strides = array<i32>} : memref<32x1024xf32, #tpu.memory_space<vmem>>, vector<1x16xf32>,
      %swap3A_223 = vector.shape_cast %swap3A_222 : vector<1x16xf32> to vector<16xf32>
      %swap3A_224 = vector.shape_cast %add3A_219 : vector<16xf32> to vector<1x16xf32>
      tpu.vector_store %arg9[%swap3A_220, %swap3A_221], %swap3A_224 {strides = array<i32>} : memref<32x1024xf32, #tpu.memory_space<vmem>>, vector<1x16xf32>,
      %get3A_225 = arith.index_cast %scan3A_44 : i32 to index
      %get3A_226 = arith.constant 208 : index
      %get3A_227 = tpu.vector_load %arg7[%get3A_225, %get3A_226] {strides = array<i32>} : memref<32x1024xf32, #tpu.memory_space<vmem>>, vector<1x16xf32>,
      %get3A_228 = vector.shape_cast %get3A_227 : vector<1x16xf32> to vector<16xf32>
      %get3A_229 = arith.index_cast %scan3A_44 : i32 to index
      %get3A_230 = arith.constant 208 : index
      %get3A_231 = tpu.vector_load %arg8[%get3A_229, %get3A_230] {strides = array<i32>} : memref<32x1024xf32, #tpu.memory_space<vmem>>, vector<1x16xf32>,
      %get3A_232 = vector.shape_cast %get3A_231 : vector<1x16xf32> to vector<16xf32>
      %add3A_233 = arith.addf %get3A_228, %get3A_232 : vector<16xf32>
      %swap3A_234 = arith.index_cast %scan3A_44 : i32 to index
      %swap3A_235 = arith.constant 208 : index
      %swap3A_236 = tpu.vector_load %arg9[%swap3A_234, %swap3A_235] {strides = array<i32>} : memref<32x1024xf32, #tpu.memory_space<vmem>>, vector<1x16xf32>,
      %swap3A_237 = vector.shape_cast %swap3A_236 : vector<1x16xf32> to vector<16xf32>
      %swap3A_238 = vector.shape_cast %add3A_233 : vector<16xf32> to vector<1x16xf32>
      tpu.vector_store %arg9[%swap3A_234, %swap3A_235], %swap3A_238 {strides = array<i32>} : memref<32x1024xf32, #tpu.memory_space<vmem>>, vector<1x16xf32>,
      %get3A_239 = arith.index_cast %scan3A_44 : i32 to index
      %get3A_240 = arith.constant 224 : index
      %get3A_241 = tpu.vector_load %arg7[%get3A_239, %get3A_240] {strides = array<i32>} : memref<32x1024xf32, #tpu.memory_space<vmem>>, vector<1x16xf32>,
      %get3A_242 = vector.shape_cast %get3A_241 : vector<1x16xf32> to vector<16xf32>
      %get3A_243 = arith.index_cast %scan3A_44 : i32 to index
      %get3A_244 = arith.constant 224 : index
      %get3A_245 = tpu.vector_load %arg8[%get3A_243, %get3A_244] {strides = array<i32>} : memref<32x1024xf32, #tpu.memory_space<vmem>>, vector<1x16xf32>,
      %get3A_246 = vector.shape_cast %get3A_245 : vector<1x16xf32> to vector<16xf32>
      %add3A_247 = arith.addf %get3A_242, %get3A_246 : vector<16xf32>
      %swap3A_248 = arith.index_cast %scan3A_44 : i32 to index
      %swap3A_249 = arith.constant 224 : index
      %swap3A_250 = tpu.vector_load %arg9[%swap3A_248, %swap3A_249] {strides = array<i32>} : memref<32x1024xf32, #tpu.memory_space<vmem>>, vector<1x16xf32>,
      %swap3A_251 = vector.shape_cast %swap3A_250 : vector<1x16xf32> to vector<16xf32>
      %swap3A_252 = vector.shape_cast %add3A_247 : vector<16xf32> to vector<1x16xf32>
      tpu.vector_store %arg9[%swap3A_248, %swap3A_249], %swap3A_252 {strides = array<i32>} : memref<32x1024xf32, #tpu.memory_space<vmem>>, vector<1x16xf32>,
      %get3A_253 = arith.index_cast %scan3A_44 : i32 to index
      %get3A_254 = arith.constant 240 : index
      %get3A_255 = tpu.vector_load %arg7[%get3A_253, %get3A_254] {strides = array<i32>} : memref<32x1024xf32, #tpu.memory_space<vmem>>, vector<1x16xf32>,
      %get3A_256 = vector.shape_cast %get3A_255 : vector<1x16xf32> to vector<16xf32>
      %get3A_257 = arith.index_cast %scan3A_44 : i32 to index
      %get3A_258 = arith.constant 240 : index
      %get3A_259 = tpu.vector_load %arg8[%get3A_257, %get3A_258] {strides = array<i32>} : memref<32x1024xf32, #tpu.memory_space<vmem>>, vector<1x16xf32>,
      %get3A_260 = vector.shape_cast %get3A_259 : vector<1x16xf32> to vector<16xf32>
      %add3A_261 = arith.addf %get3A_256, %get3A_260 : vector<16xf32>
      %swap3A_262 = arith.index_cast %scan3A_44 : i32 to index
      %swap3A_263 = arith.constant 240 : index
      %swap3A_264 = tpu.vector_load %arg9[%swap3A_262, %swap3A_263] {strides = array<i32>} : memref<32x1024xf32, #tpu.memory_space<vmem>>, vector<1x16xf32>,
      %swap3A_265 = vector.shape_cast %swap3A_264 : vector<1x16xf32> to vector<16xf32>
      %swap3A_266 = vector.shape_cast %add3A_261 : vector<16xf32> to vector<1x16xf32>
      tpu.vector_store %arg9[%swap3A_262, %swap3A_263], %swap3A_266 {strides = array<i32>} : memref<32x1024xf32, #tpu.memory_space<vmem>>, vector<1x16xf32>,
      %get3A_267 = arith.index_cast %scan3A_44 : i32 to index
      %get3A_268 = arith.constant 256 : index
      %get3A_269 = tpu.vector_load %arg7[%get3A_267, %get3A_268] {strides = array<i32>} : memref<32x1024xf32, #tpu.memory_space<vmem>>, vector<1x16xf32>,
      %get3A_270 = vector.shape_cast %get3A_269 : vector<1x16xf32> to vector<16xf32>
      %get3A_271 = arith.index_cast %scan3A_44 : i32 to index
      %get3A_272 = arith.constant 256 : index
      %get3A_273 = tpu.vector_load %arg8[%get3A_271, %get3A_272] {strides = array<i32>} : memref<32x1024xf32, #tpu.memory_space<vmem>>, vector<1x16xf32>,
      %get3A_274 = vector.shape_cast %get3A_273 : vector<1x16xf32> to vector<16xf32>
      %add3A_275 = arith.addf %get3A_270, %get3A_274 : vector<16xf32>
      %swap3A_276 = arith.index_cast %scan3A_44 : i32 to index
      %swap3A_277 = arith.constant 256 : index
      %swap3A_278 = tpu.vector_load %arg9[%swap3A_276, %swap3A_277] {strides = array<i32>} : memref<32x1024xf32, #tpu.memory_space<vmem>>, vector<1x16xf32>,
      %swap3A_279 = vector.shape_cast %swap3A_278 : vector<1x16xf32> to vector<16xf32>
      %swap3A_280 = vector.shape_cast %add3A_275 : vector<16xf32> to vector<1x16xf32>
      tpu.vector_store %arg9[%swap3A_276, %swap3A_277], %swap3A_280 {strides = array<i32>} : memref<32x1024xf32, #tpu.memory_space<vmem>>, vector<1x16xf32>,
      %get3A_281 = arith.index_cast %scan3A_44 : i32 to index
      %get3A_282 = arith.constant 272 : index
      %get3A_283 = tpu.vector_load %arg7[%get3A_281, %get3A_282] {strides = array<i32>} : memref<32x1024xf32, #tpu.memory_space<vmem>>, vector<1x16xf32>,
      %get3A_284 = vector.shape_cast %get3A_283 : vector<1x16xf32> to vector<16xf32>
      %get3A_285 = arith.index_cast %scan3A_44 : i32 to index
      %get3A_286 = arith.constant 272 : index
      %get3A_287 = tpu.vector_load %arg8[%get3A_285, %get3A_286] {strides = array<i32>} : memref<32x1024xf32, #tpu.memory_space<vmem>>, vector<1x16xf32>,
      %get3A_288 = vector.shape_cast %get3A_287 : vector<1x16xf32> to vector<16xf32>
      %add3A_289 = arith.addf %get3A_284, %get3A_288 : vector<16xf32>
      %swap3A_290 = arith.index_cast %scan3A_44 : i32 to index
      %swap3A_291 = arith.constant 272 : index
      %swap3A_292 = tpu.vector_load %arg9[%swap3A_290, %swap3A_291] {strides = array<i32>} : memref<32x1024xf32, #tpu.memory_space<vmem>>, vector<1x16xf32>,
      %swap3A_293 = vector.shape_cast %swap3A_292 : vector<1x16xf32> to vector<16xf32>
      %swap3A_294 = vector.shape_cast %add3A_289 : vector<16xf32> to vector<1x16xf32>
      tpu.vector_store %arg9[%swap3A_290, %swap3A_291], %swap3A_294 {strides = array<i32>} : memref<32x1024xf32, #tpu.memory_space<vmem>>, vector<1x16xf32>,
      %get3A_295 = arith.index_cast %scan3A_44 : i32 to index
      %get3A_296 = arith.constant 288 : index
      %get3A_297 = tpu.vector_load %arg7[%get3A_295, %get3A_296] {strides = array<i32>} : memref<32x1024xf32, #tpu.memory_space<vmem>>, vector<1x16xf32>,
      %get3A_298 = vector.shape_cast %get3A_297 : vector<1x16xf32> to vector<16xf32>
      %get3A_299 = arith.index_cast %scan3A_44 : i32 to index
      %get3A_300 = arith.constant 288 : index
      %get3A_301 = tpu.vector_load %arg8[%get3A_299, %get3A_300] {strides = array<i32>} : memref<32x1024xf32, #tpu.memory_space<vmem>>, vector<1x16xf32>,
      %get3A_302 = vector.shape_cast %get3A_301 : vector<1x16xf32> to vector<16xf32>
      %add3A_303 = arith.addf %get3A_298, %get3A_302 : vector<16xf32>
      %swap3A_304 = arith.index_cast %scan3A_44 : i32 to index
      %swap3A_305 = arith.constant 288 : index
      %swap3A_306 = tpu.vector_load %arg9[%swap3A_304, %swap3A_305] {strides = array<i32>} : memref<32x1024xf32, #tpu.memory_space<vmem>>, vector<1x16xf32>,
      %swap3A_307 = vector.shape_cast %swap3A_306 : vector<1x16xf32> to vector<16xf32>
      %swap3A_308 = vector.shape_cast %add3A_303 : vector<16xf32> to vector<1x16xf32>
      tpu.vector_store %arg9[%swap3A_304, %swap3A_305], %swap3A_308 {strides = array<i32>} : memref<32x1024xf32, #tpu.memory_space<vmem>>, vector<1x16xf32>,
      %get3A_309 = arith.index_cast %scan3A_44 : i32 to index
      %get3A_310 = arith.constant 304 : index
      %get3A_311 = tpu.vector_load %arg7[%get3A_309, %get3A_310] {strides = array<i32>} : memref<32x1024xf32, #tpu.memory_space<vmem>>, vector<1x16xf32>,
      %get3A_312 = vector.shape_cast %get3A_311 : vector<1x16xf32> to vector<16xf32>
      %get3A_313 = arith.index_cast %scan3A_44 : i32 to index
      %get3A_314 = arith.constant 304 : index
      %get3A_315 = tpu.vector_load %arg8[%get3A_313, %get3A_314] {strides = array<i32>} : memref<32x1024xf32, #tpu.memory_space<vmem>>, vector<1x16xf32>,
      %get3A_316 = vector.shape_cast %get3A_315 : vector<1x16xf32> to vector<16xf32>
      %add3A_317 = arith.addf %get3A_312, %get3A_316 : vector<16xf32>
      %swap3A_318 = arith.index_cast %scan3A_44 : i32 to index
      %swap3A_319 = arith.constant 304 : index
      %swap3A_320 = tpu.vector_load %arg9[%swap3A_318, %swap3A_319] {strides = array<i32>} : memref<32x1024xf32, #tpu.memory_space<vmem>>, vector<1x16xf32>,
      %swap3A_321 = vector.shape_cast %swap3A_320 : vector<1x16xf32> to vector<16xf32>
      %swap3A_322 = vector.shape_cast %add3A_317 : vector<16xf32> to vector<1x16xf32>
      tpu.vector_store %arg9[%swap3A_318, %swap3A_319], %swap3A_322 {strides = array<i32>} : memref<32x1024xf32, #tpu.memory_space<vmem>>, vector<1x16xf32>,
      %get3A_323 = arith.index_cast %scan3A_44 : i32 to index
      %get3A_324 = arith.constant 320 : index
      %get3A_325 = tpu.vector_load %arg7[%get3A_323, %get3A_324] {strides = array<i32>} : memref<32x1024xf32, #tpu.memory_space<vmem>>, vector<1x16xf32>,
      %get3A_326 = vector.shape_cast %get3A_325 : vector<1x16xf32> to vector<16xf32>
      %get3A_327 = arith.index_cast %scan3A_44 : i32 to index
      %get3A_328 = arith.constant 320 : index
      %get3A_329 = tpu.vector_load %arg8[%get3A_327, %get3A_328] {strides = array<i32>} : memref<32x1024xf32, #tpu.memory_space<vmem>>, vector<1x16xf32>,
      %get3A_330 = vector.shape_cast %get3A_329 : vector<1x16xf32> to vector<16xf32>
      %add3A_331 = arith.addf %get3A_326, %get3A_330 : vector<16xf32>
      %swap3A_332 = arith.index_cast %scan3A_44 : i32 to index
      %swap3A_333 = arith.constant 320 : index
      %swap3A_334 = tpu.vector_load %arg9[%swap3A_332, %swap3A_333] {strides = array<i32>} : memref<32x1024xf32, #tpu.memory_space<vmem>>, vector<1x16xf32>,
      %swap3A_335 = vector.shape_cast %swap3A_334 : vector<1x16xf32> to vector<16xf32>
      %swap3A_336 = vector.shape_cast %add3A_331 : vector<16xf32> to vector<1x16xf32>
      tpu.vector_store %arg9[%swap3A_332, %swap3A_333], %swap3A_336 {strides = array<i32>} : memref<32x1024xf32, #tpu.memory_space<vmem>>, vector<1x16xf32>,
      %get3A_337 = arith.index_cast %scan3A_44 : i32 to index
      %get3A_338 = arith.constant 336 : index
      %get3A_339 = tpu.vector_load %arg7[%get3A_337, %get3A_338] {strides = array<i32>} : memref<32x1024xf32, #tpu.memory_space<vmem>>, vector<1x16xf32>,
      %get3A_340 = vector.shape_cast %get3A_339 : vector<1x16xf32> to vector<16xf32>
      %get3A_341 = arith.index_cast %scan3A_44 : i32 to index
      %get3A_342 = arith.constant 336 : index
      %get3A_343 = tpu.vector_load %arg8[%get3A_341, %get3A_342] {strides = array<i32>} : memref<32x1024xf32, #tpu.memory_space<vmem>>, vector<1x16xf32>,
      %get3A_344 = vector.shape_cast %get3A_343 : vector<1x16xf32> to vector<16xf32>
      %add3A_345 = arith.addf %get3A_340, %get3A_344 : vector<16xf32>
      %swap3A_346 = arith.index_cast %scan3A_44 : i32 to index
      %swap3A_347 = arith.constant 336 : index
      %swap3A_348 = tpu.vector_load %arg9[%swap3A_346, %swap3A_347] {strides = array<i32>} : memref<32x1024xf32, #tpu.memory_space<vmem>>, vector<1x16xf32>,
      %swap3A_349 = vector.shape_cast %swap3A_348 : vector<1x16xf32> to vector<16xf32>
      %swap3A_350 = vector.shape_cast %add3A_345 : vector<16xf32> to vector<1x16xf32>
      tpu.vector_store %arg9[%swap3A_346, %swap3A_347], %swap3A_350 {strides = array<i32>} : memref<32x1024xf32, #tpu.memory_space<vmem>>, vector<1x16xf32>,
      %get3A_351 = arith.index_cast %scan3A_44 : i32 to index
      %get3A_352 = arith.constant 352 : index
      %get3A_353 = tpu.vector_load %arg7[%get3A_351, %get3A_352] {strides = array<i32>} : memref<32x1024xf32, #tpu.memory_space<vmem>>, vector<1x16xf32>,
      %get3A_354 = vector.shape_cast %get3A_353 : vector<1x16xf32> to vector<16xf32>
      %get3A_355 = arith.index_cast %scan3A_44 : i32 to index
      %get3A_356 = arith.constant 352 : index
      %get3A_357 = tpu.vector_load %arg8[%get3A_355, %get3A_356] {strides = array<i32>} : memref<32x1024xf32, #tpu.memory_space<vmem>>, vector<1x16xf32>,
      %get3A_358 = vector.shape_cast %get3A_357 : vector<1x16xf32> to vector<16xf32>
      %add3A_359 = arith.addf %get3A_354, %get3A_358 : vector<16xf32>
      %swap3A_360 = arith.index_cast %scan3A_44 : i32 to index
      %swap3A_361 = arith.constant 352 : index
      %swap3A_362 = tpu.vector_load %arg9[%swap3A_360, %swap3A_361] {strides = array<i32>} : memref<32x1024xf32, #tpu.memory_space<vmem>>, vector<1x16xf32>,
      %swap3A_363 = vector.shape_cast %swap3A_362 : vector<1x16xf32> to vector<16xf32>
      %swap3A_364 = vector.shape_cast %add3A_359 : vector<16xf32> to vector<1x16xf32>
      tpu.vector_store %arg9[%swap3A_360, %swap3A_361], %swap3A_364 {strides = array<i32>} : memref<32x1024xf32, #tpu.memory_space<vmem>>, vector<1x16xf32>,
      %get3A_365 = arith.index_cast %scan3A_44 : i32 to index
      %get3A_366 = arith.constant 368 : index
      %get3A_367 = tpu.vector_load %arg7[%get3A_365, %get3A_366] {strides = array<i32>} : memref<32x1024xf32, #tpu.memory_space<vmem>>, vector<1x16xf32>,
      %get3A_368 = vector.shape_cast %get3A_367 : vector<1x16xf32> to vector<16xf32>
      %get3A_369 = arith.index_cast %scan3A_44 : i32 to index
      %get3A_370 = arith.constant 368 : index
      %get3A_371 = tpu.vector_load %arg8[%get3A_369, %get3A_370] {strides = array<i32>} : memref<32x1024xf32, #tpu.memory_space<vmem>>, vector<1x16xf32>,
      %get3A_372 = vector.shape_cast %get3A_371 : vector<1x16xf32> to vector<16xf32>
      %add3A_373 = arith.addf %get3A_368, %get3A_372 : vector<16xf32>
      %swap3A_374 = arith.index_cast %scan3A_44 : i32 to index
      %swap3A_375 = arith.constant 368 : index
      %swap3A_376 = tpu.vector_load %arg9[%swap3A_374, %swap3A_375] {strides = array<i32>} : memref<32x1024xf32, #tpu.memory_space<vmem>>, vector<1x16xf32>,
      %swap3A_377 = vector.shape_cast %swap3A_376 : vector<1x16xf32> to vector<16xf32>
      %swap3A_378 = vector.shape_cast %add3A_373 : vector<16xf32> to vector<1x16xf32>
      tpu.vector_store %arg9[%swap3A_374, %swap3A_375], %swap3A_378 {strides = array<i32>} : memref<32x1024xf32, #tpu.memory_space<vmem>>, vector<1x16xf32>,
      %get3A_379 = arith.index_cast %scan3A_44 : i32 to index
      %get3A_380 = arith.constant 384 : index
      %get3A_381 = tpu.vector_load %arg7[%get3A_379, %get3A_380] {strides = array<i32>} : memref<32x1024xf32, #tpu.memory_space<vmem>>, vector<1x16xf32>,
      %get3A_382 = vector.shape_cast %get3A_381 : vector<1x16xf32> to vector<16xf32>
      %get3A_383 = arith.index_cast %scan3A_44 : i32 to index
      %get3A_384 = arith.constant 384 : index
      %get3A_385 = tpu.vector_load %arg8[%get3A_383, %get3A_384] {strides = array<i32>} : memref<32x1024xf32, #tpu.memory_space<vmem>>, vector<1x16xf32>,
      %get3A_386 = vector.shape_cast %get3A_385 : vector<1x16xf32> to vector<16xf32>
      %add3A_387 = arith.addf %get3A_382, %get3A_386 : vector<16xf32>
      %swap3A_388 = arith.index_cast %scan3A_44 : i32 to index
      %swap3A_389 = arith.constant 384 : index
      %swap3A_390 = tpu.vector_load %arg9[%swap3A_388, %swap3A_389] {strides = array<i32>} : memref<32x1024xf32, #tpu.memory_space<vmem>>, vector<1x16xf32>,
      %swap3A_391 = vector.shape_cast %swap3A_390 : vector<1x16xf32> to vector<16xf32>
      %swap3A_392 = vector.shape_cast %add3A_387 : vector<16xf32> to vector<1x16xf32>
      tpu.vector_store %arg9[%swap3A_388, %swap3A_389], %swap3A_392 {strides = array<i32>} : memref<32x1024xf32, #tpu.memory_space<vmem>>, vector<1x16xf32>,
      %get3A_393 = arith.index_cast %scan3A_44 : i32 to index
      %get3A_394 = arith.constant 400 : index
      %get3A_395 = tpu.vector_load %arg7[%get3A_393, %get3A_394] {strides = array<i32>} : memref<32x1024xf32, #tpu.memory_space<vmem>>, vector<1x16xf32>,
      %get3A_396 = vector.shape_cast %get3A_395 : vector<1x16xf32> to vector<16xf32>
      %get3A_397 = arith.index_cast %scan3A_44 : i32 to index
      %get3A_398 = arith.constant 400 : index
      %get3A_399 = tpu.vector_load %arg8[%get3A_397, %get3A_398] {strides = array<i32>} : memref<32x1024xf32, #tpu.memory_space<vmem>>, vector<1x16xf32>,
      %get3A_400 = vector.shape_cast %get3A_399 : vector<1x16xf32> to vector<16xf32>
      %add3A_401 = arith.addf %get3A_396, %get3A_400 : vector<16xf32>
      %swap3A_402 = arith.index_cast %scan3A_44 : i32 to index
      %swap3A_403 = arith.constant 400 : index
      %swap3A_404 = tpu.vector_load %arg9[%swap3A_402, %swap3A_403] {strides = array<i32>} : memref<32x1024xf32, #tpu.memory_space<vmem>>, vector<1x16xf32>,
      %swap3A_405 = vector.shape_cast %swap3A_404 : vector<1x16xf32> to vector<16xf32>
      %swap3A_406 = vector.shape_cast %add3A_401 : vector<16xf32> to vector<1x16xf32>
      tpu.vector_store %arg9[%swap3A_402, %swap3A_403], %swap3A_406 {strides = array<i32>} : memref<32x1024xf32, #tpu.memory_space<vmem>>, vector<1x16xf32>,
      %get3A_407 = arith.index_cast %scan3A_44 : i32 to index
      %get3A_408 = arith.constant 416 : index
      %get3A_409 = tpu.vector_load %arg7[%get3A_407, %get3A_408] {strides = array<i32>} : memref<32x1024xf32, #tpu.memory_space<vmem>>, vector<1x16xf32>,
      %get3A_410 = vector.shape_cast %get3A_409 : vector<1x16xf32> to vector<16xf32>
      %get3A_411 = arith.index_cast %scan3A_44 : i32 to index
      %get3A_412 = arith.constant 416 : index
      %get3A_413 = tpu.vector_load %arg8[%get3A_411, %get3A_412] {strides = array<i32>} : memref<32x1024xf32, #tpu.memory_space<vmem>>, vector<1x16xf32>,
      %get3A_414 = vector.shape_cast %get3A_413 : vector<1x16xf32> to vector<16xf32>
      %add3A_415 = arith.addf %get3A_410, %get3A_414 : vector<16xf32>
      %swap3A_416 = arith.index_cast %scan3A_44 : i32 to index
      %swap3A_417 = arith.constant 416 : index
      %swap3A_418 = tpu.vector_load %arg9[%swap3A_416, %swap3A_417] {strides = array<i32>} : memref<32x1024xf32, #tpu.memory_space<vmem>>, vector<1x16xf32>,
      %swap3A_419 = vector.shape_cast %swap3A_418 : vector<1x16xf32> to vector<16xf32>
      %swap3A_420 = vector.shape_cast %add3A_415 : vector<16xf32> to vector<1x16xf32>
      tpu.vector_store %arg9[%swap3A_416, %swap3A_417], %swap3A_420 {strides = array<i32>} : memref<32x1024xf32, #tpu.memory_space<vmem>>, vector<1x16xf32>,
      %get3A_421 = arith.index_cast %scan3A_44 : i32 to index
      %get3A_422 = arith.constant 432 : index
      %get3A_423 = tpu.vector_load %arg7[%get3A_421, %get3A_422] {strides = array<i32>} : memref<32x1024xf32, #tpu.memory_space<vmem>>, vector<1x16xf32>,
      %get3A_424 = vector.shape_cast %get3A_423 : vector<1x16xf32> to vector<16xf32>
      %get3A_425 = arith.index_cast %scan3A_44 : i32 to index
      %get3A_426 = arith.constant 432 : index
      %get3A_427 = tpu.vector_load %arg8[%get3A_425, %get3A_426] {strides = array<i32>} : memref<32x1024xf32, #tpu.memory_space<vmem>>, vector<1x16xf32>,
      %get3A_428 = vector.shape_cast %get3A_427 : vector<1x16xf32> to vector<16xf32>
      %add3A_429 = arith.addf %get3A_424, %get3A_428 : vector<16xf32>
      %swap3A_430 = arith.index_cast %scan3A_44 : i32 to index
      %swap3A_431 = arith.constant 432 : index
      %swap3A_432 = tpu.vector_load %arg9[%swap3A_430, %swap3A_431] {strides = array<i32>} : memref<32x1024xf32, #tpu.memory_space<vmem>>, vector<1x16xf32>,
      %swap3A_433 = vector.shape_cast %swap3A_432 : vector<1x16xf32> to vector<16xf32>
      %swap3A_434 = vector.shape_cast %add3A_429 : vector<16xf32> to vector<1x16xf32>
      tpu.vector_store %arg9[%swap3A_430, %swap3A_431], %swap3A_434 {strides = array<i32>} : memref<32x1024xf32, #tpu.memory_space<vmem>>, vector<1x16xf32>,
      %get3A_435 = arith.index_cast %scan3A_44 : i32 to index
      %get3A_436 = arith.constant 448 : index
      %get3A_437 = tpu.vector_load %arg7[%get3A_435, %get3A_436] {strides = array<i32>} : memref<32x1024xf32, #tpu.memory_space<vmem>>, vector<1x16xf32>,
      %get3A_438 = vector.shape_cast %get3A_437 : vector<1x16xf32> to vector<16xf32>
      %get3A_439 = arith.index_cast %scan3A_44 : i32 to index
      %get3A_440 = arith.constant 448 : index
      %get3A_441 = tpu.vector_load %arg8[%get3A_439, %get3A_440] {strides = array<i32>} : memref<32x1024xf32, #tpu.memory_space<vmem>>, vector<1x16xf32>,
      %get3A_442 = vector.shape_cast %get3A_441 : vector<1x16xf32> to vector<16xf32>
      %add3A_443 = arith.addf %get3A_438, %get3A_442 : vector<16xf32>
      %swap3A_444 = arith.index_cast %scan3A_44 : i32 to index
      %swap3A_445 = arith.constant 448 : index
      %swap3A_446 = tpu.vector_load %arg9[%swap3A_444, %swap3A_445] {strides = array<i32>} : memref<32x1024xf32, #tpu.memory_space<vmem>>, vector<1x16xf32>,
      %swap3A_447 = vector.shape_cast %swap3A_446 : vector<1x16xf32> to vector<16xf32>
      %swap3A_448 = vector.shape_cast %add3A_443 : vector<16xf32> to vector<1x16xf32>
      tpu.vector_store %arg9[%swap3A_444, %swap3A_445], %swap3A_448 {strides = array<i32>} : memref<32x1024xf32, #tpu.memory_space<vmem>>, vector<1x16xf32>,
      %get3A_449 = arith.index_cast %scan3A_44 : i32 to index
      %get3A_450 = arith.constant 464 : index
      %get3A_451 = tpu.vector_load %arg7[%get3A_449, %get3A_450] {strides = array<i32>} : memref<32x1024xf32, #tpu.memory_space<vmem>>, vector<1x16xf32>,
      %get3A_452 = vector.shape_cast %get3A_451 : vector<1x16xf32> to vector<16xf32>
      %get3A_453 = arith.index_cast %scan3A_44 : i32 to index
      %get3A_454 = arith.constant 464 : index
      %get3A_455 = tpu.vector_load %arg8[%get3A_453, %get3A_454] {strides = array<i32>} : memref<32x1024xf32, #tpu.memory_space<vmem>>, vector<1x16xf32>,
      %get3A_456 = vector.shape_cast %get3A_455 : vector<1x16xf32> to vector<16xf32>
      %add3A_457 = arith.addf %get3A_452, %get3A_456 : vector<16xf32>
      %swap3A_458 = arith.index_cast %scan3A_44 : i32 to index
      %swap3A_459 = arith.constant 464 : index
      %swap3A_460 = tpu.vector_load %arg9[%swap3A_458, %swap3A_459] {strides = array<i32>} : memref<32x1024xf32, #tpu.memory_space<vmem>>, vector<1x16xf32>,
      %swap3A_461 = vector.shape_cast %swap3A_460 : vector<1x16xf32> to vector<16xf32>
      %swap3A_462 = vector.shape_cast %add3A_457 : vector<16xf32> to vector<1x16xf32>
      tpu.vector_store %arg9[%swap3A_458, %swap3A_459], %swap3A_462 {strides = array<i32>} : memref<32x1024xf32, #tpu.memory_space<vmem>>, vector<1x16xf32>,
      %get3A_463 = arith.index_cast %scan3A_44 : i32 to index
      %get3A_464 = arith.constant 480 : index
      %get3A_465 = tpu.vector_load %arg7[%get3A_463, %get3A_464] {strides = array<i32>} : memref<32x1024xf32, #tpu.memory_space<vmem>>, vector<1x16xf32>,
      %get3A_466 = vector.shape_cast %get3A_465 : vector<1x16xf32> to vector<16xf32>
      %get3A_467 = arith.index_cast %scan3A_44 : i32 to index
      %get3A_468 = arith.constant 480 : index
      %get3A_469 = tpu.vector_load %arg8[%get3A_467, %get3A_468] {strides = array<i32>} : memref<32x1024xf32, #tpu.memory_space<vmem>>, vector<1x16xf32>,
      %get3A_470 = vector.shape_cast %get3A_469 : vector<1x16xf32> to vector<16xf32>
      %add3A_471 = arith.addf %get3A_466, %get3A_470 : vector<16xf32>
      %swap3A_472 = arith.index_cast %scan3A_44 : i32 to index
      %swap3A_473 = arith.constant 480 : index
      %swap3A_474 = tpu.vector_load %arg9[%swap3A_472, %swap3A_473] {strides = array<i32>} : memref<32x1024xf32, #tpu.memory_space<vmem>>, vector<1x16xf32>,
      %swap3A_475 = vector.shape_cast %swap3A_474 : vector<1x16xf32> to vector<16xf32>
      %swap3A_476 = vector.shape_cast %add3A_471 : vector<16xf32> to vector<1x16xf32>
      tpu.vector_store %arg9[%swap3A_472, %swap3A_473], %swap3A_476 {strides = array<i32>} : memref<32x1024xf32, #tpu.memory_space<vmem>>, vector<1x16xf32>,
      %get3A_477 = arith.index_cast %scan3A_44 : i32 to index
      %get3A_478 = arith.constant 496 : index
      %get3A_479 = tpu.vector_load %arg7[%get3A_477, %get3A_478] {strides = array<i32>} : memref<32x1024xf32, #tpu.memory_space<vmem>>, vector<1x16xf32>,
      %get3A_480 = vector.shape_cast %get3A_479 : vector<1x16xf32> to vector<16xf32>
      %get3A_481 = arith.index_cast %scan3A_44 : i32 to index
      %get3A_482 = arith.constant 496 : index
      %get3A_483 = tpu.vector_load %arg8[%get3A_481, %get3A_482] {strides = array<i32>} : memref<32x1024xf32, #tpu.memory_space<vmem>>, vector<1x16xf32>,
      %get3A_484 = vector.shape_cast %get3A_483 : vector<1x16xf32> to vector<16xf32>
      %add3A_485 = arith.addf %get3A_480, %get3A_484 : vector<16xf32>
      %swap3A_486 = arith.index_cast %scan3A_44 : i32 to index
      %swap3A_487 = arith.constant 496 : index
      %swap3A_488 = tpu.vector_load %arg9[%swap3A_486, %swap3A_487] {strides = array<i32>} : memref<32x1024xf32, #tpu.memory_space<vmem>>, vector<1x16xf32>,
      %swap3A_489 = vector.shape_cast %swap3A_488 : vector<1x16xf32> to vector<16xf32>
      %swap3A_490 = vector.shape_cast %add3A_485 : vector<16xf32> to vector<1x16xf32>
      tpu.vector_store %arg9[%swap3A_486, %swap3A_487], %swap3A_490 {strides = array<i32>} : memref<32x1024xf32, #tpu.memory_space<vmem>>, vector<1x16xf32>,
      %get3A_491 = arith.index_cast %scan3A_44 : i32 to index
      %get3A_492 = arith.constant 512 : index
      %get3A_493 = tpu.vector_load %arg7[%get3A_491, %get3A_492] {strides = array<i32>} : memref<32x1024xf32, #tpu.memory_space<vmem>>, vector<1x16xf32>,
      %get3A_494 = vector.shape_cast %get3A_493 : vector<1x16xf32> to vector<16xf32>
      %get3A_495 = arith.index_cast %scan3A_44 : i32 to index
      %get3A_496 = arith.constant 512 : index
      %get3A_497 = tpu.vector_load %arg8[%get3A_495, %get3A_496] {strides = array<i32>} : memref<32x1024xf32, #tpu.memory_space<vmem>>, vector<1x16xf32>,
      %get3A_498 = vector.shape_cast %get3A_497 : vector<1x16xf32> to vector<16xf32>
      %add3A_499 = arith.addf %get3A_494, %get3A_498 : vector<16xf32>
      %swap3A_500 = arith.index_cast %scan3A_44 : i32 to index
      %swap3A_501 = arith.constant 512 : index
      %swap3A_502 = tpu.vector_load %arg9[%swap3A_500, %swap3A_501] {strides = array<i32>} : memref<32x1024xf32, #tpu.memory_space<vmem>>, vector<1x16xf32>,
      %swap3A_503 = vector.shape_cast %swap3A_502 : vector<1x16xf32> to vector<16xf32>
      %swap3A_504 = vector.shape_cast %add3A_499 : vector<16xf32> to vector<1x16xf32>
      tpu.vector_store %arg9[%swap3A_500, %swap3A_501], %swap3A_504 {strides = array<i32>} : memref<32x1024xf32, #tpu.memory_space<vmem>>, vector<1x16xf32>,
      %get3A_505 = arith.index_cast %scan3A_44 : i32 to index
      %get3A_506 = arith.constant 528 : index
      %get3A_507 = tpu.vector_load %arg7[%get3A_505, %get3A_506] {strides = array<i32>} : memref<32x1024xf32, #tpu.memory_space<vmem>>, vector<1x16xf32>,
      %get3A_508 = vector.shape_cast %get3A_507 : vector<1x16xf32> to vector<16xf32>
      %get3A_509 = arith.index_cast %scan3A_44 : i32 to index
      %get3A_510 = arith.constant 528 : index
      %get3A_511 = tpu.vector_load %arg8[%get3A_509, %get3A_510] {strides = array<i32>} : memref<32x1024xf32, #tpu.memory_space<vmem>>, vector<1x16xf32>,
      %get3A_512 = vector.shape_cast %get3A_511 : vector<1x16xf32> to vector<16xf32>
      %add3A_513 = arith.addf %get3A_508, %get3A_512 : vector<16xf32>
      %swap3A_514 = arith.index_cast %scan3A_44 : i32 to index
      %swap3A_515 = arith.constant 528 : index
      %swap3A_516 = tpu.vector_load %arg9[%swap3A_514, %swap3A_515] {strides = array<i32>} : memref<32x1024xf32, #tpu.memory_space<vmem>>, vector<1x16xf32>,
      %swap3A_517 = vector.shape_cast %swap3A_516 : vector<1x16xf32> to vector<16xf32>
      %swap3A_518 = vector.shape_cast %add3A_513 : vector<16xf32> to vector<1x16xf32>
      tpu.vector_store %arg9[%swap3A_514, %swap3A_515], %swap3A_518 {strides = array<i32>} : memref<32x1024xf32, #tpu.memory_space<vmem>>, vector<1x16xf32>,
      %get3A_519 = arith.index_cast %scan3A_44 : i32 to index
      %get3A_520 = arith.constant 544 : index
      %get3A_521 = tpu.vector_load %arg7[%get3A_519, %get3A_520] {strides = array<i32>} : memref<32x1024xf32, #tpu.memory_space<vmem>>, vector<1x16xf32>,
      %get3A_522 = vector.shape_cast %get3A_521 : vector<1x16xf32> to vector<16xf32>
      %get3A_523 = arith.index_cast %scan3A_44 : i32 to index
      %get3A_524 = arith.constant 544 : index
      %get3A_525 = tpu.vector_load %arg8[%get3A_523, %get3A_524] {strides = array<i32>} : memref<32x1024xf32, #tpu.memory_space<vmem>>, vector<1x16xf32>,
      %get3A_526 = vector.shape_cast %get3A_525 : vector<1x16xf32> to vector<16xf32>
      %add3A_527 = arith.addf %get3A_522, %get3A_526 : vector<16xf32>
      %swap3A_528 = arith.index_cast %scan3A_44 : i32 to index
      %swap3A_529 = arith.constant 544 : index
      %swap3A_530 = tpu.vector_load %arg9[%swap3A_528, %swap3A_529] {strides = array<i32>} : memref<32x1024xf32, #tpu.memory_space<vmem>>, vector<1x16xf32>,
      %swap3A_531 = vector.shape_cast %swap3A_530 : vector<1x16xf32> to vector<16xf32>
      %swap3A_532 = vector.shape_cast %add3A_527 : vector<16xf32> to vector<1x16xf32>
      tpu.vector_store %arg9[%swap3A_528, %swap3A_529], %swap3A_532 {strides = array<i32>} : memref<32x1024xf32, #tpu.memory_space<vmem>>, vector<1x16xf32>,
      %get3A_533 = arith.index_cast %scan3A_44 : i32 to index
      %get3A_534 = arith.constant 560 : index
      %get3A_535 = tpu.vector_load %arg7[%get3A_533, %get3A_534] {strides = array<i32>} : memref<32x1024xf32, #tpu.memory_space<vmem>>, vector<1x16xf32>,
      %get3A_536 = vector.shape_cast %get3A_535 : vector<1x16xf32> to vector<16xf32>
      %get3A_537 = arith.index_cast %scan3A_44 : i32 to index
      %get3A_538 = arith.constant 560 : index
      %get3A_539 = tpu.vector_load %arg8[%get3A_537, %get3A_538] {strides = array<i32>} : memref<32x1024xf32, #tpu.memory_space<vmem>>, vector<1x16xf32>,
      %get3A_540 = vector.shape_cast %get3A_539 : vector<1x16xf32> to vector<16xf32>
      %add3A_541 = arith.addf %get3A_536, %get3A_540 : vector<16xf32>
      %swap3A_542 = arith.index_cast %scan3A_44 : i32 to index
      %swap3A_543 = arith.constant 560 : index
      %swap3A_544 = tpu.vector_load %arg9[%swap3A_542, %swap3A_543] {strides = array<i32>} : memref<32x1024xf32, #tpu.memory_space<vmem>>, vector<1x16xf32>,
      %swap3A_545 = vector.shape_cast %swap3A_544 : vector<1x16xf32> to vector<16xf32>
      %swap3A_546 = vector.shape_cast %add3A_541 : vector<16xf32> to vector<1x16xf32>
      tpu.vector_store %arg9[%swap3A_542, %swap3A_543], %swap3A_546 {strides = array<i32>} : memref<32x1024xf32, #tpu.memory_space<vmem>>, vector<1x16xf32>,
      %get3A_547 = arith.index_cast %scan3A_44 : i32 to index
      %get3A_548 = arith.constant 576 : index
      %get3A_549 = tpu.vector_load %arg7[%get3A_547, %get3A_548] {strides = array<i32>} : memref<32x1024xf32, #tpu.memory_space<vmem>>, vector<1x16xf32>,
      %get3A_550 = vector.shape_cast %get3A_549 : vector<1x16xf32> to vector<16xf32>
      %get3A_551 = arith.index_cast %scan3A_44 : i32 to index
      %get3A_552 = arith.constant 576 : index
      %get3A_553 = tpu.vector_load %arg8[%get3A_551, %get3A_552] {strides = array<i32>} : memref<32x1024xf32, #tpu.memory_space<vmem>>, vector<1x16xf32>,
      %get3A_554 = vector.shape_cast %get3A_553 : vector<1x16xf32> to vector<16xf32>
      %add3A_555 = arith.addf %get3A_550, %get3A_554 : vector<16xf32>
      %swap3A_556 = arith.index_cast %scan3A_44 : i32 to index
      %swap3A_557 = arith.constant 576 : index
      %swap3A_558 = tpu.vector_load %arg9[%swap3A_556, %swap3A_557] {strides = array<i32>} : memref<32x1024xf32, #tpu.memory_space<vmem>>, vector<1x16xf32>,
      %swap3A_559 = vector.shape_cast %swap3A_558 : vector<1x16xf32> to vector<16xf32>
      %swap3A_560 = vector.shape_cast %add3A_555 : vector<16xf32> to vector<1x16xf32>
      tpu.vector_store %arg9[%swap3A_556, %swap3A_557], %swap3A_560 {strides = array<i32>} : memref<32x1024xf32, #tpu.memory_space<vmem>>, vector<1x16xf32>,
      %get3A_561 = arith.index_cast %scan3A_44 : i32 to index
      %get3A_562 = arith.constant 592 : index
      %get3A_563 = tpu.vector_load %arg7[%get3A_561, %get3A_562] {strides = array<i32>} : memref<32x1024xf32, #tpu.memory_space<vmem>>, vector<1x16xf32>,
      %get3A_564 = vector.shape_cast %get3A_563 : vector<1x16xf32> to vector<16xf32>
      %get3A_565 = arith.index_cast %scan3A_44 : i32 to index
      %get3A_566 = arith.constant 592 : index
      %get3A_567 = tpu.vector_load %arg8[%get3A_565, %get3A_566] {strides = array<i32>} : memref<32x1024xf32, #tpu.memory_space<vmem>>, vector<1x16xf32>,
      %get3A_568 = vector.shape_cast %get3A_567 : vector<1x16xf32> to vector<16xf32>
      %add3A_569 = arith.addf %get3A_564, %get3A_568 : vector<16xf32>
      %swap3A_570 = arith.index_cast %scan3A_44 : i32 to index
      %swap3A_571 = arith.constant 592 : index
      %swap3A_572 = tpu.vector_load %arg9[%swap3A_570, %swap3A_571] {strides = array<i32>} : memref<32x1024xf32, #tpu.memory_space<vmem>>, vector<1x16xf32>,
      %swap3A_573 = vector.shape_cast %swap3A_572 : vector<1x16xf32> to vector<16xf32>
      %swap3A_574 = vector.shape_cast %add3A_569 : vector<16xf32> to vector<1x16xf32>
      tpu.vector_store %arg9[%swap3A_570, %swap3A_571], %swap3A_574 {strides = array<i32>} : memref<32x1024xf32, #tpu.memory_space<vmem>>, vector<1x16xf32>,
      %get3A_575 = arith.index_cast %scan3A_44 : i32 to index
      %get3A_576 = arith.constant 608 : index
      %get3A_577 = tpu.vector_load %arg7[%get3A_575, %get3A_576] {strides = array<i32>} : memref<32x1024xf32, #tpu.memory_space<vmem>>, vector<1x16xf32>,
      %get3A_578 = vector.shape_cast %get3A_577 : vector<1x16xf32> to vector<16xf32>
      %get3A_579 = arith.index_cast %scan3A_44 : i32 to index
      %get3A_580 = arith.constant 608 : index
      %get3A_581 = tpu.vector_load %arg8[%get3A_579, %get3A_580] {strides = array<i32>} : memref<32x1024xf32, #tpu.memory_space<vmem>>, vector<1x16xf32>,
      %get3A_582 = vector.shape_cast %get3A_581 : vector<1x16xf32> to vector<16xf32>
      %add3A_583 = arith.addf %get3A_578, %get3A_582 : vector<16xf32>
      %swap3A_584 = arith.index_cast %scan3A_44 : i32 to index
      %swap3A_585 = arith.constant 608 : index
      %swap3A_586 = tpu.vector_load %arg9[%swap3A_584, %swap3A_585] {strides = array<i32>} : memref<32x1024xf32, #tpu.memory_space<vmem>>, vector<1x16xf32>,
      %swap3A_587 = vector.shape_cast %swap3A_586 : vector<1x16xf32> to vector<16xf32>
      %swap3A_588 = vector.shape_cast %add3A_583 : vector<16xf32> to vector<1x16xf32>
      tpu.vector_store %arg9[%swap3A_584, %swap3A_585], %swap3A_588 {strides = array<i32>} : memref<32x1024xf32, #tpu.memory_space<vmem>>, vector<1x16xf32>,
      %get3A_589 = arith.index_cast %scan3A_44 : i32 to index
      %get3A_590 = arith.constant 624 : index
      %get3A_591 = tpu.vector_load %arg7[%get3A_589, %get3A_590] {strides = array<i32>} : memref<32x1024xf32, #tpu.memory_space<vmem>>, vector<1x16xf32>,
      %get3A_592 = vector.shape_cast %get3A_591 : vector<1x16xf32> to vector<16xf32>
      %get3A_593 = arith.index_cast %scan3A_44 : i32 to index
      %get3A_594 = arith.constant 624 : index
      %get3A_595 = tpu.vector_load %arg8[%get3A_593, %get3A_594] {strides = array<i32>} : memref<32x1024xf32, #tpu.memory_space<vmem>>, vector<1x16xf32>,
      %get3A_596 = vector.shape_cast %get3A_595 : vector<1x16xf32> to vector<16xf32>
      %add3A_597 = arith.addf %get3A_592, %get3A_596 : vector<16xf32>
      %swap3A_598 = arith.index_cast %scan3A_44 : i32 to index
      %swap3A_599 = arith.constant 624 : index
      %swap3A_600 = tpu.vector_load %arg9[%swap3A_598, %swap3A_599] {strides = array<i32>} : memref<32x1024xf32, #tpu.memory_space<vmem>>, vector<1x16xf32>,
      %swap3A_601 = vector.shape_cast %swap3A_600 : vector<1x16xf32> to vector<16xf32>
      %swap3A_602 = vector.shape_cast %add3A_597 : vector<16xf32> to vector<1x16xf32>
      tpu.vector_store %arg9[%swap3A_598, %swap3A_599], %swap3A_602 {strides = array<i32>} : memref<32x1024xf32, #tpu.memory_space<vmem>>, vector<1x16xf32>,
      %get3A_603 = arith.index_cast %scan3A_44 : i32 to index
      %get3A_604 = arith.constant 640 : index
      %get3A_605 = tpu.vector_load %arg7[%get3A_603, %get3A_604] {strides = array<i32>} : memref<32x1024xf32, #tpu.memory_space<vmem>>, vector<1x16xf32>,
      %get3A_606 = vector.shape_cast %get3A_605 : vector<1x16xf32> to vector<16xf32>
      %get3A_607 = arith.index_cast %scan3A_44 : i32 to index
      %get3A_608 = arith.constant 640 : index
      %get3A_609 = tpu.vector_load %arg8[%get3A_607, %get3A_608] {strides = array<i32>} : memref<32x1024xf32, #tpu.memory_space<vmem>>, vector<1x16xf32>,
      %get3A_610 = vector.shape_cast %get3A_609 : vector<1x16xf32> to vector<16xf32>
      %add3A_611 = arith.addf %get3A_606, %get3A_610 : vector<16xf32>
      %swap3A_612 = arith.index_cast %scan3A_44 : i32 to index
      %swap3A_613 = arith.constant 640 : index
      %swap3A_614 = tpu.vector_load %arg9[%swap3A_612, %swap3A_613] {strides = array<i32>} : memref<32x1024xf32, #tpu.memory_space<vmem>>, vector<1x16xf32>,
      %swap3A_615 = vector.shape_cast %swap3A_614 : vector<1x16xf32> to vector<16xf32>
      %swap3A_616 = vector.shape_cast %add3A_611 : vector<16xf32> to vector<1x16xf32>
      tpu.vector_store %arg9[%swap3A_612, %swap3A_613], %swap3A_616 {strides = array<i32>} : memref<32x1024xf32, #tpu.memory_space<vmem>>, vector<1x16xf32>,
      %get3A_617 = arith.index_cast %scan3A_44 : i32 to index
      %get3A_618 = arith.constant 656 : index
      %get3A_619 = tpu.vector_load %arg7[%get3A_617, %get3A_618] {strides = array<i32>} : memref<32x1024xf32, #tpu.memory_space<vmem>>, vector<1x16xf32>,
      %get3A_620 = vector.shape_cast %get3A_619 : vector<1x16xf32> to vector<16xf32>
      %get3A_621 = arith.index_cast %scan3A_44 : i32 to index
      %get3A_622 = arith.constant 656 : index
      %get3A_623 = tpu.vector_load %arg8[%get3A_621, %get3A_622] {strides = array<i32>} : memref<32x1024xf32, #tpu.memory_space<vmem>>, vector<1x16xf32>,
      %get3A_624 = vector.shape_cast %get3A_623 : vector<1x16xf32> to vector<16xf32>
      %add3A_625 = arith.addf %get3A_620, %get3A_624 : vector<16xf32>
      %swap3A_626 = arith.index_cast %scan3A_44 : i32 to index
      %swap3A_627 = arith.constant 656 : index
      %swap3A_628 = tpu.vector_load %arg9[%swap3A_626, %swap3A_627] {strides = array<i32>} : memref<32x1024xf32, #tpu.memory_space<vmem>>, vector<1x16xf32>,
      %swap3A_629 = vector.shape_cast %swap3A_628 : vector<1x16xf32> to vector<16xf32>
      %swap3A_630 = vector.shape_cast %add3A_625 : vector<16xf32> to vector<1x16xf32>
      tpu.vector_store %arg9[%swap3A_626, %swap3A_627], %swap3A_630 {strides = array<i32>} : memref<32x1024xf32, #tpu.memory_space<vmem>>, vector<1x16xf32>,
      %get3A_631 = arith.index_cast %scan3A_44 : i32 to index
      %get3A_632 = arith.constant 672 : index
      %get3A_633 = tpu.vector_load %arg7[%get3A_631, %get3A_632] {strides = array<i32>} : memref<32x1024xf32, #tpu.memory_space<vmem>>, vector<1x16xf32>,
      %get3A_634 = vector.shape_cast %get3A_633 : vector<1x16xf32> to vector<16xf32>
      %get3A_635 = arith.index_cast %scan3A_44 : i32 to index
      %get3A_636 = arith.constant 672 : index
      %get3A_637 = tpu.vector_load %arg8[%get3A_635, %get3A_636] {strides = array<i32>} : memref<32x1024xf32, #tpu.memory_space<vmem>>, vector<1x16xf32>,
      %get3A_638 = vector.shape_cast %get3A_637 : vector<1x16xf32> to vector<16xf32>
      %add3A_639 = arith.addf %get3A_634, %get3A_638 : vector<16xf32>
      %swap3A_640 = arith.index_cast %scan3A_44 : i32 to index
      %swap3A_641 = arith.constant 672 : index
      %swap3A_642 = tpu.vector_load %arg9[%swap3A_640, %swap3A_641] {strides = array<i32>} : memref<32x1024xf32, #tpu.memory_space<vmem>>, vector<1x16xf32>,
      %swap3A_643 = vector.shape_cast %swap3A_642 : vector<1x16xf32> to vector<16xf32>
      %swap3A_644 = vector.shape_cast %add3A_639 : vector<16xf32> to vector<1x16xf32>
      tpu.vector_store %arg9[%swap3A_640, %swap3A_641], %swap3A_644 {strides = array<i32>} : memref<32x1024xf32, #tpu.memory_space<vmem>>, vector<1x16xf32>,
      %get3A_645 = arith.index_cast %scan3A_44 : i32 to index
      %get3A_646 = arith.constant 688 : index
      %get3A_647 = tpu.vector_load %arg7[%get3A_645, %get3A_646] {strides = array<i32>} : memref<32x1024xf32, #tpu.memory_space<vmem>>, vector<1x16xf32>,
      %get3A_648 = vector.shape_cast %get3A_647 : vector<1x16xf32> to vector<16xf32>
      %get3A_649 = arith.index_cast %scan3A_44 : i32 to index
      %get3A_650 = arith.constant 688 : index
      %get3A_651 = tpu.vector_load %arg8[%get3A_649, %get3A_650] {strides = array<i32>} : memref<32x1024xf32, #tpu.memory_space<vmem>>, vector<1x16xf32>,
      %get3A_652 = vector.shape_cast %get3A_651 : vector<1x16xf32> to vector<16xf32>
      %add3A_653 = arith.addf %get3A_648, %get3A_652 : vector<16xf32>
      %swap3A_654 = arith.index_cast %scan3A_44 : i32 to index
      %swap3A_655 = arith.constant 688 : index
      %swap3A_656 = tpu.vector_load %arg9[%swap3A_654, %swap3A_655] {strides = array<i32>} : memref<32x1024xf32, #tpu.memory_space<vmem>>, vector<1x16xf32>,
      %swap3A_657 = vector.shape_cast %swap3A_656 : vector<1x16xf32> to vector<16xf32>
      %swap3A_658 = vector.shape_cast %add3A_653 : vector<16xf32> to vector<1x16xf32>
      tpu.vector_store %arg9[%swap3A_654, %swap3A_655], %swap3A_658 {strides = array<i32>} : memref<32x1024xf32, #tpu.memory_space<vmem>>, vector<1x16xf32>,
      %get3A_659 = arith.index_cast %scan3A_44 : i32 to index
      %get3A_660 = arith.constant 704 : index
      %get3A_661 = tpu.vector_load %arg7[%get3A_659, %get3A_660] {strides = array<i32>} : memref<32x1024xf32, #tpu.memory_space<vmem>>, vector<1x16xf32>,
      %get3A_662 = vector.shape_cast %get3A_661 : vector<1x16xf32> to vector<16xf32>
      %get3A_663 = arith.index_cast %scan3A_44 : i32 to index
      %get3A_664 = arith.constant 704 : index
      %get3A_665 = tpu.vector_load %arg8[%get3A_663, %get3A_664] {strides = array<i32>} : memref<32x1024xf32, #tpu.memory_space<vmem>>, vector<1x16xf32>,
      %get3A_666 = vector.shape_cast %get3A_665 : vector<1x16xf32> to vector<16xf32>
      %add3A_667 = arith.addf %get3A_662, %get3A_666 : vector<16xf32>
      %swap3A_668 = arith.index_cast %scan3A_44 : i32 to index
      %swap3A_669 = arith.constant 704 : index
      %swap3A_670 = tpu.vector_load %arg9[%swap3A_668, %swap3A_669] {strides = array<i32>} : memref<32x1024xf32, #tpu.memory_space<vmem>>, vector<1x16xf32>,
      %swap3A_671 = vector.shape_cast %swap3A_670 : vector<1x16xf32> to vector<16xf32>
      %swap3A_672 = vector.shape_cast %add3A_667 : vector<16xf32> to vector<1x16xf32>
      tpu.vector_store %arg9[%swap3A_668, %swap3A_669], %swap3A_672 {strides = array<i32>} : memref<32x1024xf32, #tpu.memory_space<vmem>>, vector<1x16xf32>,
      %get3A_673 = arith.index_cast %scan3A_44 : i32 to index
      %get3A_674 = arith.constant 720 : index
      %get3A_675 = tpu.vector_load %arg7[%get3A_673, %get3A_674] {strides = array<i32>} : memref<32x1024xf32, #tpu.memory_space<vmem>>, vector<1x16xf32>,
      %get3A_676 = vector.shape_cast %get3A_675 : vector<1x16xf32> to vector<16xf32>
      %get3A_677 = arith.index_cast %scan3A_44 : i32 to index
      %get3A_678 = arith.constant 720 : index
      %get3A_679 = tpu.vector_load %arg8[%get3A_677, %get3A_678] {strides = array<i32>} : memref<32x1024xf32, #tpu.memory_space<vmem>>, vector<1x16xf32>,
      %get3A_680 = vector.shape_cast %get3A_679 : vector<1x16xf32> to vector<16xf32>
      %add3A_681 = arith.addf %get3A_676, %get3A_680 : vector<16xf32>
      %swap3A_682 = arith.index_cast %scan3A_44 : i32 to index
      %swap3A_683 = arith.constant 720 : index
      %swap3A_684 = tpu.vector_load %arg9[%swap3A_682, %swap3A_683] {strides = array<i32>} : memref<32x1024xf32, #tpu.memory_space<vmem>>, vector<1x16xf32>,
      %swap3A_685 = vector.shape_cast %swap3A_684 : vector<1x16xf32> to vector<16xf32>
      %swap3A_686 = vector.shape_cast %add3A_681 : vector<16xf32> to vector<1x16xf32>
      tpu.vector_store %arg9[%swap3A_682, %swap3A_683], %swap3A_686 {strides = array<i32>} : memref<32x1024xf32, #tpu.memory_space<vmem>>, vector<1x16xf32>,
      %get3A_687 = arith.index_cast %scan3A_44 : i32 to index
      %get3A_688 = arith.constant 736 : index
      %get3A_689 = tpu.vector_load %arg7[%get3A_687, %get3A_688] {strides = array<i32>} : memref<32x1024xf32, #tpu.memory_space<vmem>>, vector<1x16xf32>,
      %get3A_690 = vector.shape_cast %get3A_689 : vector<1x16xf32> to vector<16xf32>
      %get3A_691 = arith.index_cast %scan3A_44 : i32 to index
      %get3A_692 = arith.constant 736 : index
      %get3A_693 = tpu.vector_load %arg8[%get3A_691, %get3A_692] {strides = array<i32>} : memref<32x1024xf32, #tpu.memory_space<vmem>>, vector<1x16xf32>,
      %get3A_694 = vector.shape_cast %get3A_693 : vector<1x16xf32> to vector<16xf32>
      %add3A_695 = arith.addf %get3A_690, %get3A_694 : vector<16xf32>
      %swap3A_696 = arith.index_cast %scan3A_44 : i32 to index
      %swap3A_697 = arith.constant 736 : index
      %swap3A_698 = tpu.vector_load %arg9[%swap3A_696, %swap3A_697] {strides = array<i32>} : memref<32x1024xf32, #tpu.memory_space<vmem>>, vector<1x16xf32>,
      %swap3A_699 = vector.shape_cast %swap3A_698 : vector<1x16xf32> to vector<16xf32>
      %swap3A_700 = vector.shape_cast %add3A_695 : vector<16xf32> to vector<1x16xf32>
      tpu.vector_store %arg9[%swap3A_696, %swap3A_697], %swap3A_700 {strides = array<i32>} : memref<32x1024xf32, #tpu.memory_space<vmem>>, vector<1x16xf32>,
      %get3A_701 = arith.index_cast %scan3A_44 : i32 to index
      %get3A_702 = arith.constant 752 : index
      %get3A_703 = tpu.vector_load %arg7[%get3A_701, %get3A_702] {strides = array<i32>} : memref<32x1024xf32, #tpu.memory_space<vmem>>, vector<1x16xf32>,
      %get3A_704 = vector.shape_cast %get3A_703 : vector<1x16xf32> to vector<16xf32>
      %get3A_705 = arith.index_cast %scan3A_44 : i32 to index
      %get3A_706 = arith.constant 752 : index
      %get3A_707 = tpu.vector_load %arg8[%get3A_705, %get3A_706] {strides = array<i32>} : memref<32x1024xf32, #tpu.memory_space<vmem>>, vector<1x16xf32>,
      %get3A_708 = vector.shape_cast %get3A_707 : vector<1x16xf32> to vector<16xf32>
      %add3A_709 = arith.addf %get3A_704, %get3A_708 : vector<16xf32>
      %swap3A_710 = arith.index_cast %scan3A_44 : i32 to index
      %swap3A_711 = arith.constant 752 : index
      %swap3A_712 = tpu.vector_load %arg9[%swap3A_710, %swap3A_711] {strides = array<i32>} : memref<32x1024xf32, #tpu.memory_space<vmem>>, vector<1x16xf32>,
      %swap3A_713 = vector.shape_cast %swap3A_712 : vector<1x16xf32> to vector<16xf32>
      %swap3A_714 = vector.shape_cast %add3A_709 : vector<16xf32> to vector<1x16xf32>
      tpu.vector_store %arg9[%swap3A_710, %swap3A_711], %swap3A_714 {strides = array<i32>} : memref<32x1024xf32, #tpu.memory_space<vmem>>, vector<1x16xf32>,
      %get3A_715 = arith.index_cast %scan3A_44 : i32 to index
      %get3A_716 = arith.constant 768 : index
      %get3A_717 = tpu.vector_load %arg7[%get3A_715, %get3A_716] {strides = array<i32>} : memref<32x1024xf32, #tpu.memory_space<vmem>>, vector<1x16xf32>,
      %get3A_718 = vector.shape_cast %get3A_717 : vector<1x16xf32> to vector<16xf32>
      %get3A_719 = arith.index_cast %scan3A_44 : i32 to index
      %get3A_720 = arith.constant 768 : index
      %get3A_721 = tpu.vector_load %arg8[%get3A_719, %get3A_720] {strides = array<i32>} : memref<32x1024xf32, #tpu.memory_space<vmem>>, vector<1x16xf32>,
      %get3A_722 = vector.shape_cast %get3A_721 : vector<1x16xf32> to vector<16xf32>
      %add3A_723 = arith.addf %get3A_718, %get3A_722 : vector<16xf32>
      %swap3A_724 = arith.index_cast %scan3A_44 : i32 to index
      %swap3A_725 = arith.constant 768 : index
      %swap3A_726 = tpu.vector_load %arg9[%swap3A_724, %swap3A_725] {strides = array<i32>} : memref<32x1024xf32, #tpu.memory_space<vmem>>, vector<1x16xf32>,
      %swap3A_727 = vector.shape_cast %swap3A_726 : vector<1x16xf32> to vector<16xf32>
      %swap3A_728 = vector.shape_cast %add3A_723 : vector<16xf32> to vector<1x16xf32>
      tpu.vector_store %arg9[%swap3A_724, %swap3A_725], %swap3A_728 {strides = array<i32>} : memref<32x1024xf32, #tpu.memory_space<vmem>>, vector<1x16xf32>,
      %get3A_729 = arith.index_cast %scan3A_44 : i32 to index
      %get3A_730 = arith.constant 784 : index
      %get3A_731 = tpu.vector_load %arg7[%get3A_729, %get3A_730] {strides = array<i32>} : memref<32x1024xf32, #tpu.memory_space<vmem>>, vector<1x16xf32>,
      %get3A_732 = vector.shape_cast %get3A_731 : vector<1x16xf32> to vector<16xf32>
      %get3A_733 = arith.index_cast %scan3A_44 : i32 to index
      %get3A_734 = arith.constant 784 : index
      %get3A_735 = tpu.vector_load %arg8[%get3A_733, %get3A_734] {strides = array<i32>} : memref<32x1024xf32, #tpu.memory_space<vmem>>, vector<1x16xf32>,
      %get3A_736 = vector.shape_cast %get3A_735 : vector<1x16xf32> to vector<16xf32>
      %add3A_737 = arith.addf %get3A_732, %get3A_736 : vector<16xf32>
      %swap3A_738 = arith.index_cast %scan3A_44 : i32 to index
      %swap3A_739 = arith.constant 784 : index
      %swap3A_740 = tpu.vector_load %arg9[%swap3A_738, %swap3A_739] {strides = array<i32>} : memref<32x1024xf32, #tpu.memory_space<vmem>>, vector<1x16xf32>,
      %swap3A_741 = vector.shape_cast %swap3A_740 : vector<1x16xf32> to vector<16xf32>
      %swap3A_742 = vector.shape_cast %add3A_737 : vector<16xf32> to vector<1x16xf32>
      tpu.vector_store %arg9[%swap3A_738, %swap3A_739], %swap3A_742 {strides = array<i32>} : memref<32x1024xf32, #tpu.memory_space<vmem>>, vector<1x16xf32>,
      %get3A_743 = arith.index_cast %scan3A_44 : i32 to index
      %get3A_744 = arith.constant 800 : index
      %get3A_745 = tpu.vector_load %arg7[%get3A_743, %get3A_744] {strides = array<i32>} : memref<32x1024xf32, #tpu.memory_space<vmem>>, vector<1x16xf32>,
      %get3A_746 = vector.shape_cast %get3A_745 : vector<1x16xf32> to vector<16xf32>
      %get3A_747 = arith.index_cast %scan3A_44 : i32 to index
      %get3A_748 = arith.constant 800 : index
      %get3A_749 = tpu.vector_load %arg8[%get3A_747, %get3A_748] {strides = array<i32>} : memref<32x1024xf32, #tpu.memory_space<vmem>>, vector<1x16xf32>,
      %get3A_750 = vector.shape_cast %get3A_749 : vector<1x16xf32> to vector<16xf32>
      %add3A_751 = arith.addf %get3A_746, %get3A_750 : vector<16xf32>
      %swap3A_752 = arith.index_cast %scan3A_44 : i32 to index
      %swap3A_753 = arith.constant 800 : index
      %swap3A_754 = tpu.vector_load %arg9[%swap3A_752, %swap3A_753] {strides = array<i32>} : memref<32x1024xf32, #tpu.memory_space<vmem>>, vector<1x16xf32>,
      %swap3A_755 = vector.shape_cast %swap3A_754 : vector<1x16xf32> to vector<16xf32>
      %swap3A_756 = vector.shape_cast %add3A_751 : vector<16xf32> to vector<1x16xf32>
      tpu.vector_store %arg9[%swap3A_752, %swap3A_753], %swap3A_756 {strides = array<i32>} : memref<32x1024xf32, #tpu.memory_space<vmem>>, vector<1x16xf32>,
      %get3A_757 = arith.index_cast %scan3A_44 : i32 to index
      %get3A_758 = arith.constant 816 : index
      %get3A_759 = tpu.vector_load %arg7[%get3A_757, %get3A_758] {strides = array<i32>} : memref<32x1024xf32, #tpu.memory_space<vmem>>, vector<1x16xf32>,
      %get3A_760 = vector.shape_cast %get3A_759 : vector<1x16xf32> to vector<16xf32>
      %get3A_761 = arith.index_cast %scan3A_44 : i32 to index
      %get3A_762 = arith.constant 816 : index
      %get3A_763 = tpu.vector_load %arg8[%get3A_761, %get3A_762] {strides = array<i32>} : memref<32x1024xf32, #tpu.memory_space<vmem>>, vector<1x16xf32>,
      %get3A_764 = vector.shape_cast %get3A_763 : vector<1x16xf32> to vector<16xf32>
      %add3A_765 = arith.addf %get3A_760, %get3A_764 : vector<16xf32>
      %swap3A_766 = arith.index_cast %scan3A_44 : i32 to index
      %swap3A_767 = arith.constant 816 : index
      %swap3A_768 = tpu.vector_load %arg9[%swap3A_766, %swap3A_767] {strides = array<i32>} : memref<32x1024xf32, #tpu.memory_space<vmem>>, vector<1x16xf32>,
      %swap3A_769 = vector.shape_cast %swap3A_768 : vector<1x16xf32> to vector<16xf32>
      %swap3A_770 = vector.shape_cast %add3A_765 : vector<16xf32> to vector<1x16xf32>
      tpu.vector_store %arg9[%swap3A_766, %swap3A_767], %swap3A_770 {strides = array<i32>} : memref<32x1024xf32, #tpu.memory_space<vmem>>, vector<1x16xf32>,
      %get3A_771 = arith.index_cast %scan3A_44 : i32 to index
      %get3A_772 = arith.constant 832 : index
      %get3A_773 = tpu.vector_load %arg7[%get3A_771, %get3A_772] {strides = array<i32>} : memref<32x1024xf32, #tpu.memory_space<vmem>>, vector<1x16xf32>,
      %get3A_774 = vector.shape_cast %get3A_773 : vector<1x16xf32> to vector<16xf32>
      %get3A_775 = arith.index_cast %scan3A_44 : i32 to index
      %get3A_776 = arith.constant 832 : index
      %get3A_777 = tpu.vector_load %arg8[%get3A_775, %get3A_776] {strides = array<i32>} : memref<32x1024xf32, #tpu.memory_space<vmem>>, vector<1x16xf32>,
      %get3A_778 = vector.shape_cast %get3A_777 : vector<1x16xf32> to vector<16xf32>
      %add3A_779 = arith.addf %get3A_774, %get3A_778 : vector<16xf32>
      %swap3A_780 = arith.index_cast %scan3A_44 : i32 to index
      %swap3A_781 = arith.constant 832 : index
      %swap3A_782 = tpu.vector_load %arg9[%swap3A_780, %swap3A_781] {strides = array<i32>} : memref<32x1024xf32, #tpu.memory_space<vmem>>, vector<1x16xf32>,
      %swap3A_783 = vector.shape_cast %swap3A_782 : vector<1x16xf32> to vector<16xf32>
      %swap3A_784 = vector.shape_cast %add3A_779 : vector<16xf32> to vector<1x16xf32>
      tpu.vector_store %arg9[%swap3A_780, %swap3A_781], %swap3A_784 {strides = array<i32>} : memref<32x1024xf32, #tpu.memory_space<vmem>>, vector<1x16xf32>,
      %get3A_785 = arith.index_cast %scan3A_44 : i32 to index
      %get3A_786 = arith.constant 848 : index
      %get3A_787 = tpu.vector_load %arg7[%get3A_785, %get3A_786] {strides = array<i32>} : memref<32x1024xf32, #tpu.memory_space<vmem>>, vector<1x16xf32>,
      %get3A_788 = vector.shape_cast %get3A_787 : vector<1x16xf32> to vector<16xf32>
      %get3A_789 = arith.index_cast %scan3A_44 : i32 to index
      %get3A_790 = arith.constant 848 : index
      %get3A_791 = tpu.vector_load %arg8[%get3A_789, %get3A_790] {strides = array<i32>} : memref<32x1024xf32, #tpu.memory_space<vmem>>, vector<1x16xf32>,
      %get3A_792 = vector.shape_cast %get3A_791 : vector<1x16xf32> to vector<16xf32>
      %add3A_793 = arith.addf %get3A_788, %get3A_792 : vector<16xf32>
      %swap3A_794 = arith.index_cast %scan3A_44 : i32 to index
      %swap3A_795 = arith.constant 848 : index
      %swap3A_796 = tpu.vector_load %arg9[%swap3A_794, %swap3A_795] {strides = array<i32>} : memref<32x1024xf32, #tpu.memory_space<vmem>>, vector<1x16xf32>,
      %swap3A_797 = vector.shape_cast %swap3A_796 : vector<1x16xf32> to vector<16xf32>
      %swap3A_798 = vector.shape_cast %add3A_793 : vector<16xf32> to vector<1x16xf32>
      tpu.vector_store %arg9[%swap3A_794, %swap3A_795], %swap3A_798 {strides = array<i32>} : memref<32x1024xf32, #tpu.memory_space<vmem>>, vector<1x16xf32>,
      %get3A_799 = arith.index_cast %scan3A_44 : i32 to index
      %get3A_800 = arith.constant 864 : index
      %get3A_801 = tpu.vector_load %arg7[%get3A_799, %get3A_800] {strides = array<i32>} : memref<32x1024xf32, #tpu.memory_space<vmem>>, vector<1x16xf32>,
      %get3A_802 = vector.shape_cast %get3A_801 : vector<1x16xf32> to vector<16xf32>
      %get3A_803 = arith.index_cast %scan3A_44 : i32 to index
      %get3A_804 = arith.constant 864 : index
      %get3A_805 = tpu.vector_load %arg8[%get3A_803, %get3A_804] {strides = array<i32>} : memref<32x1024xf32, #tpu.memory_space<vmem>>, vector<1x16xf32>,
      %get3A_806 = vector.shape_cast %get3A_805 : vector<1x16xf32> to vector<16xf32>
      %add3A_807 = arith.addf %get3A_802, %get3A_806 : vector<16xf32>
      %swap3A_808 = arith.index_cast %scan3A_44 : i32 to index
      %swap3A_809 = arith.constant 864 : index
      %swap3A_810 = tpu.vector_load %arg9[%swap3A_808, %swap3A_809] {strides = array<i32>} : memref<32x1024xf32, #tpu.memory_space<vmem>>, vector<1x16xf32>,
      %swap3A_811 = vector.shape_cast %swap3A_810 : vector<1x16xf32> to vector<16xf32>
      %swap3A_812 = vector.shape_cast %add3A_807 : vector<16xf32> to vector<1x16xf32>
      tpu.vector_store %arg9[%swap3A_808, %swap3A_809], %swap3A_812 {strides = array<i32>} : memref<32x1024xf32, #tpu.memory_space<vmem>>, vector<1x16xf32>,
      %get3A_813 = arith.index_cast %scan3A_44 : i32 to index
      %get3A_814 = arith.constant 880 : index
      %get3A_815 = tpu.vector_load %arg7[%get3A_813, %get3A_814] {strides = array<i32>} : memref<32x1024xf32, #tpu.memory_space<vmem>>, vector<1x16xf32>,
      %get3A_816 = vector.shape_cast %get3A_815 : vector<1x16xf32> to vector<16xf32>
      %get3A_817 = arith.index_cast %scan3A_44 : i32 to index
      %get3A_818 = arith.constant 880 : index
      %get3A_819 = tpu.vector_load %arg8[%get3A_817, %get3A_818] {strides = array<i32>} : memref<32x1024xf32, #tpu.memory_space<vmem>>, vector<1x16xf32>,
      %get3A_820 = vector.shape_cast %get3A_819 : vector<1x16xf32> to vector<16xf32>
      %add3A_821 = arith.addf %get3A_816, %get3A_820 : vector<16xf32>
      %swap3A_822 = arith.index_cast %scan3A_44 : i32 to index
      %swap3A_823 = arith.constant 880 : index
      %swap3A_824 = tpu.vector_load %arg9[%swap3A_822, %swap3A_823] {strides = array<i32>} : memref<32x1024xf32, #tpu.memory_space<vmem>>, vector<1x16xf32>,
      %swap3A_825 = vector.shape_cast %swap3A_824 : vector<1x16xf32> to vector<16xf32>
      %swap3A_826 = vector.shape_cast %add3A_821 : vector<16xf32> to vector<1x16xf32>
      tpu.vector_store %arg9[%swap3A_822, %swap3A_823], %swap3A_826 {strides = array<i32>} : memref<32x1024xf32, #tpu.memory_space<vmem>>, vector<1x16xf32>,
      %get3A_827 = arith.index_cast %scan3A_44 : i32 to index
      %get3A_828 = arith.constant 896 : index
      %get3A_829 = tpu.vector_load %arg7[%get3A_827, %get3A_828] {strides = array<i32>} : memref<32x1024xf32, #tpu.memory_space<vmem>>, vector<1x16xf32>,
      %get3A_830 = vector.shape_cast %get3A_829 : vector<1x16xf32> to vector<16xf32>
      %get3A_831 = arith.index_cast %scan3A_44 : i32 to index
      %get3A_832 = arith.constant 896 : index
      %get3A_833 = tpu.vector_load %arg8[%get3A_831, %get3A_832] {strides = array<i32>} : memref<32x1024xf32, #tpu.memory_space<vmem>>, vector<1x16xf32>,
      %get3A_834 = vector.shape_cast %get3A_833 : vector<1x16xf32> to vector<16xf32>
      %add3A_835 = arith.addf %get3A_830, %get3A_834 : vector<16xf32>
      %swap3A_836 = arith.index_cast %scan3A_44 : i32 to index
      %swap3A_837 = arith.constant 896 : index
      %swap3A_838 = tpu.vector_load %arg9[%swap3A_836, %swap3A_837] {strides = array<i32>} : memref<32x1024xf32, #tpu.memory_space<vmem>>, vector<1x16xf32>,
      %swap3A_839 = vector.shape_cast %swap3A_838 : vector<1x16xf32> to vector<16xf32>
      %swap3A_840 = vector.shape_cast %add3A_835 : vector<16xf32> to vector<1x16xf32>
      tpu.vector_store %arg9[%swap3A_836, %swap3A_837], %swap3A_840 {strides = array<i32>} : memref<32x1024xf32, #tpu.memory_space<vmem>>, vector<1x16xf32>,
      %get3A_841 = arith.index_cast %scan3A_44 : i32 to index
      %get3A_842 = arith.constant 912 : index
      %get3A_843 = tpu.vector_load %arg7[%get3A_841, %get3A_842] {strides = array<i32>} : memref<32x1024xf32, #tpu.memory_space<vmem>>, vector<1x16xf32>,
      %get3A_844 = vector.shape_cast %get3A_843 : vector<1x16xf32> to vector<16xf32>
      %get3A_845 = arith.index_cast %scan3A_44 : i32 to index
      %get3A_846 = arith.constant 912 : index
      %get3A_847 = tpu.vector_load %arg8[%get3A_845, %get3A_846] {strides = array<i32>} : memref<32x1024xf32, #tpu.memory_space<vmem>>, vector<1x16xf32>,
      %get3A_848 = vector.shape_cast %get3A_847 : vector<1x16xf32> to vector<16xf32>
      %add3A_849 = arith.addf %get3A_844, %get3A_848 : vector<16xf32>
      %swap3A_850 = arith.index_cast %scan3A_44 : i32 to index
      %swap3A_851 = arith.constant 912 : index
      %swap3A_852 = tpu.vector_load %arg9[%swap3A_850, %swap3A_851] {strides = array<i32>} : memref<32x1024xf32, #tpu.memory_space<vmem>>, vector<1x16xf32>,
      %swap3A_853 = vector.shape_cast %swap3A_852 : vector<1x16xf32> to vector<16xf32>
      %swap3A_854 = vector.shape_cast %add3A_849 : vector<16xf32> to vector<1x16xf32>
      tpu.vector_store %arg9[%swap3A_850, %swap3A_851], %swap3A_854 {strides = array<i32>} : memref<32x1024xf32, #tpu.memory_space<vmem>>, vector<1x16xf32>,
      %get3A_855 = arith.index_cast %scan3A_44 : i32 to index
      %get3A_856 = arith.constant 928 : index
      %get3A_857 = tpu.vector_load %arg7[%get3A_855, %get3A_856] {strides = array<i32>} : memref<32x1024xf32, #tpu.memory_space<vmem>>, vector<1x16xf32>,
      %get3A_858 = vector.shape_cast %get3A_857 : vector<1x16xf32> to vector<16xf32>
      %get3A_859 = arith.index_cast %scan3A_44 : i32 to index
      %get3A_860 = arith.constant 928 : index
      %get3A_861 = tpu.vector_load %arg8[%get3A_859, %get3A_860] {strides = array<i32>} : memref<32x1024xf32, #tpu.memory_space<vmem>>, vector<1x16xf32>,
      %get3A_862 = vector.shape_cast %get3A_861 : vector<1x16xf32> to vector<16xf32>
      %add3A_863 = arith.addf %get3A_858, %get3A_862 : vector<16xf32>
      %swap3A_864 = arith.index_cast %scan3A_44 : i32 to index
      %swap3A_865 = arith.constant 928 : index
      %swap3A_866 = tpu.vector_load %arg9[%swap3A_864, %swap3A_865] {strides = array<i32>} : memref<32x1024xf32, #tpu.memory_space<vmem>>, vector<1x16xf32>,
      %swap3A_867 = vector.shape_cast %swap3A_866 : vector<1x16xf32> to vector<16xf32>
      %swap3A_868 = vector.shape_cast %add3A_863 : vector<16xf32> to vector<1x16xf32>
      tpu.vector_store %arg9[%swap3A_864, %swap3A_865], %swap3A_868 {strides = array<i32>} : memref<32x1024xf32, #tpu.memory_space<vmem>>, vector<1x16xf32>,
      %get3A_869 = arith.index_cast %scan3A_44 : i32 to index
      %get3A_870 = arith.constant 944 : index
      %get3A_871 = tpu.vector_load %arg7[%get3A_869, %get3A_870] {strides = array<i32>} : memref<32x1024xf32, #tpu.memory_space<vmem>>, vector<1x16xf32>,
      %get3A_872 = vector.shape_cast %get3A_871 : vector<1x16xf32> to vector<16xf32>
      %get3A_873 = arith.index_cast %scan3A_44 : i32 to index
      %get3A_874 = arith.constant 944 : index
      %get3A_875 = tpu.vector_load %arg8[%get3A_873, %get3A_874] {strides = array<i32>} : memref<32x1024xf32, #tpu.memory_space<vmem>>, vector<1x16xf32>,
      %get3A_876 = vector.shape_cast %get3A_875 : vector<1x16xf32> to vector<16xf32>
      %add3A_877 = arith.addf %get3A_872, %get3A_876 : vector<16xf32>
      %swap3A_878 = arith.index_cast %scan3A_44 : i32 to index
      %swap3A_879 = arith.constant 944 : index
      %swap3A_880 = tpu.vector_load %arg9[%swap3A_878, %swap3A_879] {strides = array<i32>} : memref<32x1024xf32, #tpu.memory_space<vmem>>, vector<1x16xf32>,
      %swap3A_881 = vector.shape_cast %swap3A_880 : vector<1x16xf32> to vector<16xf32>
      %swap3A_882 = vector.shape_cast %add3A_877 : vector<16xf32> to vector<1x16xf32>
      tpu.vector_store %arg9[%swap3A_878, %swap3A_879], %swap3A_882 {strides = array<i32>} : memref<32x1024xf32, #tpu.memory_space<vmem>>, vector<1x16xf32>,
      %get3A_883 = arith.index_cast %scan3A_44 : i32 to index
      %get3A_884 = arith.constant 960 : index
      %get3A_885 = tpu.vector_load %arg7[%get3A_883, %get3A_884] {strides = array<i32>} : memref<32x1024xf32, #tpu.memory_space<vmem>>, vector<1x16xf32>,
      %get3A_886 = vector.shape_cast %get3A_885 : vector<1x16xf32> to vector<16xf32>
      %get3A_887 = arith.index_cast %scan3A_44 : i32 to index
      %get3A_888 = arith.constant 960 : index
      %get3A_889 = tpu.vector_load %arg8[%get3A_887, %get3A_888] {strides = array<i32>} : memref<32x1024xf32, #tpu.memory_space<vmem>>, vector<1x16xf32>,
      %get3A_890 = vector.shape_cast %get3A_889 : vector<1x16xf32> to vector<16xf32>
      %add3A_891 = arith.addf %get3A_886, %get3A_890 : vector<16xf32>
      %swap3A_892 = arith.index_cast %scan3A_44 : i32 to index
      %swap3A_893 = arith.constant 960 : index
      %swap3A_894 = tpu.vector_load %arg9[%swap3A_892, %swap3A_893] {strides = array<i32>} : memref<32x1024xf32, #tpu.memory_space<vmem>>, vector<1x16xf32>,
      %swap3A_895 = vector.shape_cast %swap3A_894 : vector<1x16xf32> to vector<16xf32>
      %swap3A_896 = vector.shape_cast %add3A_891 : vector<16xf32> to vector<1x16xf32>
      tpu.vector_store %arg9[%swap3A_892, %swap3A_893], %swap3A_896 {strides = array<i32>} : memref<32x1024xf32, #tpu.memory_space<vmem>>, vector<1x16xf32>,
      %get3A_897 = arith.index_cast %scan3A_44 : i32 to index
      %get3A_898 = arith.constant 976 : index
      %get3A_899 = tpu.vector_load %arg7[%get3A_897, %get3A_898] {strides = array<i32>} : memref<32x1024xf32, #tpu.memory_space<vmem>>, vector<1x16xf32>,
      %get3A_900 = vector.shape_cast %get3A_899 : vector<1x16xf32> to vector<16xf32>
      %get3A_901 = arith.index_cast %scan3A_44 : i32 to index
      %get3A_902 = arith.constant 976 : index
      %get3A_903 = tpu.vector_load %arg8[%get3A_901, %get3A_902] {strides = array<i32>} : memref<32x1024xf32, #tpu.memory_space<vmem>>, vector<1x16xf32>,
      %get3A_904 = vector.shape_cast %get3A_903 : vector<1x16xf32> to vector<16xf32>
      %add3A_905 = arith.addf %get3A_900, %get3A_904 : vector<16xf32>
      %swap3A_906 = arith.index_cast %scan3A_44 : i32 to index
      %swap3A_907 = arith.constant 976 : index
      %swap3A_908 = tpu.vector_load %arg9[%swap3A_906, %swap3A_907] {strides = array<i32>} : memref<32x1024xf32, #tpu.memory_space<vmem>>, vector<1x16xf32>,
      %swap3A_909 = vector.shape_cast %swap3A_908 : vector<1x16xf32> to vector<16xf32>
      %swap3A_910 = vector.shape_cast %add3A_905 : vector<16xf32> to vector<1x16xf32>
      tpu.vector_store %arg9[%swap3A_906, %swap3A_907], %swap3A_910 {strides = array<i32>} : memref<32x1024xf32, #tpu.memory_space<vmem>>, vector<1x16xf32>,
      %get3A_911 = arith.index_cast %scan3A_44 : i32 to index
      %get3A_912 = arith.constant 992 : index
      %get3A_913 = tpu.vector_load %arg7[%get3A_911, %get3A_912] {strides = array<i32>} : memref<32x1024xf32, #tpu.memory_space<vmem>>, vector<1x16xf32>,
      %get3A_914 = vector.shape_cast %get3A_913 : vector<1x16xf32> to vector<16xf32>
      %get3A_915 = arith.index_cast %scan3A_44 : i32 to index
      %get3A_916 = arith.constant 992 : index
      %get3A_917 = tpu.vector_load %arg8[%get3A_915, %get3A_916] {strides = array<i32>} : memref<32x1024xf32, #tpu.memory_space<vmem>>, vector<1x16xf32>,
      %get3A_918 = vector.shape_cast %get3A_917 : vector<1x16xf32> to vector<16xf32>
      %add3A_919 = arith.addf %get3A_914, %get3A_918 : vector<16xf32>
      %swap3A_920 = arith.index_cast %scan3A_44 : i32 to index
      %swap3A_921 = arith.constant 992 : index
      %swap3A_922 = tpu.vector_load %arg9[%swap3A_920, %swap3A_921] {strides = array<i32>} : memref<32x1024xf32, #tpu.memory_space<vmem>>, vector<1x16xf32>,
      %swap3A_923 = vector.shape_cast %swap3A_922 : vector<1x16xf32> to vector<16xf32>
      %swap3A_924 = vector.shape_cast %add3A_919 : vector<16xf32> to vector<1x16xf32>
      tpu.vector_store %arg9[%swap3A_920, %swap3A_921], %swap3A_924 {strides = array<i32>} : memref<32x1024xf32, #tpu.memory_space<vmem>>, vector<1x16xf32>,
      %get3A_925 = arith.index_cast %scan3A_44 : i32 to index
      %get3A_926 = arith.constant 1008 : index
      %get3A_927 = tpu.vector_load %arg7[%get3A_925, %get3A_926] {strides = array<i32>} : memref<32x1024xf32, #tpu.memory_space<vmem>>, vector<1x16xf32>,
      %get3A_928 = vector.shape_cast %get3A_927 : vector<1x16xf32> to vector<16xf32>
      %get3A_929 = arith.index_cast %scan3A_44 : i32 to index
      %get3A_930 = arith.constant 1008 : index
      %get3A_931 = tpu.vector_load %arg8[%get3A_929, %get3A_930] {strides = array<i32>} : memref<32x1024xf32, #tpu.memory_space<vmem>>, vector<1x16xf32>,
      %get3A_932 = vector.shape_cast %get3A_931 : vector<1x16xf32> to vector<16xf32>
      %add3A_933 = arith.addf %get3A_928, %get3A_932 : vector<16xf32>
      %swap3A_934 = arith.index_cast %scan3A_44 : i32 to index
      %swap3A_935 = arith.constant 1008 : index
      %swap3A_936 = tpu.vector_load %arg9[%swap3A_934, %swap3A_935] {strides = array<i32>} : memref<32x1024xf32, #tpu.memory_space<vmem>>, vector<1x16xf32>,
      %swap3A_937 = vector.shape_cast %swap3A_936 : vector<1x16xf32> to vector<16xf32>
      %swap3A_938 = vector.shape_cast %add3A_933 : vector<16xf32> to vector<1x16xf32>
      tpu.vector_store %arg9[%swap3A_934, %swap3A_935], %swap3A_938 {strides = array<i32>} : memref<32x1024xf32, #tpu.memory_space<vmem>>, vector<1x16xf32>,
    }
    %scan3A_21 = arith.constant 32 : i32
    "tpu.region"() ({
      %run_scoped3A = tpu.sem_alloc : memref<!tpu.dma_semaphore, #tpu.memory_space<semaphore_mem>>
      %dma_start3A_44 = arith.constant 0 : i32
      %dma_start3A_45 = tpu.memref_slice %arg4[%add3A_4, %dma_start3A_44] : memref<2048x1024xf32, #tpu.memory_space<hbm>> -> memref<32x1024xf32, #tpu.memory_space<hbm>>
      %dma_start3A_46 = arith.constant 0 : i32
      %dma_start3A_47 = tpu.memref_slice %arg4[%add3A_4, %dma_start3A_46] : memref<2048x1024xf32, #tpu.memory_space<hbm>> -> memref<32x1024xf32, #tpu.memory_space<hbm>>
      tpu.enqueue_dma source(%arg9 : memref<32x1024xf32, #tpu.memory_space<vmem>>) target(%dma_start3A_47 : memref<32x1024xf32, #tpu.memory_space<hbm>>) target_semaphore(%run_scoped3A : memref<!tpu.dma_semaphore, #tpu.memory_space<semaphore_mem>>)
      %dma_wait3A_48 = arith.constant 0 : i32
      %dma_wait3A_49 = tpu.memref_slice %arg4[%add3A_4, %dma_wait3A_48] : memref<2048x1024xf32, #tpu.memory_space<hbm>> -> memref<32x1024xf32, #tpu.memory_space<hbm>>
      %dma_wait3A_50 = arith.constant 0 : i32
      %dma_wait3A_51 = tpu.memref_slice %arg4[%add3A_4, %dma_wait3A_50] : memref<2048x1024xf32, #tpu.memory_space<hbm>> -> memref<32x1024xf32, #tpu.memory_space<hbm>>
      tpu.wait_dma2 semaphore(%run_scoped3A : memref<!tpu.dma_semaphore, #tpu.memory_space<semaphore_mem>>) src(%arg9 : memref<32x1024xf32, #tpu.memory_space<vmem>>) dst(%dma_wait3A_51 : memref<32x1024xf32, #tpu.memory_space<hbm>>)
      tpu.yield
    }) : () -> ()
    %add3A_22 = arith.constant 32 : i32
    %add3A_23 = arith.addi %mul3A_2, %add3A_22 : i32
    "tpu.region"() ({
      %run_scoped3A = tpu.sem_alloc : memref<!tpu.dma_semaphore, #tpu.memory_space<semaphore_mem>>
      %dma_start3A_44 = tpu.memref_slice %arg3[%add3A_23] : memref<4096xi32, #tpu.memory_space<hbm>> -> memref<32xi32, #tpu.memory_space<hbm>>
      %dma_start3A_45 = tpu.memref_slice %arg3[%add3A_23] : memref<4096xi32, #tpu.memory_space<hbm>> -> memref<32xi32, #tpu.memory_space<hbm>>
      tpu.enqueue_dma source(%dma_start3A_45 : memref<32xi32, #tpu.memory_space<hbm>>) target(%arg5 : memref<32xi32, #tpu.memory_space<vmem>>) target_semaphore(%run_scoped3A : memref<!tpu.dma_semaphore, #tpu.memory_space<semaphore_mem>>)
      %dma_wait3A_46 = tpu.memref_slice %arg3[%add3A_23] : memref<4096xi32, #tpu.memory_space<hbm>> -> memref<32xi32, #tpu.memory_space<hbm>>
      %dma_wait3A_47 = tpu.memref_slice %arg3[%add3A_23] : memref<4096xi32, #tpu.memory_space<hbm>> -> memref<32xi32, #tpu.memory_space<hbm>>
      tpu.wait_dma2 semaphore(%run_scoped3A : memref<!tpu.dma_semaphore, #tpu.memory_space<semaphore_mem>>) src(%dma_wait3A_47 : memref<32xi32, #tpu.memory_space<hbm>>) dst(%arg5 : memref<32xi32, #tpu.memory_space<vmem>>)
      tpu.yield
    }) : () -> ()
    %add3A_24 = arith.constant 2048 : i32
    %add3A_25 = arith.addi %add3A_24, %add3A_23 : i32
    "tpu.region"() ({
      %run_scoped3A = tpu.sem_alloc : memref<!tpu.dma_semaphore, #tpu.memory_space<semaphore_mem>>
      %dma_start3A_44 = tpu.memref_slice %arg3[%add3A_25] : memref<4096xi32, #tpu.memory_space<hbm>> -> memref<32xi32, #tpu.memory_space<hbm>>
      %dma_start3A_45 = tpu.memref_slice %arg3[%add3A_25] : memref<4096xi32, #tpu.memory_space<hbm>> -> memref<32xi32, #tpu.memory_space<hbm>>
      tpu.enqueue_dma source(%dma_start3A_45 : memref<32xi32, #tpu.memory_space<hbm>>) target(%arg6 : memref<32xi32, #tpu.memory_space<vmem>>) target_semaphore(%run_scoped3A : memref<!tpu.dma_semaphore, #tpu.memory_space<semaphore_mem>>)
      %dma_wait3A_46 = tpu.memref_slice %arg3[%add3A_25] : memref<4096xi32, #tpu.memory_space<hbm>> -> memref<32xi32, #tpu.memory_space<hbm>>
      %dma_wait3A_47 = tpu.memref_slice %arg3[%add3A_25] : memref<4096xi32, #tpu.memory_space<hbm>> -> memref<32xi32, #tpu.memory_space<hbm>>
      tpu.wait_dma2 semaphore(%run_scoped3A : memref<!tpu.dma_semaphore, #tpu.memory_space<semaphore_mem>>) src(%dma_wait3A_47 : memref<32xi32, #tpu.memory_space<hbm>>) dst(%arg6 : memref<32xi32, #tpu.memory_space<vmem>>)
      tpu.yield
    }) : () -> ()
    %dma_start3A_26 = arith.constant 0 : i32
    %dma_start3A_27 = arith.constant 0 : i32
    %dma_start3A_28 = tpu.memref_slice %arg2[%dma_start3A_26, %dma_start3A_27] : memref<5888x1024xf32, #tpu.memory_space<hbm>> -> memref<5888x1024xf32, #tpu.memory_space<hbm>>
    tpu.enqueue_indirect_dma source(%dma_start3A_28 : memref<5888x1024xf32, #tpu.memory_space<hbm>>) target(%arg7 : memref<32x1024xf32, #tpu.memory_space<vmem>>) offsets(%arg5 : memref<32xi32, #tpu.memory_space<vmem>>) semaphore(%arg10 : memref<!tpu.dma_semaphore, #tpu.memory_space<semaphore_mem>>)
    %dma_start3A_29 = arith.constant 0 : i32
    %dma_start3A_30 = arith.constant 0 : i32
    %dma_start3A_31 = tpu.memref_slice %arg2[%dma_start3A_29, %dma_start3A_30] : memref<5888x1024xf32, #tpu.memory_space<hbm>> -> memref<5888x1024xf32, #tpu.memory_space<hbm>>
    tpu.enqueue_indirect_dma source(%dma_start3A_31 : memref<5888x1024xf32, #tpu.memory_space<hbm>>) target(%arg8 : memref<32x1024xf32, #tpu.memory_space<vmem>>) offsets(%arg6 : memref<32xi32, #tpu.memory_space<vmem>>) semaphore(%arg10 : memref<!tpu.dma_semaphore, #tpu.memory_space<semaphore_mem>>)
    %dma_wait3A_32 = arith.constant 0 : i32
    %dma_wait3A_33 = arith.constant 0 : i32
    %dma_wait3A_34 = tpu.memref_slice %arg2[%dma_wait3A_32, %dma_wait3A_33] : memref<5888x1024xf32, #tpu.memory_space<hbm>> -> memref<5888x1024xf32, #tpu.memory_space<hbm>>
    tpu.wait_indirect_dma semaphore(%arg10 : memref<!tpu.dma_semaphore, #tpu.memory_space<semaphore_mem>>) src(%dma_wait3A_34 : memref<5888x1024xf32, #tpu.memory_space<hbm>>) dst(%arg7 : memref<32x1024xf32, #tpu.memory_space<vmem>>)
    %dma_wait3A_35 = arith.constant 0 : i32
    %dma_wait3A_36 = arith.constant 0 : i32
    %dma_wait3A_37 = tpu.memref_slice %arg2[%dma_wait3A_35, %dma_wait3A_36] : memref<5888x1024xf32, #tpu.memory_space<hbm>> -> memref<5888x1024xf32, #tpu.memory_space<hbm>>
    tpu.wait_indirect_dma semaphore(%arg10 : memref<!tpu.dma_semaphore, #tpu.memory_space<semaphore_mem>>) src(%dma_wait3A_37 : memref<5888x1024xf32, #tpu.memory_space<hbm>>) dst(%arg8 : memref<32x1024xf32, #tpu.memory_space<vmem>>)
    %scan3A_38 = arith.constant 0 : i32
    %scan3A_39 = arith.constant 0 : i32
    %scan3A_40 = arith.constant 32 : i32
    %scan3A_41 = arith.addi %scan3A_39, %scan3A_40 : i32
    %scan3A_42 = arith.constant 1 : i32
    scf.for %scan3A_44 = %scan3A_39 to %scan3A_41 step %scan3A_42  : i32 {
      %get3A = arith.index_cast %scan3A_44 : i32 to index
      %get3A_45 = arith.constant 0 : index
      %get3A_46 = tpu.vector_load %arg7[%get3A, %get3A_45] {strides = array<i32>} : memref<32x1024xf32, #tpu.memory_space<vmem>>, vector<1x16xf32>,
      %get3A_47 = vector.shape_cast %get3A_46 : vector<1x16xf32> to vector<16xf32>
      %get3A_48 = arith.index_cast %scan3A_44 : i32 to index
      %get3A_49 = arith.constant 0 : index
      %get3A_50 = tpu.vector_load %arg8[%get3A_48, %get3A_49] {strides = array<i32>} : memref<32x1024xf32, #tpu.memory_space<vmem>>, vector<1x16xf32>,
      %get3A_51 = vector.shape_cast %get3A_50 : vector<1x16xf32> to vector<16xf32>
      %add3A_52 = arith.addf %get3A_47, %get3A_51 : vector<16xf32>
      %swap3A = arith.index_cast %scan3A_44 : i32 to index
      %swap3A_53 = arith.constant 0 : index
      %swap3A_54 = tpu.vector_load %arg9[%swap3A, %swap3A_53] {strides = array<i32>} : memref<32x1024xf32, #tpu.memory_space<vmem>>, vector<1x16xf32>,
      %swap3A_55 = vector.shape_cast %swap3A_54 : vector<1x16xf32> to vector<16xf32>
      %swap3A_56 = vector.shape_cast %add3A_52 : vector<16xf32> to vector<1x16xf32>
      tpu.vector_store %arg9[%swap3A, %swap3A_53], %swap3A_56 {strides = array<i32>} : memref<32x1024xf32, #tpu.memory_space<vmem>>, vector<1x16xf32>,
      %get3A_57 = arith.index_cast %scan3A_44 : i32 to index
      %get3A_58 = arith.constant 16 : index
      %get3A_59 = tpu.vector_load %arg7[%get3A_57, %get3A_58] {strides = array<i32>} : memref<32x1024xf32, #tpu.memory_space<vmem>>, vector<1x16xf32>,
      %get3A_60 = vector.shape_cast %get3A_59 : vector<1x16xf32> to vector<16xf32>
      %get3A_61 = arith.index_cast %scan3A_44 : i32 to index
      %get3A_62 = arith.constant 16 : index
      %get3A_63 = tpu.vector_load %arg8[%get3A_61, %get3A_62] {strides = array<i32>} : memref<32x1024xf32, #tpu.memory_space<vmem>>, vector<1x16xf32>,
      %get3A_64 = vector.shape_cast %get3A_63 : vector<1x16xf32> to vector<16xf32>
      %add3A_65 = arith.addf %get3A_60, %get3A_64 : vector<16xf32>
      %swap3A_66 = arith.index_cast %scan3A_44 : i32 to index
      %swap3A_67 = arith.constant 16 : index
      %swap3A_68 = tpu.vector_load %arg9[%swap3A_66, %swap3A_67] {strides = array<i32>} : memref<32x1024xf32, #tpu.memory_space<vmem>>, vector<1x16xf32>,
      %swap3A_69 = vector.shape_cast %swap3A_68 : vector<1x16xf32> to vector<16xf32>
      %swap3A_70 = vector.shape_cast %add3A_65 : vector<16xf32> to vector<1x16xf32>
      tpu.vector_store %arg9[%swap3A_66, %swap3A_67], %swap3A_70 {strides = array<i32>} : memref<32x1024xf32, #tpu.memory_space<vmem>>, vector<1x16xf32>,
      %get3A_71 = arith.index_cast %scan3A_44 : i32 to index
      %get3A_72 = arith.constant 32 : index
      %get3A_73 = tpu.vector_load %arg7[%get3A_71, %get3A_72] {strides = array<i32>} : memref<32x1024xf32, #tpu.memory_space<vmem>>, vector<1x16xf32>,
      %get3A_74 = vector.shape_cast %get3A_73 : vector<1x16xf32> to vector<16xf32>
      %get3A_75 = arith.index_cast %scan3A_44 : i32 to index
      %get3A_76 = arith.constant 32 : index
      %get3A_77 = tpu.vector_load %arg8[%get3A_75, %get3A_76] {strides = array<i32>} : memref<32x1024xf32, #tpu.memory_space<vmem>>, vector<1x16xf32>,
      %get3A_78 = vector.shape_cast %get3A_77 : vector<1x16xf32> to vector<16xf32>
      %add3A_79 = arith.addf %get3A_74, %get3A_78 : vector<16xf32>
      %swap3A_80 = arith.index_cast %scan3A_44 : i32 to index
      %swap3A_81 = arith.constant 32 : index
      %swap3A_82 = tpu.vector_load %arg9[%swap3A_80, %swap3A_81] {strides = array<i32>} : memref<32x1024xf32, #tpu.memory_space<vmem>>, vector<1x16xf32>,
      %swap3A_83 = vector.shape_cast %swap3A_82 : vector<1x16xf32> to vector<16xf32>
      %swap3A_84 = vector.shape_cast %add3A_79 : vector<16xf32> to vector<1x16xf32>
      tpu.vector_store %arg9[%swap3A_80, %swap3A_81], %swap3A_84 {strides = array<i32>} : memref<32x1024xf32, #tpu.memory_space<vmem>>, vector<1x16xf32>,
      %get3A_85 = arith.index_cast %scan3A_44 : i32 to index
      %get3A_86 = arith.constant 48 : index
      %get3A_87 = tpu.vector_load %arg7[%get3A_85, %get3A_86] {strides = array<i32>} : memref<32x1024xf32, #tpu.memory_space<vmem>>, vector<1x16xf32>,
      %get3A_88 = vector.shape_cast %get3A_87 : vector<1x16xf32> to vector<16xf32>
      %get3A_89 = arith.index_cast %scan3A_44 : i32 to index
      %get3A_90 = arith.constant 48 : index
      %get3A_91 = tpu.vector_load %arg8[%get3A_89, %get3A_90] {strides = array<i32>} : memref<32x1024xf32, #tpu.memory_space<vmem>>, vector<1x16xf32>,
      %get3A_92 = vector.shape_cast %get3A_91 : vector<1x16xf32> to vector<16xf32>
      %add3A_93 = arith.addf %get3A_88, %get3A_92 : vector<16xf32>
      %swap3A_94 = arith.index_cast %scan3A_44 : i32 to index
      %swap3A_95 = arith.constant 48 : index
      %swap3A_96 = tpu.vector_load %arg9[%swap3A_94, %swap3A_95] {strides = array<i32>} : memref<32x1024xf32, #tpu.memory_space<vmem>>, vector<1x16xf32>,
      %swap3A_97 = vector.shape_cast %swap3A_96 : vector<1x16xf32> to vector<16xf32>
      %swap3A_98 = vector.shape_cast %add3A_93 : vector<16xf32> to vector<1x16xf32>
      tpu.vector_store %arg9[%swap3A_94, %swap3A_95], %swap3A_98 {strides = array<i32>} : memref<32x1024xf32, #tpu.memory_space<vmem>>, vector<1x16xf32>,
      %get3A_99 = arith.index_cast %scan3A_44 : i32 to index
      %get3A_100 = arith.constant 64 : index
      %get3A_101 = tpu.vector_load %arg7[%get3A_99, %get3A_100] {strides = array<i32>} : memref<32x1024xf32, #tpu.memory_space<vmem>>, vector<1x16xf32>,
      %get3A_102 = vector.shape_cast %get3A_101 : vector<1x16xf32> to vector<16xf32>
      %get3A_103 = arith.index_cast %scan3A_44 : i32 to index
      %get3A_104 = arith.constant 64 : index
      %get3A_105 = tpu.vector_load %arg8[%get3A_103, %get3A_104] {strides = array<i32>} : memref<32x1024xf32, #tpu.memory_space<vmem>>, vector<1x16xf32>,
      %get3A_106 = vector.shape_cast %get3A_105 : vector<1x16xf32> to vector<16xf32>
      %add3A_107 = arith.addf %get3A_102, %get3A_106 : vector<16xf32>
      %swap3A_108 = arith.index_cast %scan3A_44 : i32 to index
      %swap3A_109 = arith.constant 64 : index
      %swap3A_110 = tpu.vector_load %arg9[%swap3A_108, %swap3A_109] {strides = array<i32>} : memref<32x1024xf32, #tpu.memory_space<vmem>>, vector<1x16xf32>,
      %swap3A_111 = vector.shape_cast %swap3A_110 : vector<1x16xf32> to vector<16xf32>
      %swap3A_112 = vector.shape_cast %add3A_107 : vector<16xf32> to vector<1x16xf32>
      tpu.vector_store %arg9[%swap3A_108, %swap3A_109], %swap3A_112 {strides = array<i32>} : memref<32x1024xf32, #tpu.memory_space<vmem>>, vector<1x16xf32>,
      %get3A_113 = arith.index_cast %scan3A_44 : i32 to index
      %get3A_114 = arith.constant 80 : index
      %get3A_115 = tpu.vector_load %arg7[%get3A_113, %get3A_114] {strides = array<i32>} : memref<32x1024xf32, #tpu.memory_space<vmem>>, vector<1x16xf32>,
      %get3A_116 = vector.shape_cast %get3A_115 : vector<1x16xf32> to vector<16xf32>
      %get3A_117 = arith.index_cast %scan3A_44 : i32 to index
      %get3A_118 = arith.constant 80 : index
      %get3A_119 = tpu.vector_load %arg8[%get3A_117, %get3A_118] {strides = array<i32>} : memref<32x1024xf32, #tpu.memory_space<vmem>>, vector<1x16xf32>,
      %get3A_120 = vector.shape_cast %get3A_119 : vector<1x16xf32> to vector<16xf32>
      %add3A_121 = arith.addf %get3A_116, %get3A_120 : vector<16xf32>
      %swap3A_122 = arith.index_cast %scan3A_44 : i32 to index
      %swap3A_123 = arith.constant 80 : index
      %swap3A_124 = tpu.vector_load %arg9[%swap3A_122, %swap3A_123] {strides = array<i32>} : memref<32x1024xf32, #tpu.memory_space<vmem>>, vector<1x16xf32>,
      %swap3A_125 = vector.shape_cast %swap3A_124 : vector<1x16xf32> to vector<16xf32>
      %swap3A_126 = vector.shape_cast %add3A_121 : vector<16xf32> to vector<1x16xf32>
      tpu.vector_store %arg9[%swap3A_122, %swap3A_123], %swap3A_126 {strides = array<i32>} : memref<32x1024xf32, #tpu.memory_space<vmem>>, vector<1x16xf32>,
      %get3A_127 = arith.index_cast %scan3A_44 : i32 to index
      %get3A_128 = arith.constant 96 : index
      %get3A_129 = tpu.vector_load %arg7[%get3A_127, %get3A_128] {strides = array<i32>} : memref<32x1024xf32, #tpu.memory_space<vmem>>, vector<1x16xf32>,
      %get3A_130 = vector.shape_cast %get3A_129 : vector<1x16xf32> to vector<16xf32>
      %get3A_131 = arith.index_cast %scan3A_44 : i32 to index
      %get3A_132 = arith.constant 96 : index
      %get3A_133 = tpu.vector_load %arg8[%get3A_131, %get3A_132] {strides = array<i32>} : memref<32x1024xf32, #tpu.memory_space<vmem>>, vector<1x16xf32>,
      %get3A_134 = vector.shape_cast %get3A_133 : vector<1x16xf32> to vector<16xf32>
      %add3A_135 = arith.addf %get3A_130, %get3A_134 : vector<16xf32>
      %swap3A_136 = arith.index_cast %scan3A_44 : i32 to index
      %swap3A_137 = arith.constant 96 : index
      %swap3A_138 = tpu.vector_load %arg9[%swap3A_136, %swap3A_137] {strides = array<i32>} : memref<32x1024xf32, #tpu.memory_space<vmem>>, vector<1x16xf32>,
      %swap3A_139 = vector.shape_cast %swap3A_138 : vector<1x16xf32> to vector<16xf32>
      %swap3A_140 = vector.shape_cast %add3A_135 : vector<16xf32> to vector<1x16xf32>
      tpu.vector_store %arg9[%swap3A_136, %swap3A_137], %swap3A_140 {strides = array<i32>} : memref<32x1024xf32, #tpu.memory_space<vmem>>, vector<1x16xf32>,
      %get3A_141 = arith.index_cast %scan3A_44 : i32 to index
      %get3A_142 = arith.constant 112 : index
      %get3A_143 = tpu.vector_load %arg7[%get3A_141, %get3A_142] {strides = array<i32>} : memref<32x1024xf32, #tpu.memory_space<vmem>>, vector<1x16xf32>,
      %get3A_144 = vector.shape_cast %get3A_143 : vector<1x16xf32> to vector<16xf32>
      %get3A_145 = arith.index_cast %scan3A_44 : i32 to index
      %get3A_146 = arith.constant 112 : index
      %get3A_147 = tpu.vector_load %arg8[%get3A_145, %get3A_146] {strides = array<i32>} : memref<32x1024xf32, #tpu.memory_space<vmem>>, vector<1x16xf32>,
      %get3A_148 = vector.shape_cast %get3A_147 : vector<1x16xf32> to vector<16xf32>
      %add3A_149 = arith.addf %get3A_144, %get3A_148 : vector<16xf32>
      %swap3A_150 = arith.index_cast %scan3A_44 : i32 to index
      %swap3A_151 = arith.constant 112 : index
      %swap3A_152 = tpu.vector_load %arg9[%swap3A_150, %swap3A_151] {strides = array<i32>} : memref<32x1024xf32, #tpu.memory_space<vmem>>, vector<1x16xf32>,
      %swap3A_153 = vector.shape_cast %swap3A_152 : vector<1x16xf32> to vector<16xf32>
      %swap3A_154 = vector.shape_cast %add3A_149 : vector<16xf32> to vector<1x16xf32>
      tpu.vector_store %arg9[%swap3A_150, %swap3A_151], %swap3A_154 {strides = array<i32>} : memref<32x1024xf32, #tpu.memory_space<vmem>>, vector<1x16xf32>,
      %get3A_155 = arith.index_cast %scan3A_44 : i32 to index
      %get3A_156 = arith.constant 128 : index
      %get3A_157 = tpu.vector_load %arg7[%get3A_155, %get3A_156] {strides = array<i32>} : memref<32x1024xf32, #tpu.memory_space<vmem>>, vector<1x16xf32>,
      %get3A_158 = vector.shape_cast %get3A_157 : vector<1x16xf32> to vector<16xf32>
      %get3A_159 = arith.index_cast %scan3A_44 : i32 to index
      %get3A_160 = arith.constant 128 : index
      %get3A_161 = tpu.vector_load %arg8[%get3A_159, %get3A_160] {strides = array<i32>} : memref<32x1024xf32, #tpu.memory_space<vmem>>, vector<1x16xf32>,
      %get3A_162 = vector.shape_cast %get3A_161 : vector<1x16xf32> to vector<16xf32>
      %add3A_163 = arith.addf %get3A_158, %get3A_162 : vector<16xf32>
      %swap3A_164 = arith.index_cast %scan3A_44 : i32 to index
      %swap3A_165 = arith.constant 128 : index
      %swap3A_166 = tpu.vector_load %arg9[%swap3A_164, %swap3A_165] {strides = array<i32>} : memref<32x1024xf32, #tpu.memory_space<vmem>>, vector<1x16xf32>,
      %swap3A_167 = vector.shape_cast %swap3A_166 : vector<1x16xf32> to vector<16xf32>
      %swap3A_168 = vector.shape_cast %add3A_163 : vector<16xf32> to vector<1x16xf32>
      tpu.vector_store %arg9[%swap3A_164, %swap3A_165], %swap3A_168 {strides = array<i32>} : memref<32x1024xf32, #tpu.memory_space<vmem>>, vector<1x16xf32>,
      %get3A_169 = arith.index_cast %scan3A_44 : i32 to index
      %get3A_170 = arith.constant 144 : index
      %get3A_171 = tpu.vector_load %arg7[%get3A_169, %get3A_170] {strides = array<i32>} : memref<32x1024xf32, #tpu.memory_space<vmem>>, vector<1x16xf32>,
      %get3A_172 = vector.shape_cast %get3A_171 : vector<1x16xf32> to vector<16xf32>
      %get3A_173 = arith.index_cast %scan3A_44 : i32 to index
      %get3A_174 = arith.constant 144 : index
      %get3A_175 = tpu.vector_load %arg8[%get3A_173, %get3A_174] {strides = array<i32>} : memref<32x1024xf32, #tpu.memory_space<vmem>>, vector<1x16xf32>,
      %get3A_176 = vector.shape_cast %get3A_175 : vector<1x16xf32> to vector<16xf32>
      %add3A_177 = arith.addf %get3A_172, %get3A_176 : vector<16xf32>
      %swap3A_178 = arith.index_cast %scan3A_44 : i32 to index
      %swap3A_179 = arith.constant 144 : index
      %swap3A_180 = tpu.vector_load %arg9[%swap3A_178, %swap3A_179] {strides = array<i32>} : memref<32x1024xf32, #tpu.memory_space<vmem>>, vector<1x16xf32>,
      %swap3A_181 = vector.shape_cast %swap3A_180 : vector<1x16xf32> to vector<16xf32>
      %swap3A_182 = vector.shape_cast %add3A_177 : vector<16xf32> to vector<1x16xf32>
      tpu.vector_store %arg9[%swap3A_178, %swap3A_179], %swap3A_182 {strides = array<i32>} : memref<32x1024xf32, #tpu.memory_space<vmem>>, vector<1x16xf32>,
      %get3A_183 = arith.index_cast %scan3A_44 : i32 to index
      %get3A_184 = arith.constant 160 : index
      %get3A_185 = tpu.vector_load %arg7[%get3A_183, %get3A_184] {strides = array<i32>} : memref<32x1024xf32, #tpu.memory_space<vmem>>, vector<1x16xf32>,
      %get3A_186 = vector.shape_cast %get3A_185 : vector<1x16xf32> to vector<16xf32>
      %get3A_187 = arith.index_cast %scan3A_44 : i32 to index
      %get3A_188 = arith.constant 160 : index
      %get3A_189 = tpu.vector_load %arg8[%get3A_187, %get3A_188] {strides = array<i32>} : memref<32x1024xf32, #tpu.memory_space<vmem>>, vector<1x16xf32>,
      %get3A_190 = vector.shape_cast %get3A_189 : vector<1x16xf32> to vector<16xf32>
      %add3A_191 = arith.addf %get3A_186, %get3A_190 : vector<16xf32>
      %swap3A_192 = arith.index_cast %scan3A_44 : i32 to index
      %swap3A_193 = arith.constant 160 : index
      %swap3A_194 = tpu.vector_load %arg9[%swap3A_192, %swap3A_193] {strides = array<i32>} : memref<32x1024xf32, #tpu.memory_space<vmem>>, vector<1x16xf32>,
      %swap3A_195 = vector.shape_cast %swap3A_194 : vector<1x16xf32> to vector<16xf32>
      %swap3A_196 = vector.shape_cast %add3A_191 : vector<16xf32> to vector<1x16xf32>
      tpu.vector_store %arg9[%swap3A_192, %swap3A_193], %swap3A_196 {strides = array<i32>} : memref<32x1024xf32, #tpu.memory_space<vmem>>, vector<1x16xf32>,
      %get3A_197 = arith.index_cast %scan3A_44 : i32 to index
      %get3A_198 = arith.constant 176 : index
      %get3A_199 = tpu.vector_load %arg7[%get3A_197, %get3A_198] {strides = array<i32>} : memref<32x1024xf32, #tpu.memory_space<vmem>>, vector<1x16xf32>,
      %get3A_200 = vector.shape_cast %get3A_199 : vector<1x16xf32> to vector<16xf32>
      %get3A_201 = arith.index_cast %scan3A_44 : i32 to index
      %get3A_202 = arith.constant 176 : index
      %get3A_203 = tpu.vector_load %arg8[%get3A_201, %get3A_202] {strides = array<i32>} : memref<32x1024xf32, #tpu.memory_space<vmem>>, vector<1x16xf32>,
      %get3A_204 = vector.shape_cast %get3A_203 : vector<1x16xf32> to vector<16xf32>
      %add3A_205 = arith.addf %get3A_200, %get3A_204 : vector<16xf32>
      %swap3A_206 = arith.index_cast %scan3A_44 : i32 to index
      %swap3A_207 = arith.constant 176 : index
      %swap3A_208 = tpu.vector_load %arg9[%swap3A_206, %swap3A_207] {strides = array<i32>} : memref<32x1024xf32, #tpu.memory_space<vmem>>, vector<1x16xf32>,
      %swap3A_209 = vector.shape_cast %swap3A_208 : vector<1x16xf32> to vector<16xf32>
      %swap3A_210 = vector.shape_cast %add3A_205 : vector<16xf32> to vector<1x16xf32>
      tpu.vector_store %arg9[%swap3A_206, %swap3A_207], %swap3A_210 {strides = array<i32>} : memref<32x1024xf32, #tpu.memory_space<vmem>>, vector<1x16xf32>,
      %get3A_211 = arith.index_cast %scan3A_44 : i32 to index
      %get3A_212 = arith.constant 192 : index
      %get3A_213 = tpu.vector_load %arg7[%get3A_211, %get3A_212] {strides = array<i32>} : memref<32x1024xf32, #tpu.memory_space<vmem>>, vector<1x16xf32>,
      %get3A_214 = vector.shape_cast %get3A_213 : vector<1x16xf32> to vector<16xf32>
      %get3A_215 = arith.index_cast %scan3A_44 : i32 to index
      %get3A_216 = arith.constant 192 : index
      %get3A_217 = tpu.vector_load %arg8[%get3A_215, %get3A_216] {strides = array<i32>} : memref<32x1024xf32, #tpu.memory_space<vmem>>, vector<1x16xf32>,
      %get3A_218 = vector.shape_cast %get3A_217 : vector<1x16xf32> to vector<16xf32>
      %add3A_219 = arith.addf %get3A_214, %get3A_218 : vector<16xf32>
      %swap3A_220 = arith.index_cast %scan3A_44 : i32 to index
      %swap3A_221 = arith.constant 192 : index
      %swap3A_222 = tpu.vector_load %arg9[%swap3A_220, %swap3A_221] {strides = array<i32>} : memref<32x1024xf32, #tpu.memory_space<vmem>>, vector<1x16xf32>,
      %swap3A_223 = vector.shape_cast %swap3A_222 : vector<1x16xf32> to vector<16xf32>
      %swap3A_224 = vector.shape_cast %add3A_219 : vector<16xf32> to vector<1x16xf32>
      tpu.vector_store %arg9[%swap3A_220, %swap3A_221], %swap3A_224 {strides = array<i32>} : memref<32x1024xf32, #tpu.memory_space<vmem>>, vector<1x16xf32>,
      %get3A_225 = arith.index_cast %scan3A_44 : i32 to index
      %get3A_226 = arith.constant 208 : index
      %get3A_227 = tpu.vector_load %arg7[%get3A_225, %get3A_226] {strides = array<i32>} : memref<32x1024xf32, #tpu.memory_space<vmem>>, vector<1x16xf32>,
      %get3A_228 = vector.shape_cast %get3A_227 : vector<1x16xf32> to vector<16xf32>
      %get3A_229 = arith.index_cast %scan3A_44 : i32 to index
      %get3A_230 = arith.constant 208 : index
      %get3A_231 = tpu.vector_load %arg8[%get3A_229, %get3A_230] {strides = array<i32>} : memref<32x1024xf32, #tpu.memory_space<vmem>>, vector<1x16xf32>,
      %get3A_232 = vector.shape_cast %get3A_231 : vector<1x16xf32> to vector<16xf32>
      %add3A_233 = arith.addf %get3A_228, %get3A_232 : vector<16xf32>
      %swap3A_234 = arith.index_cast %scan3A_44 : i32 to index
      %swap3A_235 = arith.constant 208 : index
      %swap3A_236 = tpu.vector_load %arg9[%swap3A_234, %swap3A_235] {strides = array<i32>} : memref<32x1024xf32, #tpu.memory_space<vmem>>, vector<1x16xf32>,
      %swap3A_237 = vector.shape_cast %swap3A_236 : vector<1x16xf32> to vector<16xf32>
      %swap3A_238 = vector.shape_cast %add3A_233 : vector<16xf32> to vector<1x16xf32>
      tpu.vector_store %arg9[%swap3A_234, %swap3A_235], %swap3A_238 {strides = array<i32>} : memref<32x1024xf32, #tpu.memory_space<vmem>>, vector<1x16xf32>,
      %get3A_239 = arith.index_cast %scan3A_44 : i32 to index
      %get3A_240 = arith.constant 224 : index
      %get3A_241 = tpu.vector_load %arg7[%get3A_239, %get3A_240] {strides = array<i32>} : memref<32x1024xf32, #tpu.memory_space<vmem>>, vector<1x16xf32>,
      %get3A_242 = vector.shape_cast %get3A_241 : vector<1x16xf32> to vector<16xf32>
      %get3A_243 = arith.index_cast %scan3A_44 : i32 to index
      %get3A_244 = arith.constant 224 : index
      %get3A_245 = tpu.vector_load %arg8[%get3A_243, %get3A_244] {strides = array<i32>} : memref<32x1024xf32, #tpu.memory_space<vmem>>, vector<1x16xf32>,
      %get3A_246 = vector.shape_cast %get3A_245 : vector<1x16xf32> to vector<16xf32>
      %add3A_247 = arith.addf %get3A_242, %get3A_246 : vector<16xf32>
      %swap3A_248 = arith.index_cast %scan3A_44 : i32 to index
      %swap3A_249 = arith.constant 224 : index
      %swap3A_250 = tpu.vector_load %arg9[%swap3A_248, %swap3A_249] {strides = array<i32>} : memref<32x1024xf32, #tpu.memory_space<vmem>>, vector<1x16xf32>,
      %swap3A_251 = vector.shape_cast %swap3A_250 : vector<1x16xf32> to vector<16xf32>
      %swap3A_252 = vector.shape_cast %add3A_247 : vector<16xf32> to vector<1x16xf32>
      tpu.vector_store %arg9[%swap3A_248, %swap3A_249], %swap3A_252 {strides = array<i32>} : memref<32x1024xf32, #tpu.memory_space<vmem>>, vector<1x16xf32>,
      %get3A_253 = arith.index_cast %scan3A_44 : i32 to index
      %get3A_254 = arith.constant 240 : index
      %get3A_255 = tpu.vector_load %arg7[%get3A_253, %get3A_254] {strides = array<i32>} : memref<32x1024xf32, #tpu.memory_space<vmem>>, vector<1x16xf32>,
      %get3A_256 = vector.shape_cast %get3A_255 : vector<1x16xf32> to vector<16xf32>
      %get3A_257 = arith.index_cast %scan3A_44 : i32 to index
      %get3A_258 = arith.constant 240 : index
      %get3A_259 = tpu.vector_load %arg8[%get3A_257, %get3A_258] {strides = array<i32>} : memref<32x1024xf32, #tpu.memory_space<vmem>>, vector<1x16xf32>,
      %get3A_260 = vector.shape_cast %get3A_259 : vector<1x16xf32> to vector<16xf32>
      %add3A_261 = arith.addf %get3A_256, %get3A_260 : vector<16xf32>
      %swap3A_262 = arith.index_cast %scan3A_44 : i32 to index
      %swap3A_263 = arith.constant 240 : index
      %swap3A_264 = tpu.vector_load %arg9[%swap3A_262, %swap3A_263] {strides = array<i32>} : memref<32x1024xf32, #tpu.memory_space<vmem>>, vector<1x16xf32>,
      %swap3A_265 = vector.shape_cast %swap3A_264 : vector<1x16xf32> to vector<16xf32>
      %swap3A_266 = vector.shape_cast %add3A_261 : vector<16xf32> to vector<1x16xf32>
      tpu.vector_store %arg9[%swap3A_262, %swap3A_263], %swap3A_266 {strides = array<i32>} : memref<32x1024xf32, #tpu.memory_space<vmem>>, vector<1x16xf32>,
      %get3A_267 = arith.index_cast %scan3A_44 : i32 to index
      %get3A_268 = arith.constant 256 : index
      %get3A_269 = tpu.vector_load %arg7[%get3A_267, %get3A_268] {strides = array<i32>} : memref<32x1024xf32, #tpu.memory_space<vmem>>, vector<1x16xf32>,
      %get3A_270 = vector.shape_cast %get3A_269 : vector<1x16xf32> to vector<16xf32>
      %get3A_271 = arith.index_cast %scan3A_44 : i32 to index
      %get3A_272 = arith.constant 256 : index
      %get3A_273 = tpu.vector_load %arg8[%get3A_271, %get3A_272] {strides = array<i32>} : memref<32x1024xf32, #tpu.memory_space<vmem>>, vector<1x16xf32>,
      %get3A_274 = vector.shape_cast %get3A_273 : vector<1x16xf32> to vector<16xf32>
      %add3A_275 = arith.addf %get3A_270, %get3A_274 : vector<16xf32>
      %swap3A_276 = arith.index_cast %scan3A_44 : i32 to index
      %swap3A_277 = arith.constant 256 : index
      %swap3A_278 = tpu.vector_load %arg9[%swap3A_276, %swap3A_277] {strides = array<i32>} : memref<32x1024xf32, #tpu.memory_space<vmem>>, vector<1x16xf32>,
      %swap3A_279 = vector.shape_cast %swap3A_278 : vector<1x16xf32> to vector<16xf32>
      %swap3A_280 = vector.shape_cast %add3A_275 : vector<16xf32> to vector<1x16xf32>
      tpu.vector_store %arg9[%swap3A_276, %swap3A_277], %swap3A_280 {strides = array<i32>} : memref<32x1024xf32, #tpu.memory_space<vmem>>, vector<1x16xf32>,
      %get3A_281 = arith.index_cast %scan3A_44 : i32 to index
      %get3A_282 = arith.constant 272 : index
      %get3A_283 = tpu.vector_load %arg7[%get3A_281, %get3A_282] {strides = array<i32>} : memref<32x1024xf32, #tpu.memory_space<vmem>>, vector<1x16xf32>,
      %get3A_284 = vector.shape_cast %get3A_283 : vector<1x16xf32> to vector<16xf32>
      %get3A_285 = arith.index_cast %scan3A_44 : i32 to index
      %get3A_286 = arith.constant 272 : index
      %get3A_287 = tpu.vector_load %arg8[%get3A_285, %get3A_286] {strides = array<i32>} : memref<32x1024xf32, #tpu.memory_space<vmem>>, vector<1x16xf32>,
      %get3A_288 = vector.shape_cast %get3A_287 : vector<1x16xf32> to vector<16xf32>
      %add3A_289 = arith.addf %get3A_284, %get3A_288 : vector<16xf32>
      %swap3A_290 = arith.index_cast %scan3A_44 : i32 to index
      %swap3A_291 = arith.constant 272 : index
      %swap3A_292 = tpu.vector_load %arg9[%swap3A_290, %swap3A_291] {strides = array<i32>} : memref<32x1024xf32, #tpu.memory_space<vmem>>, vector<1x16xf32>,
      %swap3A_293 = vector.shape_cast %swap3A_292 : vector<1x16xf32> to vector<16xf32>
      %swap3A_294 = vector.shape_cast %add3A_289 : vector<16xf32> to vector<1x16xf32>
      tpu.vector_store %arg9[%swap3A_290, %swap3A_291], %swap3A_294 {strides = array<i32>} : memref<32x1024xf32, #tpu.memory_space<vmem>>, vector<1x16xf32>,
      %get3A_295 = arith.index_cast %scan3A_44 : i32 to index
      %get3A_296 = arith.constant 288 : index
      %get3A_297 = tpu.vector_load %arg7[%get3A_295, %get3A_296] {strides = array<i32>} : memref<32x1024xf32, #tpu.memory_space<vmem>>, vector<1x16xf32>,
      %get3A_298 = vector.shape_cast %get3A_297 : vector<1x16xf32> to vector<16xf32>
      %get3A_299 = arith.index_cast %scan3A_44 : i32 to index
      %get3A_300 = arith.constant 288 : index
      %get3A_301 = tpu.vector_load %arg8[%get3A_299, %get3A_300] {strides = array<i32>} : memref<32x1024xf32, #tpu.memory_space<vmem>>, vector<1x16xf32>,
      %get3A_302 = vector.shape_cast %get3A_301 : vector<1x16xf32> to vector<16xf32>
      %add3A_303 = arith.addf %get3A_298, %get3A_302 : vector<16xf32>
      %swap3A_304 = arith.index_cast %scan3A_44 : i32 to index
      %swap3A_305 = arith.constant 288 : index
      %swap3A_306 = tpu.vector_load %arg9[%swap3A_304, %swap3A_305] {strides = array<i32>} : memref<32x1024xf32, #tpu.memory_space<vmem>>, vector<1x16xf32>,
      %swap3A_307 = vector.shape_cast %swap3A_306 : vector<1x16xf32> to vector<16xf32>
      %swap3A_308 = vector.shape_cast %add3A_303 : vector<16xf32> to vector<1x16xf32>
      tpu.vector_store %arg9[%swap3A_304, %swap3A_305], %swap3A_308 {strides = array<i32>} : memref<32x1024xf32, #tpu.memory_space<vmem>>, vector<1x16xf32>,
      %get3A_309 = arith.index_cast %scan3A_44 : i32 to index
      %get3A_310 = arith.constant 304 : index
      %get3A_311 = tpu.vector_load %arg7[%get3A_309, %get3A_310] {strides = array<i32>} : memref<32x1024xf32, #tpu.memory_space<vmem>>, vector<1x16xf32>,
      %get3A_312 = vector.shape_cast %get3A_311 : vector<1x16xf32> to vector<16xf32>
      %get3A_313 = arith.index_cast %scan3A_44 : i32 to index
      %get3A_314 = arith.constant 304 : index
      %get3A_315 = tpu.vector_load %arg8[%get3A_313, %get3A_314] {strides = array<i32>} : memref<32x1024xf32, #tpu.memory_space<vmem>>, vector<1x16xf32>,
      %get3A_316 = vector.shape_cast %get3A_315 : vector<1x16xf32> to vector<16xf32>
      %add3A_317 = arith.addf %get3A_312, %get3A_316 : vector<16xf32>
      %swap3A_318 = arith.index_cast %scan3A_44 : i32 to index
      %swap3A_319 = arith.constant 304 : index
      %swap3A_320 = tpu.vector_load %arg9[%swap3A_318, %swap3A_319] {strides = array<i32>} : memref<32x1024xf32, #tpu.memory_space<vmem>>, vector<1x16xf32>,
      %swap3A_321 = vector.shape_cast %swap3A_320 : vector<1x16xf32> to vector<16xf32>
      %swap3A_322 = vector.shape_cast %add3A_317 : vector<16xf32> to vector<1x16xf32>
      tpu.vector_store %arg9[%swap3A_318, %swap3A_319], %swap3A_322 {strides = array<i32>} : memref<32x1024xf32, #tpu.memory_space<vmem>>, vector<1x16xf32>,
      %get3A_323 = arith.index_cast %scan3A_44 : i32 to index
      %get3A_324 = arith.constant 320 : index
      %get3A_325 = tpu.vector_load %arg7[%get3A_323, %get3A_324] {strides = array<i32>} : memref<32x1024xf32, #tpu.memory_space<vmem>>, vector<1x16xf32>,
      %get3A_326 = vector.shape_cast %get3A_325 : vector<1x16xf32> to vector<16xf32>
      %get3A_327 = arith.index_cast %scan3A_44 : i32 to index
      %get3A_328 = arith.constant 320 : index
      %get3A_329 = tpu.vector_load %arg8[%get3A_327, %get3A_328] {strides = array<i32>} : memref<32x1024xf32, #tpu.memory_space<vmem>>, vector<1x16xf32>,
      %get3A_330 = vector.shape_cast %get3A_329 : vector<1x16xf32> to vector<16xf32>
      %add3A_331 = arith.addf %get3A_326, %get3A_330 : vector<16xf32>
      %swap3A_332 = arith.index_cast %scan3A_44 : i32 to index
      %swap3A_333 = arith.constant 320 : index
      %swap3A_334 = tpu.vector_load %arg9[%swap3A_332, %swap3A_333] {strides = array<i32>} : memref<32x1024xf32, #tpu.memory_space<vmem>>, vector<1x16xf32>,
      %swap3A_335 = vector.shape_cast %swap3A_334 : vector<1x16xf32> to vector<16xf32>
      %swap3A_336 = vector.shape_cast %add3A_331 : vector<16xf32> to vector<1x16xf32>
      tpu.vector_store %arg9[%swap3A_332, %swap3A_333], %swap3A_336 {strides = array<i32>} : memref<32x1024xf32, #tpu.memory_space<vmem>>, vector<1x16xf32>,
      %get3A_337 = arith.index_cast %scan3A_44 : i32 to index
      %get3A_338 = arith.constant 336 : index
      %get3A_339 = tpu.vector_load %arg7[%get3A_337, %get3A_338] {strides = array<i32>} : memref<32x1024xf32, #tpu.memory_space<vmem>>, vector<1x16xf32>,
      %get3A_340 = vector.shape_cast %get3A_339 : vector<1x16xf32> to vector<16xf32>
      %get3A_341 = arith.index_cast %scan3A_44 : i32 to index
      %get3A_342 = arith.constant 336 : index
      %get3A_343 = tpu.vector_load %arg8[%get3A_341, %get3A_342] {strides = array<i32>} : memref<32x1024xf32, #tpu.memory_space<vmem>>, vector<1x16xf32>,
      %get3A_344 = vector.shape_cast %get3A_343 : vector<1x16xf32> to vector<16xf32>
      %add3A_345 = arith.addf %get3A_340, %get3A_344 : vector<16xf32>
      %swap3A_346 = arith.index_cast %scan3A_44 : i32 to index
      %swap3A_347 = arith.constant 336 : index
      %swap3A_348 = tpu.vector_load %arg9[%swap3A_346, %swap3A_347] {strides = array<i32>} : memref<32x1024xf32, #tpu.memory_space<vmem>>, vector<1x16xf32>,
      %swap3A_349 = vector.shape_cast %swap3A_348 : vector<1x16xf32> to vector<16xf32>
      %swap3A_350 = vector.shape_cast %add3A_345 : vector<16xf32> to vector<1x16xf32>
      tpu.vector_store %arg9[%swap3A_346, %swap3A_347], %swap3A_350 {strides = array<i32>} : memref<32x1024xf32, #tpu.memory_space<vmem>>, vector<1x16xf32>,
      %get3A_351 = arith.index_cast %scan3A_44 : i32 to index
      %get3A_352 = arith.constant 352 : index
      %get3A_353 = tpu.vector_load %arg7[%get3A_351, %get3A_352] {strides = array<i32>} : memref<32x1024xf32, #tpu.memory_space<vmem>>, vector<1x16xf32>,
      %get3A_354 = vector.shape_cast %get3A_353 : vector<1x16xf32> to vector<16xf32>
      %get3A_355 = arith.index_cast %scan3A_44 : i32 to index
      %get3A_356 = arith.constant 352 : index
      %get3A_357 = tpu.vector_load %arg8[%get3A_355, %get3A_356] {strides = array<i32>} : memref<32x1024xf32, #tpu.memory_space<vmem>>, vector<1x16xf32>,
      %get3A_358 = vector.shape_cast %get3A_357 : vector<1x16xf32> to vector<16xf32>
      %add3A_359 = arith.addf %get3A_354, %get3A_358 : vector<16xf32>
      %swap3A_360 = arith.index_cast %scan3A_44 : i32 to index
      %swap3A_361 = arith.constant 352 : index
      %swap3A_362 = tpu.vector_load %arg9[%swap3A_360, %swap3A_361] {strides = array<i32>} : memref<32x1024xf32, #tpu.memory_space<vmem>>, vector<1x16xf32>,
      %swap3A_363 = vector.shape_cast %swap3A_362 : vector<1x16xf32> to vector<16xf32>
      %swap3A_364 = vector.shape_cast %add3A_359 : vector<16xf32> to vector<1x16xf32>
      tpu.vector_store %arg9[%swap3A_360, %swap3A_361], %swap3A_364 {strides = array<i32>} : memref<32x1024xf32, #tpu.memory_space<vmem>>, vector<1x16xf32>,
      %get3A_365 = arith.index_cast %scan3A_44 : i32 to index
      %get3A_366 = arith.constant 368 : index
      %get3A_367 = tpu.vector_load %arg7[%get3A_365, %get3A_366] {strides = array<i32>} : memref<32x1024xf32, #tpu.memory_space<vmem>>, vector<1x16xf32>,
      %get3A_368 = vector.shape_cast %get3A_367 : vector<1x16xf32> to vector<16xf32>
      %get3A_369 = arith.index_cast %scan3A_44 : i32 to index
      %get3A_370 = arith.constant 368 : index
      %get3A_371 = tpu.vector_load %arg8[%get3A_369, %get3A_370] {strides = array<i32>} : memref<32x1024xf32, #tpu.memory_space<vmem>>, vector<1x16xf32>,
      %get3A_372 = vector.shape_cast %get3A_371 : vector<1x16xf32> to vector<16xf32>
      %add3A_373 = arith.addf %get3A_368, %get3A_372 : vector<16xf32>
      %swap3A_374 = arith.index_cast %scan3A_44 : i32 to index
      %swap3A_375 = arith.constant 368 : index
      %swap3A_376 = tpu.vector_load %arg9[%swap3A_374, %swap3A_375] {strides = array<i32>} : memref<32x1024xf32, #tpu.memory_space<vmem>>, vector<1x16xf32>,
      %swap3A_377 = vector.shape_cast %swap3A_376 : vector<1x16xf32> to vector<16xf32>
      %swap3A_378 = vector.shape_cast %add3A_373 : vector<16xf32> to vector<1x16xf32>
      tpu.vector_store %arg9[%swap3A_374, %swap3A_375], %swap3A_378 {strides = array<i32>} : memref<32x1024xf32, #tpu.memory_space<vmem>>, vector<1x16xf32>,
      %get3A_379 = arith.index_cast %scan3A_44 : i32 to index
      %get3A_380 = arith.constant 384 : index
      %get3A_381 = tpu.vector_load %arg7[%get3A_379, %get3A_380] {strides = array<i32>} : memref<32x1024xf32, #tpu.memory_space<vmem>>, vector<1x16xf32>,
      %get3A_382 = vector.shape_cast %get3A_381 : vector<1x16xf32> to vector<16xf32>
      %get3A_383 = arith.index_cast %scan3A_44 : i32 to index
      %get3A_384 = arith.constant 384 : index
      %get3A_385 = tpu.vector_load %arg8[%get3A_383, %get3A_384] {strides = array<i32>} : memref<32x1024xf32, #tpu.memory_space<vmem>>, vector<1x16xf32>,
      %get3A_386 = vector.shape_cast %get3A_385 : vector<1x16xf32> to vector<16xf32>
      %add3A_387 = arith.addf %get3A_382, %get3A_386 : vector<16xf32>
      %swap3A_388 = arith.index_cast %scan3A_44 : i32 to index
      %swap3A_389 = arith.constant 384 : index
      %swap3A_390 = tpu.vector_load %arg9[%swap3A_388, %swap3A_389] {strides = array<i32>} : memref<32x1024xf32, #tpu.memory_space<vmem>>, vector<1x16xf32>,
      %swap3A_391 = vector.shape_cast %swap3A_390 : vector<1x16xf32> to vector<16xf32>
      %swap3A_392 = vector.shape_cast %add3A_387 : vector<16xf32> to vector<1x16xf32>
      tpu.vector_store %arg9[%swap3A_388, %swap3A_389], %swap3A_392 {strides = array<i32>} : memref<32x1024xf32, #tpu.memory_space<vmem>>, vector<1x16xf32>,
      %get3A_393 = arith.index_cast %scan3A_44 : i32 to index
      %get3A_394 = arith.constant 400 : index
      %get3A_395 = tpu.vector_load %arg7[%get3A_393, %get3A_394] {strides = array<i32>} : memref<32x1024xf32, #tpu.memory_space<vmem>>, vector<1x16xf32>,
      %get3A_396 = vector.shape_cast %get3A_395 : vector<1x16xf32> to vector<16xf32>
      %get3A_397 = arith.index_cast %scan3A_44 : i32 to index
      %get3A_398 = arith.constant 400 : index
      %get3A_399 = tpu.vector_load %arg8[%get3A_397, %get3A_398] {strides = array<i32>} : memref<32x1024xf32, #tpu.memory_space<vmem>>, vector<1x16xf32>,
      %get3A_400 = vector.shape_cast %get3A_399 : vector<1x16xf32> to vector<16xf32>
      %add3A_401 = arith.addf %get3A_396, %get3A_400 : vector<16xf32>
      %swap3A_402 = arith.index_cast %scan3A_44 : i32 to index
      %swap3A_403 = arith.constant 400 : index
      %swap3A_404 = tpu.vector_load %arg9[%swap3A_402, %swap3A_403] {strides = array<i32>} : memref<32x1024xf32, #tpu.memory_space<vmem>>, vector<1x16xf32>,
      %swap3A_405 = vector.shape_cast %swap3A_404 : vector<1x16xf32> to vector<16xf32>
      %swap3A_406 = vector.shape_cast %add3A_401 : vector<16xf32> to vector<1x16xf32>
      tpu.vector_store %arg9[%swap3A_402, %swap3A_403], %swap3A_406 {strides = array<i32>} : memref<32x1024xf32, #tpu.memory_space<vmem>>, vector<1x16xf32>,
      %get3A_407 = arith.index_cast %scan3A_44 : i32 to index
      %get3A_408 = arith.constant 416 : index
      %get3A_409 = tpu.vector_load %arg7[%get3A_407, %get3A_408] {strides = array<i32>} : memref<32x1024xf32, #tpu.memory_space<vmem>>, vector<1x16xf32>,
      %get3A_410 = vector.shape_cast %get3A_409 : vector<1x16xf32> to vector<16xf32>
      %get3A_411 = arith.index_cast %scan3A_44 : i32 to index
      %get3A_412 = arith.constant 416 : index
      %get3A_413 = tpu.vector_load %arg8[%get3A_411, %get3A_412] {strides = array<i32>} : memref<32x1024xf32, #tpu.memory_space<vmem>>, vector<1x16xf32>,
      %get3A_414 = vector.shape_cast %get3A_413 : vector<1x16xf32> to vector<16xf32>
      %add3A_415 = arith.addf %get3A_410, %get3A_414 : vector<16xf32>
      %swap3A_416 = arith.index_cast %scan3A_44 : i32 to index
      %swap3A_417 = arith.constant 416 : index
      %swap3A_418 = tpu.vector_load %arg9[%swap3A_416, %swap3A_417] {strides = array<i32>} : memref<32x1024xf32, #tpu.memory_space<vmem>>, vector<1x16xf32>,
      %swap3A_419 = vector.shape_cast %swap3A_418 : vector<1x16xf32> to vector<16xf32>
      %swap3A_420 = vector.shape_cast %add3A_415 : vector<16xf32> to vector<1x16xf32>
      tpu.vector_store %arg9[%swap3A_416, %swap3A_417], %swap3A_420 {strides = array<i32>} : memref<32x1024xf32, #tpu.memory_space<vmem>>, vector<1x16xf32>,
      %get3A_421 = arith.index_cast %scan3A_44 : i32 to index
      %get3A_422 = arith.constant 432 : index
      %get3A_423 = tpu.vector_load %arg7[%get3A_421, %get3A_422] {strides = array<i32>} : memref<32x1024xf32, #tpu.memory_space<vmem>>, vector<1x16xf32>,
      %get3A_424 = vector.shape_cast %get3A_423 : vector<1x16xf32> to vector<16xf32>
      %get3A_425 = arith.index_cast %scan3A_44 : i32 to index
      %get3A_426 = arith.constant 432 : index
      %get3A_427 = tpu.vector_load %arg8[%get3A_425, %get3A_426] {strides = array<i32>} : memref<32x1024xf32, #tpu.memory_space<vmem>>, vector<1x16xf32>,
      %get3A_428 = vector.shape_cast %get3A_427 : vector<1x16xf32> to vector<16xf32>
      %add3A_429 = arith.addf %get3A_424, %get3A_428 : vector<16xf32>
      %swap3A_430 = arith.index_cast %scan3A_44 : i32 to index
      %swap3A_431 = arith.constant 432 : index
      %swap3A_432 = tpu.vector_load %arg9[%swap3A_430, %swap3A_431] {strides = array<i32>} : memref<32x1024xf32, #tpu.memory_space<vmem>>, vector<1x16xf32>,
      %swap3A_433 = vector.shape_cast %swap3A_432 : vector<1x16xf32> to vector<16xf32>
      %swap3A_434 = vector.shape_cast %add3A_429 : vector<16xf32> to vector<1x16xf32>
      tpu.vector_store %arg9[%swap3A_430, %swap3A_431], %swap3A_434 {strides = array<i32>} : memref<32x1024xf32, #tpu.memory_space<vmem>>, vector<1x16xf32>,
      %get3A_435 = arith.index_cast %scan3A_44 : i32 to index
      %get3A_436 = arith.constant 448 : index
      %get3A_437 = tpu.vector_load %arg7[%get3A_435, %get3A_436] {strides = array<i32>} : memref<32x1024xf32, #tpu.memory_space<vmem>>, vector<1x16xf32>,
      %get3A_438 = vector.shape_cast %get3A_437 : vector<1x16xf32> to vector<16xf32>
      %get3A_439 = arith.index_cast %scan3A_44 : i32 to index
      %get3A_440 = arith.constant 448 : index
      %get3A_441 = tpu.vector_load %arg8[%get3A_439, %get3A_440] {strides = array<i32>} : memref<32x1024xf32, #tpu.memory_space<vmem>>, vector<1x16xf32>,
      %get3A_442 = vector.shape_cast %get3A_441 : vector<1x16xf32> to vector<16xf32>
      %add3A_443 = arith.addf %get3A_438, %get3A_442 : vector<16xf32>
      %swap3A_444 = arith.index_cast %scan3A_44 : i32 to index
      %swap3A_445 = arith.constant 448 : index
      %swap3A_446 = tpu.vector_load %arg9[%swap3A_444, %swap3A_445] {strides = array<i32>} : memref<32x1024xf32, #tpu.memory_space<vmem>>, vector<1x16xf32>,
      %swap3A_447 = vector.shape_cast %swap3A_446 : vector<1x16xf32> to vector<16xf32>
      %swap3A_448 = vector.shape_cast %add3A_443 : vector<16xf32> to vector<1x16xf32>
      tpu.vector_store %arg9[%swap3A_444, %swap3A_445], %swap3A_448 {strides = array<i32>} : memref<32x1024xf32, #tpu.memory_space<vmem>>, vector<1x16xf32>,
      %get3A_449 = arith.index_cast %scan3A_44 : i32 to index
      %get3A_450 = arith.constant 464 : index
      %get3A_451 = tpu.vector_load %arg7[%get3A_449, %get3A_450] {strides = array<i32>} : memref<32x1024xf32, #tpu.memory_space<vmem>>, vector<1x16xf32>,
      %get3A_452 = vector.shape_cast %get3A_451 : vector<1x16xf32> to vector<16xf32>
      %get3A_453 = arith.index_cast %scan3A_44 : i32 to index
      %get3A_454 = arith.constant 464 : index
      %get3A_455 = tpu.vector_load %arg8[%get3A_453, %get3A_454] {strides = array<i32>} : memref<32x1024xf32, #tpu.memory_space<vmem>>, vector<1x16xf32>,
      %get3A_456 = vector.shape_cast %get3A_455 : vector<1x16xf32> to vector<16xf32>
      %add3A_457 = arith.addf %get3A_452, %get3A_456 : vector<16xf32>
      %swap3A_458 = arith.index_cast %scan3A_44 : i32 to index
      %swap3A_459 = arith.constant 464 : index
      %swap3A_460 = tpu.vector_load %arg9[%swap3A_458, %swap3A_459] {strides = array<i32>} : memref<32x1024xf32, #tpu.memory_space<vmem>>, vector<1x16xf32>,
      %swap3A_461 = vector.shape_cast %swap3A_460 : vector<1x16xf32> to vector<16xf32>
      %swap3A_462 = vector.shape_cast %add3A_457 : vector<16xf32> to vector<1x16xf32>
      tpu.vector_store %arg9[%swap3A_458, %swap3A_459], %swap3A_462 {strides = array<i32>} : memref<32x1024xf32, #tpu.memory_space<vmem>>, vector<1x16xf32>,
      %get3A_463 = arith.index_cast %scan3A_44 : i32 to index
      %get3A_464 = arith.constant 480 : index
      %get3A_465 = tpu.vector_load %arg7[%get3A_463, %get3A_464] {strides = array<i32>} : memref<32x1024xf32, #tpu.memory_space<vmem>>, vector<1x16xf32>,
      %get3A_466 = vector.shape_cast %get3A_465 : vector<1x16xf32> to vector<16xf32>
      %get3A_467 = arith.index_cast %scan3A_44 : i32 to index
      %get3A_468 = arith.constant 480 : index
      %get3A_469 = tpu.vector_load %arg8[%get3A_467, %get3A_468] {strides = array<i32>} : memref<32x1024xf32, #tpu.memory_space<vmem>>, vector<1x16xf32>,
      %get3A_470 = vector.shape_cast %get3A_469 : vector<1x16xf32> to vector<16xf32>
      %add3A_471 = arith.addf %get3A_466, %get3A_470 : vector<16xf32>
      %swap3A_472 = arith.index_cast %scan3A_44 : i32 to index
      %swap3A_473 = arith.constant 480 : index
      %swap3A_474 = tpu.vector_load %arg9[%swap3A_472, %swap3A_473] {strides = array<i32>} : memref<32x1024xf32, #tpu.memory_space<vmem>>, vector<1x16xf32>,
      %swap3A_475 = vector.shape_cast %swap3A_474 : vector<1x16xf32> to vector<16xf32>
      %swap3A_476 = vector.shape_cast %add3A_471 : vector<16xf32> to vector<1x16xf32>
      tpu.vector_store %arg9[%swap3A_472, %swap3A_473], %swap3A_476 {strides = array<i32>} : memref<32x1024xf32, #tpu.memory_space<vmem>>, vector<1x16xf32>,
      %get3A_477 = arith.index_cast %scan3A_44 : i32 to index
      %get3A_478 = arith.constant 496 : index
      %get3A_479 = tpu.vector_load %arg7[%get3A_477, %get3A_478] {strides = array<i32>} : memref<32x1024xf32, #tpu.memory_space<vmem>>, vector<1x16xf32>,
      %get3A_480 = vector.shape_cast %get3A_479 : vector<1x16xf32> to vector<16xf32>
      %get3A_481 = arith.index_cast %scan3A_44 : i32 to index
      %get3A_482 = arith.constant 496 : index
      %get3A_483 = tpu.vector_load %arg8[%get3A_481, %get3A_482] {strides = array<i32>} : memref<32x1024xf32, #tpu.memory_space<vmem>>, vector<1x16xf32>,
      %get3A_484 = vector.shape_cast %get3A_483 : vector<1x16xf32> to vector<16xf32>
      %add3A_485 = arith.addf %get3A_480, %get3A_484 : vector<16xf32>
      %swap3A_486 = arith.index_cast %scan3A_44 : i32 to index
      %swap3A_487 = arith.constant 496 : index
      %swap3A_488 = tpu.vector_load %arg9[%swap3A_486, %swap3A_487] {strides = array<i32>} : memref<32x1024xf32, #tpu.memory_space<vmem>>, vector<1x16xf32>,
      %swap3A_489 = vector.shape_cast %swap3A_488 : vector<1x16xf32> to vector<16xf32>
      %swap3A_490 = vector.shape_cast %add3A_485 : vector<16xf32> to vector<1x16xf32>
      tpu.vector_store %arg9[%swap3A_486, %swap3A_487], %swap3A_490 {strides = array<i32>} : memref<32x1024xf32, #tpu.memory_space<vmem>>, vector<1x16xf32>,
      %get3A_491 = arith.index_cast %scan3A_44 : i32 to index
      %get3A_492 = arith.constant 512 : index
      %get3A_493 = tpu.vector_load %arg7[%get3A_491, %get3A_492] {strides = array<i32>} : memref<32x1024xf32, #tpu.memory_space<vmem>>, vector<1x16xf32>,
      %get3A_494 = vector.shape_cast %get3A_493 : vector<1x16xf32> to vector<16xf32>
      %get3A_495 = arith.index_cast %scan3A_44 : i32 to index
      %get3A_496 = arith.constant 512 : index
      %get3A_497 = tpu.vector_load %arg8[%get3A_495, %get3A_496] {strides = array<i32>} : memref<32x1024xf32, #tpu.memory_space<vmem>>, vector<1x16xf32>,
      %get3A_498 = vector.shape_cast %get3A_497 : vector<1x16xf32> to vector<16xf32>
      %add3A_499 = arith.addf %get3A_494, %get3A_498 : vector<16xf32>
      %swap3A_500 = arith.index_cast %scan3A_44 : i32 to index
      %swap3A_501 = arith.constant 512 : index
      %swap3A_502 = tpu.vector_load %arg9[%swap3A_500, %swap3A_501] {strides = array<i32>} : memref<32x1024xf32, #tpu.memory_space<vmem>>, vector<1x16xf32>,
      %swap3A_503 = vector.shape_cast %swap3A_502 : vector<1x16xf32> to vector<16xf32>
      %swap3A_504 = vector.shape_cast %add3A_499 : vector<16xf32> to vector<1x16xf32>
      tpu.vector_store %arg9[%swap3A_500, %swap3A_501], %swap3A_504 {strides = array<i32>} : memref<32x1024xf32, #tpu.memory_space<vmem>>, vector<1x16xf32>,
      %get3A_505 = arith.index_cast %scan3A_44 : i32 to index
      %get3A_506 = arith.constant 528 : index
      %get3A_507 = tpu.vector_load %arg7[%get3A_505, %get3A_506] {strides = array<i32>} : memref<32x1024xf32, #tpu.memory_space<vmem>>, vector<1x16xf32>,
      %get3A_508 = vector.shape_cast %get3A_507 : vector<1x16xf32> to vector<16xf32>
      %get3A_509 = arith.index_cast %scan3A_44 : i32 to index
      %get3A_510 = arith.constant 528 : index
      %get3A_511 = tpu.vector_load %arg8[%get3A_509, %get3A_510] {strides = array<i32>} : memref<32x1024xf32, #tpu.memory_space<vmem>>, vector<1x16xf32>,
      %get3A_512 = vector.shape_cast %get3A_511 : vector<1x16xf32> to vector<16xf32>
      %add3A_513 = arith.addf %get3A_508, %get3A_512 : vector<16xf32>
      %swap3A_514 = arith.index_cast %scan3A_44 : i32 to index
      %swap3A_515 = arith.constant 528 : index
      %swap3A_516 = tpu.vector_load %arg9[%swap3A_514, %swap3A_515] {strides = array<i32>} : memref<32x1024xf32, #tpu.memory_space<vmem>>, vector<1x16xf32>,
      %swap3A_517 = vector.shape_cast %swap3A_516 : vector<1x16xf32> to vector<16xf32>
      %swap3A_518 = vector.shape_cast %add3A_513 : vector<16xf32> to vector<1x16xf32>
      tpu.vector_store %arg9[%swap3A_514, %swap3A_515], %swap3A_518 {strides = array<i32>} : memref<32x1024xf32, #tpu.memory_space<vmem>>, vector<1x16xf32>,
      %get3A_519 = arith.index_cast %scan3A_44 : i32 to index
      %get3A_520 = arith.constant 544 : index
      %get3A_521 = tpu.vector_load %arg7[%get3A_519, %get3A_520] {strides = array<i32>} : memref<32x1024xf32, #tpu.memory_space<vmem>>, vector<1x16xf32>,
      %get3A_522 = vector.shape_cast %get3A_521 : vector<1x16xf32> to vector<16xf32>
      %get3A_523 = arith.index_cast %scan3A_44 : i32 to index
      %get3A_524 = arith.constant 544 : index
      %get3A_525 = tpu.vector_load %arg8[%get3A_523, %get3A_524] {strides = array<i32>} : memref<32x1024xf32, #tpu.memory_space<vmem>>, vector<1x16xf32>,
      %get3A_526 = vector.shape_cast %get3A_525 : vector<1x16xf32> to vector<16xf32>
      %add3A_527 = arith.addf %get3A_522, %get3A_526 : vector<16xf32>
      %swap3A_528 = arith.index_cast %scan3A_44 : i32 to index
      %swap3A_529 = arith.constant 544 : index
      %swap3A_530 = tpu.vector_load %arg9[%swap3A_528, %swap3A_529] {strides = array<i32>} : memref<32x1024xf32, #tpu.memory_space<vmem>>, vector<1x16xf32>,
      %swap3A_531 = vector.shape_cast %swap3A_530 : vector<1x16xf32> to vector<16xf32>
      %swap3A_532 = vector.shape_cast %add3A_527 : vector<16xf32> to vector<1x16xf32>
      tpu.vector_store %arg9[%swap3A_528, %swap3A_529], %swap3A_532 {strides = array<i32>} : memref<32x1024xf32, #tpu.memory_space<vmem>>, vector<1x16xf32>,
      %get3A_533 = arith.index_cast %scan3A_44 : i32 to index
      %get3A_534 = arith.constant 560 : index
      %get3A_535 = tpu.vector_load %arg7[%get3A_533, %get3A_534] {strides = array<i32>} : memref<32x1024xf32, #tpu.memory_space<vmem>>, vector<1x16xf32>,
      %get3A_536 = vector.shape_cast %get3A_535 : vector<1x16xf32> to vector<16xf32>
      %get3A_537 = arith.index_cast %scan3A_44 : i32 to index
      %get3A_538 = arith.constant 560 : index
      %get3A_539 = tpu.vector_load %arg8[%get3A_537, %get3A_538] {strides = array<i32>} : memref<32x1024xf32, #tpu.memory_space<vmem>>, vector<1x16xf32>,
      %get3A_540 = vector.shape_cast %get3A_539 : vector<1x16xf32> to vector<16xf32>
      %add3A_541 = arith.addf %get3A_536, %get3A_540 : vector<16xf32>
      %swap3A_542 = arith.index_cast %scan3A_44 : i32 to index
      %swap3A_543 = arith.constant 560 : index
      %swap3A_544 = tpu.vector_load %arg9[%swap3A_542, %swap3A_543] {strides = array<i32>} : memref<32x1024xf32, #tpu.memory_space<vmem>>, vector<1x16xf32>,
      %swap3A_545 = vector.shape_cast %swap3A_544 : vector<1x16xf32> to vector<16xf32>
      %swap3A_546 = vector.shape_cast %add3A_541 : vector<16xf32> to vector<1x16xf32>
      tpu.vector_store %arg9[%swap3A_542, %swap3A_543], %swap3A_546 {strides = array<i32>} : memref<32x1024xf32, #tpu.memory_space<vmem>>, vector<1x16xf32>,
      %get3A_547 = arith.index_cast %scan3A_44 : i32 to index
      %get3A_548 = arith.constant 576 : index
      %get3A_549 = tpu.vector_load %arg7[%get3A_547, %get3A_548] {strides = array<i32>} : memref<32x1024xf32, #tpu.memory_space<vmem>>, vector<1x16xf32>,
      %get3A_550 = vector.shape_cast %get3A_549 : vector<1x16xf32> to vector<16xf32>
      %get3A_551 = arith.index_cast %scan3A_44 : i32 to index
      %get3A_552 = arith.constant 576 : index
      %get3A_553 = tpu.vector_load %arg8[%get3A_551, %get3A_552] {strides = array<i32>} : memref<32x1024xf32, #tpu.memory_space<vmem>>, vector<1x16xf32>,
      %get3A_554 = vector.shape_cast %get3A_553 : vector<1x16xf32> to vector<16xf32>
      %add3A_555 = arith.addf %get3A_550, %get3A_554 : vector<16xf32>
      %swap3A_556 = arith.index_cast %scan3A_44 : i32 to index
      %swap3A_557 = arith.constant 576 : index
      %swap3A_558 = tpu.vector_load %arg9[%swap3A_556, %swap3A_557] {strides = array<i32>} : memref<32x1024xf32, #tpu.memory_space<vmem>>, vector<1x16xf32>,
      %swap3A_559 = vector.shape_cast %swap3A_558 : vector<1x16xf32> to vector<16xf32>
      %swap3A_560 = vector.shape_cast %add3A_555 : vector<16xf32> to vector<1x16xf32>
      tpu.vector_store %arg9[%swap3A_556, %swap3A_557], %swap3A_560 {strides = array<i32>} : memref<32x1024xf32, #tpu.memory_space<vmem>>, vector<1x16xf32>,
      %get3A_561 = arith.index_cast %scan3A_44 : i32 to index
      %get3A_562 = arith.constant 592 : index
      %get3A_563 = tpu.vector_load %arg7[%get3A_561, %get3A_562] {strides = array<i32>} : memref<32x1024xf32, #tpu.memory_space<vmem>>, vector<1x16xf32>,
      %get3A_564 = vector.shape_cast %get3A_563 : vector<1x16xf32> to vector<16xf32>
      %get3A_565 = arith.index_cast %scan3A_44 : i32 to index
      %get3A_566 = arith.constant 592 : index
      %get3A_567 = tpu.vector_load %arg8[%get3A_565, %get3A_566] {strides = array<i32>} : memref<32x1024xf32, #tpu.memory_space<vmem>>, vector<1x16xf32>,
      %get3A_568 = vector.shape_cast %get3A_567 : vector<1x16xf32> to vector<16xf32>
      %add3A_569 = arith.addf %get3A_564, %get3A_568 : vector<16xf32>
      %swap3A_570 = arith.index_cast %scan3A_44 : i32 to index
      %swap3A_571 = arith.constant 592 : index
      %swap3A_572 = tpu.vector_load %arg9[%swap3A_570, %swap3A_571] {strides = array<i32>} : memref<32x1024xf32, #tpu.memory_space<vmem>>, vector<1x16xf32>,
      %swap3A_573 = vector.shape_cast %swap3A_572 : vector<1x16xf32> to vector<16xf32>
      %swap3A_574 = vector.shape_cast %add3A_569 : vector<16xf32> to vector<1x16xf32>
      tpu.vector_store %arg9[%swap3A_570, %swap3A_571], %swap3A_574 {strides = array<i32>} : memref<32x1024xf32, #tpu.memory_space<vmem>>, vector<1x16xf32>,
      %get3A_575 = arith.index_cast %scan3A_44 : i32 to index
      %get3A_576 = arith.constant 608 : index
      %get3A_577 = tpu.vector_load %arg7[%get3A_575, %get3A_576] {strides = array<i32>} : memref<32x1024xf32, #tpu.memory_space<vmem>>, vector<1x16xf32>,
      %get3A_578 = vector.shape_cast %get3A_577 : vector<1x16xf32> to vector<16xf32>
      %get3A_579 = arith.index_cast %scan3A_44 : i32 to index
      %get3A_580 = arith.constant 608 : index
      %get3A_581 = tpu.vector_load %arg8[%get3A_579, %get3A_580] {strides = array<i32>} : memref<32x1024xf32, #tpu.memory_space<vmem>>, vector<1x16xf32>,
      %get3A_582 = vector.shape_cast %get3A_581 : vector<1x16xf32> to vector<16xf32>
      %add3A_583 = arith.addf %get3A_578, %get3A_582 : vector<16xf32>
      %swap3A_584 = arith.index_cast %scan3A_44 : i32 to index
      %swap3A_585 = arith.constant 608 : index
      %swap3A_586 = tpu.vector_load %arg9[%swap3A_584, %swap3A_585] {strides = array<i32>} : memref<32x1024xf32, #tpu.memory_space<vmem>>, vector<1x16xf32>,
      %swap3A_587 = vector.shape_cast %swap3A_586 : vector<1x16xf32> to vector<16xf32>
      %swap3A_588 = vector.shape_cast %add3A_583 : vector<16xf32> to vector<1x16xf32>
      tpu.vector_store %arg9[%swap3A_584, %swap3A_585], %swap3A_588 {strides = array<i32>} : memref<32x1024xf32, #tpu.memory_space<vmem>>, vector<1x16xf32>,
      %get3A_589 = arith.index_cast %scan3A_44 : i32 to index
      %get3A_590 = arith.constant 624 : index
      %get3A_591 = tpu.vector_load %arg7[%get3A_589, %get3A_590] {strides = array<i32>} : memref<32x1024xf32, #tpu.memory_space<vmem>>, vector<1x16xf32>,
      %get3A_592 = vector.shape_cast %get3A_591 : vector<1x16xf32> to vector<16xf32>
      %get3A_593 = arith.index_cast %scan3A_44 : i32 to index
      %get3A_594 = arith.constant 624 : index
      %get3A_595 = tpu.vector_load %arg8[%get3A_593, %get3A_594] {strides = array<i32>} : memref<32x1024xf32, #tpu.memory_space<vmem>>, vector<1x16xf32>,
      %get3A_596 = vector.shape_cast %get3A_595 : vector<1x16xf32> to vector<16xf32>
      %add3A_597 = arith.addf %get3A_592, %get3A_596 : vector<16xf32>
      %swap3A_598 = arith.index_cast %scan3A_44 : i32 to index
      %swap3A_599 = arith.constant 624 : index
      %swap3A_600 = tpu.vector_load %arg9[%swap3A_598, %swap3A_599] {strides = array<i32>} : memref<32x1024xf32, #tpu.memory_space<vmem>>, vector<1x16xf32>,
      %swap3A_601 = vector.shape_cast %swap3A_600 : vector<1x16xf32> to vector<16xf32>
      %swap3A_602 = vector.shape_cast %add3A_597 : vector<16xf32> to vector<1x16xf32>
      tpu.vector_store %arg9[%swap3A_598, %swap3A_599], %swap3A_602 {strides = array<i32>} : memref<32x1024xf32, #tpu.memory_space<vmem>>, vector<1x16xf32>,
      %get3A_603 = arith.index_cast %scan3A_44 : i32 to index
      %get3A_604 = arith.constant 640 : index
      %get3A_605 = tpu.vector_load %arg7[%get3A_603, %get3A_604] {strides = array<i32>} : memref<32x1024xf32, #tpu.memory_space<vmem>>, vector<1x16xf32>,
      %get3A_606 = vector.shape_cast %get3A_605 : vector<1x16xf32> to vector<16xf32>
      %get3A_607 = arith.index_cast %scan3A_44 : i32 to index
      %get3A_608 = arith.constant 640 : index
      %get3A_609 = tpu.vector_load %arg8[%get3A_607, %get3A_608] {strides = array<i32>} : memref<32x1024xf32, #tpu.memory_space<vmem>>, vector<1x16xf32>,
      %get3A_610 = vector.shape_cast %get3A_609 : vector<1x16xf32> to vector<16xf32>
      %add3A_611 = arith.addf %get3A_606, %get3A_610 : vector<16xf32>
      %swap3A_612 = arith.index_cast %scan3A_44 : i32 to index
      %swap3A_613 = arith.constant 640 : index
      %swap3A_614 = tpu.vector_load %arg9[%swap3A_612, %swap3A_613] {strides = array<i32>} : memref<32x1024xf32, #tpu.memory_space<vmem>>, vector<1x16xf32>,
      %swap3A_615 = vector.shape_cast %swap3A_614 : vector<1x16xf32> to vector<16xf32>
      %swap3A_616 = vector.shape_cast %add3A_611 : vector<16xf32> to vector<1x16xf32>
      tpu.vector_store %arg9[%swap3A_612, %swap3A_613], %swap3A_616 {strides = array<i32>} : memref<32x1024xf32, #tpu.memory_space<vmem>>, vector<1x16xf32>,
      %get3A_617 = arith.index_cast %scan3A_44 : i32 to index
      %get3A_618 = arith.constant 656 : index
      %get3A_619 = tpu.vector_load %arg7[%get3A_617, %get3A_618] {strides = array<i32>} : memref<32x1024xf32, #tpu.memory_space<vmem>>, vector<1x16xf32>,
      %get3A_620 = vector.shape_cast %get3A_619 : vector<1x16xf32> to vector<16xf32>
      %get3A_621 = arith.index_cast %scan3A_44 : i32 to index
      %get3A_622 = arith.constant 656 : index
      %get3A_623 = tpu.vector_load %arg8[%get3A_621, %get3A_622] {strides = array<i32>} : memref<32x1024xf32, #tpu.memory_space<vmem>>, vector<1x16xf32>,
      %get3A_624 = vector.shape_cast %get3A_623 : vector<1x16xf32> to vector<16xf32>
      %add3A_625 = arith.addf %get3A_620, %get3A_624 : vector<16xf32>
      %swap3A_626 = arith.index_cast %scan3A_44 : i32 to index
      %swap3A_627 = arith.constant 656 : index
      %swap3A_628 = tpu.vector_load %arg9[%swap3A_626, %swap3A_627] {strides = array<i32>} : memref<32x1024xf32, #tpu.memory_space<vmem>>, vector<1x16xf32>,
      %swap3A_629 = vector.shape_cast %swap3A_628 : vector<1x16xf32> to vector<16xf32>
      %swap3A_630 = vector.shape_cast %add3A_625 : vector<16xf32> to vector<1x16xf32>
      tpu.vector_store %arg9[%swap3A_626, %swap3A_627], %swap3A_630 {strides = array<i32>} : memref<32x1024xf32, #tpu.memory_space<vmem>>, vector<1x16xf32>,
      %get3A_631 = arith.index_cast %scan3A_44 : i32 to index
      %get3A_632 = arith.constant 672 : index
      %get3A_633 = tpu.vector_load %arg7[%get3A_631, %get3A_632] {strides = array<i32>} : memref<32x1024xf32, #tpu.memory_space<vmem>>, vector<1x16xf32>,
      %get3A_634 = vector.shape_cast %get3A_633 : vector<1x16xf32> to vector<16xf32>
      %get3A_635 = arith.index_cast %scan3A_44 : i32 to index
      %get3A_636 = arith.constant 672 : index
      %get3A_637 = tpu.vector_load %arg8[%get3A_635, %get3A_636] {strides = array<i32>} : memref<32x1024xf32, #tpu.memory_space<vmem>>, vector<1x16xf32>,
      %get3A_638 = vector.shape_cast %get3A_637 : vector<1x16xf32> to vector<16xf32>
      %add3A_639 = arith.addf %get3A_634, %get3A_638 : vector<16xf32>
      %swap3A_640 = arith.index_cast %scan3A_44 : i32 to index
      %swap3A_641 = arith.constant 672 : index
      %swap3A_642 = tpu.vector_load %arg9[%swap3A_640, %swap3A_641] {strides = array<i32>} : memref<32x1024xf32, #tpu.memory_space<vmem>>, vector<1x16xf32>,
      %swap3A_643 = vector.shape_cast %swap3A_642 : vector<1x16xf32> to vector<16xf32>
      %swap3A_644 = vector.shape_cast %add3A_639 : vector<16xf32> to vector<1x16xf32>
      tpu.vector_store %arg9[%swap3A_640, %swap3A_641], %swap3A_644 {strides = array<i32>} : memref<32x1024xf32, #tpu.memory_space<vmem>>, vector<1x16xf32>,
      %get3A_645 = arith.index_cast %scan3A_44 : i32 to index
      %get3A_646 = arith.constant 688 : index
      %get3A_647 = tpu.vector_load %arg7[%get3A_645, %get3A_646] {strides = array<i32>} : memref<32x1024xf32, #tpu.memory_space<vmem>>, vector<1x16xf32>,
      %get3A_648 = vector.shape_cast %get3A_647 : vector<1x16xf32> to vector<16xf32>
      %get3A_649 = arith.index_cast %scan3A_44 : i32 to index
      %get3A_650 = arith.constant 688 : index
      %get3A_651 = tpu.vector_load %arg8[%get3A_649, %get3A_650] {strides = array<i32>} : memref<32x1024xf32, #tpu.memory_space<vmem>>, vector<1x16xf32>,
      %get3A_652 = vector.shape_cast %get3A_651 : vector<1x16xf32> to vector<16xf32>
      %add3A_653 = arith.addf %get3A_648, %get3A_652 : vector<16xf32>
      %swap3A_654 = arith.index_cast %scan3A_44 : i32 to index
      %swap3A_655 = arith.constant 688 : index
      %swap3A_656 = tpu.vector_load %arg9[%swap3A_654, %swap3A_655] {strides = array<i32>} : memref<32x1024xf32, #tpu.memory_space<vmem>>, vector<1x16xf32>,
      %swap3A_657 = vector.shape_cast %swap3A_656 : vector<1x16xf32> to vector<16xf32>
      %swap3A_658 = vector.shape_cast %add3A_653 : vector<16xf32> to vector<1x16xf32>
      tpu.vector_store %arg9[%swap3A_654, %swap3A_655], %swap3A_658 {strides = array<i32>} : memref<32x1024xf32, #tpu.memory_space<vmem>>, vector<1x16xf32>,
      %get3A_659 = arith.index_cast %scan3A_44 : i32 to index
      %get3A_660 = arith.constant 704 : index
      %get3A_661 = tpu.vector_load %arg7[%get3A_659, %get3A_660] {strides = array<i32>} : memref<32x1024xf32, #tpu.memory_space<vmem>>, vector<1x16xf32>,
      %get3A_662 = vector.shape_cast %get3A_661 : vector<1x16xf32> to vector<16xf32>
      %get3A_663 = arith.index_cast %scan3A_44 : i32 to index
      %get3A_664 = arith.constant 704 : index
      %get3A_665 = tpu.vector_load %arg8[%get3A_663, %get3A_664] {strides = array<i32>} : memref<32x1024xf32, #tpu.memory_space<vmem>>, vector<1x16xf32>,
      %get3A_666 = vector.shape_cast %get3A_665 : vector<1x16xf32> to vector<16xf32>
      %add3A_667 = arith.addf %get3A_662, %get3A_666 : vector<16xf32>
      %swap3A_668 = arith.index_cast %scan3A_44 : i32 to index
      %swap3A_669 = arith.constant 704 : index
      %swap3A_670 = tpu.vector_load %arg9[%swap3A_668, %swap3A_669] {strides = array<i32>} : memref<32x1024xf32, #tpu.memory_space<vmem>>, vector<1x16xf32>,
      %swap3A_671 = vector.shape_cast %swap3A_670 : vector<1x16xf32> to vector<16xf32>
      %swap3A_672 = vector.shape_cast %add3A_667 : vector<16xf32> to vector<1x16xf32>
      tpu.vector_store %arg9[%swap3A_668, %swap3A_669], %swap3A_672 {strides = array<i32>} : memref<32x1024xf32, #tpu.memory_space<vmem>>, vector<1x16xf32>,
      %get3A_673 = arith.index_cast %scan3A_44 : i32 to index
      %get3A_674 = arith.constant 720 : index
      %get3A_675 = tpu.vector_load %arg7[%get3A_673, %get3A_674] {strides = array<i32>} : memref<32x1024xf32, #tpu.memory_space<vmem>>, vector<1x16xf32>,
      %get3A_676 = vector.shape_cast %get3A_675 : vector<1x16xf32> to vector<16xf32>
      %get3A_677 = arith.index_cast %scan3A_44 : i32 to index
      %get3A_678 = arith.constant 720 : index
      %get3A_679 = tpu.vector_load %arg8[%get3A_677, %get3A_678] {strides = array<i32>} : memref<32x1024xf32, #tpu.memory_space<vmem>>, vector<1x16xf32>,
      %get3A_680 = vector.shape_cast %get3A_679 : vector<1x16xf32> to vector<16xf32>
      %add3A_681 = arith.addf %get3A_676, %get3A_680 : vector<16xf32>
      %swap3A_682 = arith.index_cast %scan3A_44 : i32 to index
      %swap3A_683 = arith.constant 720 : index
      %swap3A_684 = tpu.vector_load %arg9[%swap3A_682, %swap3A_683] {strides = array<i32>} : memref<32x1024xf32, #tpu.memory_space<vmem>>, vector<1x16xf32>,
      %swap3A_685 = vector.shape_cast %swap3A_684 : vector<1x16xf32> to vector<16xf32>
      %swap3A_686 = vector.shape_cast %add3A_681 : vector<16xf32> to vector<1x16xf32>
      tpu.vector_store %arg9[%swap3A_682, %swap3A_683], %swap3A_686 {strides = array<i32>} : memref<32x1024xf32, #tpu.memory_space<vmem>>, vector<1x16xf32>,
      %get3A_687 = arith.index_cast %scan3A_44 : i32 to index
      %get3A_688 = arith.constant 736 : index
      %get3A_689 = tpu.vector_load %arg7[%get3A_687, %get3A_688] {strides = array<i32>} : memref<32x1024xf32, #tpu.memory_space<vmem>>, vector<1x16xf32>,
      %get3A_690 = vector.shape_cast %get3A_689 : vector<1x16xf32> to vector<16xf32>
      %get3A_691 = arith.index_cast %scan3A_44 : i32 to index
      %get3A_692 = arith.constant 736 : index
      %get3A_693 = tpu.vector_load %arg8[%get3A_691, %get3A_692] {strides = array<i32>} : memref<32x1024xf32, #tpu.memory_space<vmem>>, vector<1x16xf32>,
      %get3A_694 = vector.shape_cast %get3A_693 : vector<1x16xf32> to vector<16xf32>
      %add3A_695 = arith.addf %get3A_690, %get3A_694 : vector<16xf32>
      %swap3A_696 = arith.index_cast %scan3A_44 : i32 to index
      %swap3A_697 = arith.constant 736 : index
      %swap3A_698 = tpu.vector_load %arg9[%swap3A_696, %swap3A_697] {strides = array<i32>} : memref<32x1024xf32, #tpu.memory_space<vmem>>, vector<1x16xf32>,
      %swap3A_699 = vector.shape_cast %swap3A_698 : vector<1x16xf32> to vector<16xf32>
      %swap3A_700 = vector.shape_cast %add3A_695 : vector<16xf32> to vector<1x16xf32>
      tpu.vector_store %arg9[%swap3A_696, %swap3A_697], %swap3A_700 {strides = array<i32>} : memref<32x1024xf32, #tpu.memory_space<vmem>>, vector<1x16xf32>,
      %get3A_701 = arith.index_cast %scan3A_44 : i32 to index
      %get3A_702 = arith.constant 752 : index
      %get3A_703 = tpu.vector_load %arg7[%get3A_701, %get3A_702] {strides = array<i32>} : memref<32x1024xf32, #tpu.memory_space<vmem>>, vector<1x16xf32>,
      %get3A_704 = vector.shape_cast %get3A_703 : vector<1x16xf32> to vector<16xf32>
      %get3A_705 = arith.index_cast %scan3A_44 : i32 to index
      %get3A_706 = arith.constant 752 : index
      %get3A_707 = tpu.vector_load %arg8[%get3A_705, %get3A_706] {strides = array<i32>} : memref<32x1024xf32, #tpu.memory_space<vmem>>, vector<1x16xf32>,
      %get3A_708 = vector.shape_cast %get3A_707 : vector<1x16xf32> to vector<16xf32>
      %add3A_709 = arith.addf %get3A_704, %get3A_708 : vector<16xf32>
      %swap3A_710 = arith.index_cast %scan3A_44 : i32 to index
      %swap3A_711 = arith.constant 752 : index
      %swap3A_712 = tpu.vector_load %arg9[%swap3A_710, %swap3A_711] {strides = array<i32>} : memref<32x1024xf32, #tpu.memory_space<vmem>>, vector<1x16xf32>,
      %swap3A_713 = vector.shape_cast %swap3A_712 : vector<1x16xf32> to vector<16xf32>
      %swap3A_714 = vector.shape_cast %add3A_709 : vector<16xf32> to vector<1x16xf32>
      tpu.vector_store %arg9[%swap3A_710, %swap3A_711], %swap3A_714 {strides = array<i32>} : memref<32x1024xf32, #tpu.memory_space<vmem>>, vector<1x16xf32>,
      %get3A_715 = arith.index_cast %scan3A_44 : i32 to index
      %get3A_716 = arith.constant 768 : index
      %get3A_717 = tpu.vector_load %arg7[%get3A_715, %get3A_716] {strides = array<i32>} : memref<32x1024xf32, #tpu.memory_space<vmem>>, vector<1x16xf32>,
      %get3A_718 = vector.shape_cast %get3A_717 : vector<1x16xf32> to vector<16xf32>
      %get3A_719 = arith.index_cast %scan3A_44 : i32 to index
      %get3A_720 = arith.constant 768 : index
      %get3A_721 = tpu.vector_load %arg8[%get3A_719, %get3A_720] {strides = array<i32>} : memref<32x1024xf32, #tpu.memory_space<vmem>>, vector<1x16xf32>,
      %get3A_722 = vector.shape_cast %get3A_721 : vector<1x16xf32> to vector<16xf32>
      %add3A_723 = arith.addf %get3A_718, %get3A_722 : vector<16xf32>
      %swap3A_724 = arith.index_cast %scan3A_44 : i32 to index
      %swap3A_725 = arith.constant 768 : index
      %swap3A_726 = tpu.vector_load %arg9[%swap3A_724, %swap3A_725] {strides = array<i32>} : memref<32x1024xf32, #tpu.memory_space<vmem>>, vector<1x16xf32>,
      %swap3A_727 = vector.shape_cast %swap3A_726 : vector<1x16xf32> to vector<16xf32>
      %swap3A_728 = vector.shape_cast %add3A_723 : vector<16xf32> to vector<1x16xf32>
      tpu.vector_store %arg9[%swap3A_724, %swap3A_725], %swap3A_728 {strides = array<i32>} : memref<32x1024xf32, #tpu.memory_space<vmem>>, vector<1x16xf32>,
      %get3A_729 = arith.index_cast %scan3A_44 : i32 to index
      %get3A_730 = arith.constant 784 : index
      %get3A_731 = tpu.vector_load %arg7[%get3A_729, %get3A_730] {strides = array<i32>} : memref<32x1024xf32, #tpu.memory_space<vmem>>, vector<1x16xf32>,
      %get3A_732 = vector.shape_cast %get3A_731 : vector<1x16xf32> to vector<16xf32>
      %get3A_733 = arith.index_cast %scan3A_44 : i32 to index
      %get3A_734 = arith.constant 784 : index
      %get3A_735 = tpu.vector_load %arg8[%get3A_733, %get3A_734] {strides = array<i32>} : memref<32x1024xf32, #tpu.memory_space<vmem>>, vector<1x16xf32>,
      %get3A_736 = vector.shape_cast %get3A_735 : vector<1x16xf32> to vector<16xf32>
      %add3A_737 = arith.addf %get3A_732, %get3A_736 : vector<16xf32>
      %swap3A_738 = arith.index_cast %scan3A_44 : i32 to index
      %swap3A_739 = arith.constant 784 : index
      %swap3A_740 = tpu.vector_load %arg9[%swap3A_738, %swap3A_739] {strides = array<i32>} : memref<32x1024xf32, #tpu.memory_space<vmem>>, vector<1x16xf32>,
      %swap3A_741 = vector.shape_cast %swap3A_740 : vector<1x16xf32> to vector<16xf32>
      %swap3A_742 = vector.shape_cast %add3A_737 : vector<16xf32> to vector<1x16xf32>
      tpu.vector_store %arg9[%swap3A_738, %swap3A_739], %swap3A_742 {strides = array<i32>} : memref<32x1024xf32, #tpu.memory_space<vmem>>, vector<1x16xf32>,
      %get3A_743 = arith.index_cast %scan3A_44 : i32 to index
      %get3A_744 = arith.constant 800 : index
      %get3A_745 = tpu.vector_load %arg7[%get3A_743, %get3A_744] {strides = array<i32>} : memref<32x1024xf32, #tpu.memory_space<vmem>>, vector<1x16xf32>,
      %get3A_746 = vector.shape_cast %get3A_745 : vector<1x16xf32> to vector<16xf32>
      %get3A_747 = arith.index_cast %scan3A_44 : i32 to index
      %get3A_748 = arith.constant 800 : index
      %get3A_749 = tpu.vector_load %arg8[%get3A_747, %get3A_748] {strides = array<i32>} : memref<32x1024xf32, #tpu.memory_space<vmem>>, vector<1x16xf32>,
      %get3A_750 = vector.shape_cast %get3A_749 : vector<1x16xf32> to vector<16xf32>
      %add3A_751 = arith.addf %get3A_746, %get3A_750 : vector<16xf32>
      %swap3A_752 = arith.index_cast %scan3A_44 : i32 to index
      %swap3A_753 = arith.constant 800 : index
      %swap3A_754 = tpu.vector_load %arg9[%swap3A_752, %swap3A_753] {strides = array<i32>} : memref<32x1024xf32, #tpu.memory_space<vmem>>, vector<1x16xf32>,
      %swap3A_755 = vector.shape_cast %swap3A_754 : vector<1x16xf32> to vector<16xf32>
      %swap3A_756 = vector.shape_cast %add3A_751 : vector<16xf32> to vector<1x16xf32>
      tpu.vector_store %arg9[%swap3A_752, %swap3A_753], %swap3A_756 {strides = array<i32>} : memref<32x1024xf32, #tpu.memory_space<vmem>>, vector<1x16xf32>,
      %get3A_757 = arith.index_cast %scan3A_44 : i32 to index
      %get3A_758 = arith.constant 816 : index
      %get3A_759 = tpu.vector_load %arg7[%get3A_757, %get3A_758] {strides = array<i32>} : memref<32x1024xf32, #tpu.memory_space<vmem>>, vector<1x16xf32>,
      %get3A_760 = vector.shape_cast %get3A_759 : vector<1x16xf32> to vector<16xf32>
      %get3A_761 = arith.index_cast %scan3A_44 : i32 to index
      %get3A_762 = arith.constant 816 : index
      %get3A_763 = tpu.vector_load %arg8[%get3A_761, %get3A_762] {strides = array<i32>} : memref<32x1024xf32, #tpu.memory_space<vmem>>, vector<1x16xf32>,
      %get3A_764 = vector.shape_cast %get3A_763 : vector<1x16xf32> to vector<16xf32>
      %add3A_765 = arith.addf %get3A_760, %get3A_764 : vector<16xf32>
      %swap3A_766 = arith.index_cast %scan3A_44 : i32 to index
      %swap3A_767 = arith.constant 816 : index
      %swap3A_768 = tpu.vector_load %arg9[%swap3A_766, %swap3A_767] {strides = array<i32>} : memref<32x1024xf32, #tpu.memory_space<vmem>>, vector<1x16xf32>,
      %swap3A_769 = vector.shape_cast %swap3A_768 : vector<1x16xf32> to vector<16xf32>
      %swap3A_770 = vector.shape_cast %add3A_765 : vector<16xf32> to vector<1x16xf32>
      tpu.vector_store %arg9[%swap3A_766, %swap3A_767], %swap3A_770 {strides = array<i32>} : memref<32x1024xf32, #tpu.memory_space<vmem>>, vector<1x16xf32>,
      %get3A_771 = arith.index_cast %scan3A_44 : i32 to index
      %get3A_772 = arith.constant 832 : index
      %get3A_773 = tpu.vector_load %arg7[%get3A_771, %get3A_772] {strides = array<i32>} : memref<32x1024xf32, #tpu.memory_space<vmem>>, vector<1x16xf32>,
      %get3A_774 = vector.shape_cast %get3A_773 : vector<1x16xf32> to vector<16xf32>
      %get3A_775 = arith.index_cast %scan3A_44 : i32 to index
      %get3A_776 = arith.constant 832 : index
      %get3A_777 = tpu.vector_load %arg8[%get3A_775, %get3A_776] {strides = array<i32>} : memref<32x1024xf32, #tpu.memory_space<vmem>>, vector<1x16xf32>,
      %get3A_778 = vector.shape_cast %get3A_777 : vector<1x16xf32> to vector<16xf32>
      %add3A_779 = arith.addf %get3A_774, %get3A_778 : vector<16xf32>
      %swap3A_780 = arith.index_cast %scan3A_44 : i32 to index
      %swap3A_781 = arith.constant 832 : index
      %swap3A_782 = tpu.vector_load %arg9[%swap3A_780, %swap3A_781] {strides = array<i32>} : memref<32x1024xf32, #tpu.memory_space<vmem>>, vector<1x16xf32>,
      %swap3A_783 = vector.shape_cast %swap3A_782 : vector<1x16xf32> to vector<16xf32>
      %swap3A_784 = vector.shape_cast %add3A_779 : vector<16xf32> to vector<1x16xf32>
      tpu.vector_store %arg9[%swap3A_780, %swap3A_781], %swap3A_784 {strides = array<i32>} : memref<32x1024xf32, #tpu.memory_space<vmem>>, vector<1x16xf32>,
      %get3A_785 = arith.index_cast %scan3A_44 : i32 to index
      %get3A_786 = arith.constant 848 : index
      %get3A_787 = tpu.vector_load %arg7[%get3A_785, %get3A_786] {strides = array<i32>} : memref<32x1024xf32, #tpu.memory_space<vmem>>, vector<1x16xf32>,
      %get3A_788 = vector.shape_cast %get3A_787 : vector<1x16xf32> to vector<16xf32>
      %get3A_789 = arith.index_cast %scan3A_44 : i32 to index
      %get3A_790 = arith.constant 848 : index
      %get3A_791 = tpu.vector_load %arg8[%get3A_789, %get3A_790] {strides = array<i32>} : memref<32x1024xf32, #tpu.memory_space<vmem>>, vector<1x16xf32>,
      %get3A_792 = vector.shape_cast %get3A_791 : vector<1x16xf32> to vector<16xf32>
      %add3A_793 = arith.addf %get3A_788, %get3A_792 : vector<16xf32>
      %swap3A_794 = arith.index_cast %scan3A_44 : i32 to index
      %swap3A_795 = arith.constant 848 : index
      %swap3A_796 = tpu.vector_load %arg9[%swap3A_794, %swap3A_795] {strides = array<i32>} : memref<32x1024xf32, #tpu.memory_space<vmem>>, vector<1x16xf32>,
      %swap3A_797 = vector.shape_cast %swap3A_796 : vector<1x16xf32> to vector<16xf32>
      %swap3A_798 = vector.shape_cast %add3A_793 : vector<16xf32> to vector<1x16xf32>
      tpu.vector_store %arg9[%swap3A_794, %swap3A_795], %swap3A_798 {strides = array<i32>} : memref<32x1024xf32, #tpu.memory_space<vmem>>, vector<1x16xf32>,
      %get3A_799 = arith.index_cast %scan3A_44 : i32 to index
      %get3A_800 = arith.constant 864 : index
      %get3A_801 = tpu.vector_load %arg7[%get3A_799, %get3A_800] {strides = array<i32>} : memref<32x1024xf32, #tpu.memory_space<vmem>>, vector<1x16xf32>,
      %get3A_802 = vector.shape_cast %get3A_801 : vector<1x16xf32> to vector<16xf32>
      %get3A_803 = arith.index_cast %scan3A_44 : i32 to index
      %get3A_804 = arith.constant 864 : index
      %get3A_805 = tpu.vector_load %arg8[%get3A_803, %get3A_804] {strides = array<i32>} : memref<32x1024xf32, #tpu.memory_space<vmem>>, vector<1x16xf32>,
      %get3A_806 = vector.shape_cast %get3A_805 : vector<1x16xf32> to vector<16xf32>
      %add3A_807 = arith.addf %get3A_802, %get3A_806 : vector<16xf32>
      %swap3A_808 = arith.index_cast %scan3A_44 : i32 to index
      %swap3A_809 = arith.constant 864 : index
      %swap3A_810 = tpu.vector_load %arg9[%swap3A_808, %swap3A_809] {strides = array<i32>} : memref<32x1024xf32, #tpu.memory_space<vmem>>, vector<1x16xf32>,
      %swap3A_811 = vector.shape_cast %swap3A_810 : vector<1x16xf32> to vector<16xf32>
      %swap3A_812 = vector.shape_cast %add3A_807 : vector<16xf32> to vector<1x16xf32>
      tpu.vector_store %arg9[%swap3A_808, %swap3A_809], %swap3A_812 {strides = array<i32>} : memref<32x1024xf32, #tpu.memory_space<vmem>>, vector<1x16xf32>,
      %get3A_813 = arith.index_cast %scan3A_44 : i32 to index
      %get3A_814 = arith.constant 880 : index
      %get3A_815 = tpu.vector_load %arg7[%get3A_813, %get3A_814] {strides = array<i32>} : memref<32x1024xf32, #tpu.memory_space<vmem>>, vector<1x16xf32>,
      %get3A_816 = vector.shape_cast %get3A_815 : vector<1x16xf32> to vector<16xf32>
      %get3A_817 = arith.index_cast %scan3A_44 : i32 to index
      %get3A_818 = arith.constant 880 : index
      %get3A_819 = tpu.vector_load %arg8[%get3A_817, %get3A_818] {strides = array<i32>} : memref<32x1024xf32, #tpu.memory_space<vmem>>, vector<1x16xf32>,
      %get3A_820 = vector.shape_cast %get3A_819 : vector<1x16xf32> to vector<16xf32>
      %add3A_821 = arith.addf %get3A_816, %get3A_820 : vector<16xf32>
      %swap3A_822 = arith.index_cast %scan3A_44 : i32 to index
      %swap3A_823 = arith.constant 880 : index
      %swap3A_824 = tpu.vector_load %arg9[%swap3A_822, %swap3A_823] {strides = array<i32>} : memref<32x1024xf32, #tpu.memory_space<vmem>>, vector<1x16xf32>,
      %swap3A_825 = vector.shape_cast %swap3A_824 : vector<1x16xf32> to vector<16xf32>
      %swap3A_826 = vector.shape_cast %add3A_821 : vector<16xf32> to vector<1x16xf32>
      tpu.vector_store %arg9[%swap3A_822, %swap3A_823], %swap3A_826 {strides = array<i32>} : memref<32x1024xf32, #tpu.memory_space<vmem>>, vector<1x16xf32>,
      %get3A_827 = arith.index_cast %scan3A_44 : i32 to index
      %get3A_828 = arith.constant 896 : index
      %get3A_829 = tpu.vector_load %arg7[%get3A_827, %get3A_828] {strides = array<i32>} : memref<32x1024xf32, #tpu.memory_space<vmem>>, vector<1x16xf32>,
      %get3A_830 = vector.shape_cast %get3A_829 : vector<1x16xf32> to vector<16xf32>
      %get3A_831 = arith.index_cast %scan3A_44 : i32 to index
      %get3A_832 = arith.constant 896 : index
      %get3A_833 = tpu.vector_load %arg8[%get3A_831, %get3A_832] {strides = array<i32>} : memref<32x1024xf32, #tpu.memory_space<vmem>>, vector<1x16xf32>,
      %get3A_834 = vector.shape_cast %get3A_833 : vector<1x16xf32> to vector<16xf32>
      %add3A_835 = arith.addf %get3A_830, %get3A_834 : vector<16xf32>
      %swap3A_836 = arith.index_cast %scan3A_44 : i32 to index
      %swap3A_837 = arith.constant 896 : index
      %swap3A_838 = tpu.vector_load %arg9[%swap3A_836, %swap3A_837] {strides = array<i32>} : memref<32x1024xf32, #tpu.memory_space<vmem>>, vector<1x16xf32>,
      %swap3A_839 = vector.shape_cast %swap3A_838 : vector<1x16xf32> to vector<16xf32>
      %swap3A_840 = vector.shape_cast %add3A_835 : vector<16xf32> to vector<1x16xf32>
      tpu.vector_store %arg9[%swap3A_836, %swap3A_837], %swap3A_840 {strides = array<i32>} : memref<32x1024xf32, #tpu.memory_space<vmem>>, vector<1x16xf32>,
      %get3A_841 = arith.index_cast %scan3A_44 : i32 to index
      %get3A_842 = arith.constant 912 : index
      %get3A_843 = tpu.vector_load %arg7[%get3A_841, %get3A_842] {strides = array<i32>} : memref<32x1024xf32, #tpu.memory_space<vmem>>, vector<1x16xf32>,
      %get3A_844 = vector.shape_cast %get3A_843 : vector<1x16xf32> to vector<16xf32>
      %get3A_845 = arith.index_cast %scan3A_44 : i32 to index
      %get3A_846 = arith.constant 912 : index
      %get3A_847 = tpu.vector_load %arg8[%get3A_845, %get3A_846] {strides = array<i32>} : memref<32x1024xf32, #tpu.memory_space<vmem>>, vector<1x16xf32>,
      %get3A_848 = vector.shape_cast %get3A_847 : vector<1x16xf32> to vector<16xf32>
      %add3A_849 = arith.addf %get3A_844, %get3A_848 : vector<16xf32>
      %swap3A_850 = arith.index_cast %scan3A_44 : i32 to index
      %swap3A_851 = arith.constant 912 : index
      %swap3A_852 = tpu.vector_load %arg9[%swap3A_850, %swap3A_851] {strides = array<i32>} : memref<32x1024xf32, #tpu.memory_space<vmem>>, vector<1x16xf32>,
      %swap3A_853 = vector.shape_cast %swap3A_852 : vector<1x16xf32> to vector<16xf32>
      %swap3A_854 = vector.shape_cast %add3A_849 : vector<16xf32> to vector<1x16xf32>
      tpu.vector_store %arg9[%swap3A_850, %swap3A_851], %swap3A_854 {strides = array<i32>} : memref<32x1024xf32, #tpu.memory_space<vmem>>, vector<1x16xf32>,
      %get3A_855 = arith.index_cast %scan3A_44 : i32 to index
      %get3A_856 = arith.constant 928 : index
      %get3A_857 = tpu.vector_load %arg7[%get3A_855, %get3A_856] {strides = array<i32>} : memref<32x1024xf32, #tpu.memory_space<vmem>>, vector<1x16xf32>,
      %get3A_858 = vector.shape_cast %get3A_857 : vector<1x16xf32> to vector<16xf32>
      %get3A_859 = arith.index_cast %scan3A_44 : i32 to index
      %get3A_860 = arith.constant 928 : index
      %get3A_861 = tpu.vector_load %arg8[%get3A_859, %get3A_860] {strides = array<i32>} : memref<32x1024xf32, #tpu.memory_space<vmem>>, vector<1x16xf32>,
      %get3A_862 = vector.shape_cast %get3A_861 : vector<1x16xf32> to vector<16xf32>
      %add3A_863 = arith.addf %get3A_858, %get3A_862 : vector<16xf32>
      %swap3A_864 = arith.index_cast %scan3A_44 : i32 to index
      %swap3A_865 = arith.constant 928 : index
      %swap3A_866 = tpu.vector_load %arg9[%swap3A_864, %swap3A_865] {strides = array<i32>} : memref<32x1024xf32, #tpu.memory_space<vmem>>, vector<1x16xf32>,
      %swap3A_867 = vector.shape_cast %swap3A_866 : vector<1x16xf32> to vector<16xf32>
      %swap3A_868 = vector.shape_cast %add3A_863 : vector<16xf32> to vector<1x16xf32>
      tpu.vector_store %arg9[%swap3A_864, %swap3A_865], %swap3A_868 {strides = array<i32>} : memref<32x1024xf32, #tpu.memory_space<vmem>>, vector<1x16xf32>,
      %get3A_869 = arith.index_cast %scan3A_44 : i32 to index
      %get3A_870 = arith.constant 944 : index
      %get3A_871 = tpu.vector_load %arg7[%get3A_869, %get3A_870] {strides = array<i32>} : memref<32x1024xf32, #tpu.memory_space<vmem>>, vector<1x16xf32>,
      %get3A_872 = vector.shape_cast %get3A_871 : vector<1x16xf32> to vector<16xf32>
      %get3A_873 = arith.index_cast %scan3A_44 : i32 to index
      %get3A_874 = arith.constant 944 : index
      %get3A_875 = tpu.vector_load %arg8[%get3A_873, %get3A_874] {strides = array<i32>} : memref<32x1024xf32, #tpu.memory_space<vmem>>, vector<1x16xf32>,
      %get3A_876 = vector.shape_cast %get3A_875 : vector<1x16xf32> to vector<16xf32>
      %add3A_877 = arith.addf %get3A_872, %get3A_876 : vector<16xf32>
      %swap3A_878 = arith.index_cast %scan3A_44 : i32 to index
      %swap3A_879 = arith.constant 944 : index
      %swap3A_880 = tpu.vector_load %arg9[%swap3A_878, %swap3A_879] {strides = array<i32>} : memref<32x1024xf32, #tpu.memory_space<vmem>>, vector<1x16xf32>,
      %swap3A_881 = vector.shape_cast %swap3A_880 : vector<1x16xf32> to vector<16xf32>
      %swap3A_882 = vector.shape_cast %add3A_877 : vector<16xf32> to vector<1x16xf32>
      tpu.vector_store %arg9[%swap3A_878, %swap3A_879], %swap3A_882 {strides = array<i32>} : memref<32x1024xf32, #tpu.memory_space<vmem>>, vector<1x16xf32>,
      %get3A_883 = arith.index_cast %scan3A_44 : i32 to index
      %get3A_884 = arith.constant 960 : index
      %get3A_885 = tpu.vector_load %arg7[%get3A_883, %get3A_884] {strides = array<i32>} : memref<32x1024xf32, #tpu.memory_space<vmem>>, vector<1x16xf32>,
      %get3A_886 = vector.shape_cast %get3A_885 : vector<1x16xf32> to vector<16xf32>
      %get3A_887 = arith.index_cast %scan3A_44 : i32 to index
      %get3A_888 = arith.constant 960 : index
      %get3A_889 = tpu.vector_load %arg8[%get3A_887, %get3A_888] {strides = array<i32>} : memref<32x1024xf32, #tpu.memory_space<vmem>>, vector<1x16xf32>,
      %get3A_890 = vector.shape_cast %get3A_889 : vector<1x16xf32> to vector<16xf32>
      %add3A_891 = arith.addf %get3A_886, %get3A_890 : vector<16xf32>
      %swap3A_892 = arith.index_cast %scan3A_44 : i32 to index
      %swap3A_893 = arith.constant 960 : index
      %swap3A_894 = tpu.vector_load %arg9[%swap3A_892, %swap3A_893] {strides = array<i32>} : memref<32x1024xf32, #tpu.memory_space<vmem>>, vector<1x16xf32>,
      %swap3A_895 = vector.shape_cast %swap3A_894 : vector<1x16xf32> to vector<16xf32>
      %swap3A_896 = vector.shape_cast %add3A_891 : vector<16xf32> to vector<1x16xf32>
      tpu.vector_store %arg9[%swap3A_892, %swap3A_893], %swap3A_896 {strides = array<i32>} : memref<32x1024xf32, #tpu.memory_space<vmem>>, vector<1x16xf32>,
      %get3A_897 = arith.index_cast %scan3A_44 : i32 to index
      %get3A_898 = arith.constant 976 : index
      %get3A_899 = tpu.vector_load %arg7[%get3A_897, %get3A_898] {strides = array<i32>} : memref<32x1024xf32, #tpu.memory_space<vmem>>, vector<1x16xf32>,
      %get3A_900 = vector.shape_cast %get3A_899 : vector<1x16xf32> to vector<16xf32>
      %get3A_901 = arith.index_cast %scan3A_44 : i32 to index
      %get3A_902 = arith.constant 976 : index
      %get3A_903 = tpu.vector_load %arg8[%get3A_901, %get3A_902] {strides = array<i32>} : memref<32x1024xf32, #tpu.memory_space<vmem>>, vector<1x16xf32>,
      %get3A_904 = vector.shape_cast %get3A_903 : vector<1x16xf32> to vector<16xf32>
      %add3A_905 = arith.addf %get3A_900, %get3A_904 : vector<16xf32>
      %swap3A_906 = arith.index_cast %scan3A_44 : i32 to index
      %swap3A_907 = arith.constant 976 : index
      %swap3A_908 = tpu.vector_load %arg9[%swap3A_906, %swap3A_907] {strides = array<i32>} : memref<32x1024xf32, #tpu.memory_space<vmem>>, vector<1x16xf32>,
      %swap3A_909 = vector.shape_cast %swap3A_908 : vector<1x16xf32> to vector<16xf32>
      %swap3A_910 = vector.shape_cast %add3A_905 : vector<16xf32> to vector<1x16xf32>
      tpu.vector_store %arg9[%swap3A_906, %swap3A_907], %swap3A_910 {strides = array<i32>} : memref<32x1024xf32, #tpu.memory_space<vmem>>, vector<1x16xf32>,
      %get3A_911 = arith.index_cast %scan3A_44 : i32 to index
      %get3A_912 = arith.constant 992 : index
      %get3A_913 = tpu.vector_load %arg7[%get3A_911, %get3A_912] {strides = array<i32>} : memref<32x1024xf32, #tpu.memory_space<vmem>>, vector<1x16xf32>,
      %get3A_914 = vector.shape_cast %get3A_913 : vector<1x16xf32> to vector<16xf32>
      %get3A_915 = arith.index_cast %scan3A_44 : i32 to index
      %get3A_916 = arith.constant 992 : index
      %get3A_917 = tpu.vector_load %arg8[%get3A_915, %get3A_916] {strides = array<i32>} : memref<32x1024xf32, #tpu.memory_space<vmem>>, vector<1x16xf32>,
      %get3A_918 = vector.shape_cast %get3A_917 : vector<1x16xf32> to vector<16xf32>
      %add3A_919 = arith.addf %get3A_914, %get3A_918 : vector<16xf32>
      %swap3A_920 = arith.index_cast %scan3A_44 : i32 to index
      %swap3A_921 = arith.constant 992 : index
      %swap3A_922 = tpu.vector_load %arg9[%swap3A_920, %swap3A_921] {strides = array<i32>} : memref<32x1024xf32, #tpu.memory_space<vmem>>, vector<1x16xf32>,
      %swap3A_923 = vector.shape_cast %swap3A_922 : vector<1x16xf32> to vector<16xf32>
      %swap3A_924 = vector.shape_cast %add3A_919 : vector<16xf32> to vector<1x16xf32>
      tpu.vector_store %arg9[%swap3A_920, %swap3A_921], %swap3A_924 {strides = array<i32>} : memref<32x1024xf32, #tpu.memory_space<vmem>>, vector<1x16xf32>,
      %get3A_925 = arith.index_cast %scan3A_44 : i32 to index
      %get3A_926 = arith.constant 1008 : index
      %get3A_927 = tpu.vector_load %arg7[%get3A_925, %get3A_926] {strides = array<i32>} : memref<32x1024xf32, #tpu.memory_space<vmem>>, vector<1x16xf32>,
      %get3A_928 = vector.shape_cast %get3A_927 : vector<1x16xf32> to vector<16xf32>
      %get3A_929 = arith.index_cast %scan3A_44 : i32 to index
      %get3A_930 = arith.constant 1008 : index
      %get3A_931 = tpu.vector_load %arg8[%get3A_929, %get3A_930] {strides = array<i32>} : memref<32x1024xf32, #tpu.memory_space<vmem>>, vector<1x16xf32>,
      %get3A_932 = vector.shape_cast %get3A_931 : vector<1x16xf32> to vector<16xf32>
      %add3A_933 = arith.addf %get3A_928, %get3A_932 : vector<16xf32>
      %swap3A_934 = arith.index_cast %scan3A_44 : i32 to index
      %swap3A_935 = arith.constant 1008 : index
      %swap3A_936 = tpu.vector_load %arg9[%swap3A_934, %swap3A_935] {strides = array<i32>} : memref<32x1024xf32, #tpu.memory_space<vmem>>, vector<1x16xf32>,
      %swap3A_937 = vector.shape_cast %swap3A_936 : vector<1x16xf32> to vector<16xf32>
      %swap3A_938 = vector.shape_cast %add3A_933 : vector<16xf32> to vector<1x16xf32>
      tpu.vector_store %arg9[%swap3A_934, %swap3A_935], %swap3A_938 {strides = array<i32>} : memref<32x1024xf32, #tpu.memory_space<vmem>>, vector<1x16xf32>,
    }
    %scan3A_43 = arith.constant 32 : i32
    "tpu.region"() ({
      %run_scoped3A = tpu.sem_alloc : memref<!tpu.dma_semaphore, #tpu.memory_space<semaphore_mem>>
      %dma_start3A_44 = arith.constant 0 : i32
      %dma_start3A_45 = tpu.memref_slice %arg4[%add3A_23, %dma_start3A_44] : memref<2048x1024xf32, #tpu.memory_space<hbm>> -> memref<32x1024xf32, #tpu.memory_space<hbm>>
      %dma_start3A_46 = arith.constant 0 : i32
      %dma_start3A_47 = tpu.memref_slice %arg4[%add3A_23, %dma_start3A_46] : memref<2048x1024xf32, #tpu.memory_space<hbm>> -> memref<32x1024xf32, #tpu.memory_space<hbm>>
      tpu.enqueue_dma source(%arg9 : memref<32x1024xf32, #tpu.memory_space<vmem>>) target(%dma_start3A_47 : memref<32x1024xf32, #tpu.memory_space<hbm>>) target_semaphore(%run_scoped3A : memref<!tpu.dma_semaphore, #tpu.memory_space<semaphore_mem>>)
      %dma_wait3A_48 = arith.constant 0 : i32
      %dma_wait3A_49 = tpu.memref_slice %arg4[%add3A_23, %dma_wait3A_48] : memref<2048x1024xf32, #tpu.memory_space<hbm>> -> memref<32x1024xf32, #tpu.memory_space<hbm>>
      %dma_wait3A_50 = arith.constant 0 : i32
      %dma_wait3A_51 = tpu.memref_slice %arg4[%add3A_23, %dma_wait3A_50] : memref<2048x1024xf32, #tpu.memory_space<hbm>> -> memref<32x1024xf32, #tpu.memory_space<hbm>>
      tpu.wait_dma2 semaphore(%run_scoped3A : memref<!tpu.dma_semaphore, #tpu.memory_space<semaphore_mem>>) src(%arg9 : memref<32x1024xf32, #tpu.memory_space<vmem>>) dst(%dma_wait3A_51 : memref<32x1024xf32, #tpu.memory_space<hbm>>)
      tpu.yield
    }) : () -> ()
    return
  }
}

module attributes {stable_mosaic.version = 14 : i64} {
  func.func @_routing_body(%arg0: memref<2048x1024xf32, #tpu.memory_space<vmem>>, %arg1: memref<1024x128xf32, #tpu.memory_space<vmem>>, %arg2: memref<2048x1xi32, #tpu.memory_space<vmem>>, %arg3: memref<2048x1xi32, #tpu.memory_space<vmem>>, %arg4: memref<2048x1xf32, #tpu.memory_space<vmem>>, %arg5: memref<2048x1xf32, #tpu.memory_space<vmem>>) attributes {dimension_semantics = [], scalar_prefetch = 0 : i64, scratch_operands = 0 : i64, tpu.core_type = #tpu.core_type<tc>} {
    %get3A = arith.constant 0 : index
    %get3A_0 = arith.constant 0 : index
    %get3A_1 = vector.load %arg0[%get3A, %get3A_0] : memref<2048x1024xf32, #tpu.memory_space<vmem>>, vector<2048x1024xf32>
    %get3A_2 = arith.constant 0 : index
    %get3A_3 = arith.constant 0 : index
    %get3A_4 = vector.load %arg1[%get3A_2, %get3A_3] : memref<1024x128xf32, #tpu.memory_space<vmem>>, vector<1024x128xf32>
    %dot_general3A = arith.constant dense<0.000000e+00> : vector<2048x128xf32>
    %dot_general3A_5 = tpu.matmul %get3A_1, %get3A_4, %dot_general3A {dimension_numbers = #tpu.dot_dimension_numbers<[1], [0], [0], [1], [0, 0, 1, 1], [], []>, transpose_lhs_hint = false} : vector<2048x1024xf32>, vector<1024x128xf32>, vector<2048x128xf32> -> vector<2048x128xf32>
    %iota3A = tpu.iota {dimensions = array<i32: 1>} : vector<2048x128xi32>
    %lt3A = arith.constant 8 : i32
    %lt3A_6 = vector.broadcast %lt3A : i32 to vector<2048x128xi32>
    %lt3A_7 = arith.cmpi slt, %iota3A, %lt3A_6 : vector<2048x128xi32>
    %jit3A = arith.constant 0xFF800000 : f32
    %broadcast_in_dim3A = vector.broadcast %jit3A : f32 to vector<2048x128xf32>
    %select_n3A = arith.select %lt3A_7, %dot_general3A_5, %broadcast_in_dim3A : vector<2048x128xi1>, vector<2048x128xf32>
    %reduce_max3A = arith.constant dense<0xFF800000> : vector<2048xf32>
    %reduce_max3A_8 = vector.multi_reduction <maximumf>, %select_n3A, %reduce_max3A [1] : vector<2048x128xf32> to vector<2048xf32>
    %broadcast_in_dim3A_9 = vector.shape_cast %reduce_max3A_8 : vector<2048xf32> to vector<2048x1xf32>
    %eq3A = vector.broadcast %broadcast_in_dim3A_9 : vector<2048x1xf32> to vector<2048x128xf32>
    %eq3A_10 = arith.cmpf oeq, %select_n3A, %eq3A : vector<2048x128xf32>
    %jit3A_11 = arith.constant 128 : i32
    %broadcast_in_dim3A_12 = vector.broadcast %jit3A_11 : i32 to vector<2048x128xi32>
    %select_n3A_13 = arith.select %eq3A_10, %iota3A, %broadcast_in_dim3A_12 : vector<2048x128xi1>, vector<2048x128xi32>
    %reduce_min3A = arith.constant dense<2147483647> : vector<2048xi32>
    %reduce_min3A_14 = vector.multi_reduction <minsi>, %select_n3A_13, %reduce_min3A [1] : vector<2048x128xi32> to vector<2048xi32>
    %broadcast_in_dim3A_15 = vector.shape_cast %reduce_min3A_14 : vector<2048xi32> to vector<2048x1xi32>
    %eq3A_16 = vector.broadcast %broadcast_in_dim3A_15 : vector<2048x1xi32> to vector<2048x128xi32>
    %eq3A_17 = arith.cmpi eq, %iota3A, %eq3A_16 : vector<2048x128xi32>
    %jit3A_18 = arith.constant 0xFF800000 : f32
    %broadcast_in_dim3A_19 = vector.broadcast %jit3A_18 : f32 to vector<2048x128xf32>
    %select_n3A_20 = arith.select %eq3A_17, %broadcast_in_dim3A_19, %select_n3A : vector<2048x128xi1>, vector<2048x128xf32>
    %reduce_max3A_21 = arith.constant dense<0xFF800000> : vector<2048xf32>
    %reduce_max3A_22 = vector.multi_reduction <maximumf>, %select_n3A_20, %reduce_max3A_21 [1] : vector<2048x128xf32> to vector<2048xf32>
    %broadcast_in_dim3A_23 = vector.shape_cast %reduce_max3A_22 : vector<2048xf32> to vector<2048x1xf32>
    %eq3A_24 = vector.broadcast %broadcast_in_dim3A_23 : vector<2048x1xf32> to vector<2048x128xf32>
    %eq3A_25 = arith.cmpf oeq, %select_n3A_20, %eq3A_24 : vector<2048x128xf32>
    %jit3A_26 = arith.constant 128 : i32
    %broadcast_in_dim3A_27 = vector.broadcast %jit3A_26 : i32 to vector<2048x128xi32>
    %select_n3A_28 = arith.select %eq3A_25, %iota3A, %broadcast_in_dim3A_27 : vector<2048x128xi1>, vector<2048x128xi32>
    %reduce_min3A_29 = arith.constant dense<2147483647> : vector<2048xi32>
    %reduce_min3A_30 = vector.multi_reduction <minsi>, %select_n3A_28, %reduce_min3A_29 [1] : vector<2048x128xi32> to vector<2048xi32>
    %broadcast_in_dim3A_31 = vector.shape_cast %reduce_min3A_30 : vector<2048xi32> to vector<2048x1xi32>
    %sub3A = arith.subf %broadcast_in_dim3A_23, %broadcast_in_dim3A_9 : vector<2048x1xf32>
    %exp3A = math.exp %sub3A : vector<2048x1xf32>
    %add3A = arith.constant 1.000000e+00 : f32
    %add3A_32 = vector.broadcast %add3A : f32 to vector<2048x1xf32>
    %add3A_33 = arith.addf %add3A_32, %exp3A : vector<2048x1xf32>
    %div3A = arith.constant 1.000000e+00 : f32
    %div3A_34 = vector.broadcast %div3A : f32 to vector<2048x1xf32>
    %div3A_35 = arith.divf %div3A_34, %add3A_33 : vector<2048x1xf32>
    %swap3A = arith.constant 0 : index
    %swap3A_36 = arith.constant 0 : index
    %swap3A_37 = vector.load %arg2[%swap3A, %swap3A_36] : memref<2048x1xi32, #tpu.memory_space<vmem>>, vector<2048x1xi32>
    tpu.vector_store %arg2[%swap3A, %swap3A_36], %broadcast_in_dim3A_15 {strides = array<i32>} : memref<2048x1xi32, #tpu.memory_space<vmem>>, vector<2048x1xi32>,
    %swap3A_38 = arith.constant 0 : index
    %swap3A_39 = arith.constant 0 : index
    %swap3A_40 = vector.load %arg3[%swap3A_38, %swap3A_39] : memref<2048x1xi32, #tpu.memory_space<vmem>>, vector<2048x1xi32>
    tpu.vector_store %arg3[%swap3A_38, %swap3A_39], %broadcast_in_dim3A_31 {strides = array<i32>} : memref<2048x1xi32, #tpu.memory_space<vmem>>, vector<2048x1xi32>,
    %swap3A_41 = arith.constant 0 : index
    %swap3A_42 = arith.constant 0 : index
    %swap3A_43 = vector.load %arg4[%swap3A_41, %swap3A_42] : memref<2048x1xf32, #tpu.memory_space<vmem>>, vector<2048x1xf32>
    tpu.vector_store %arg4[%swap3A_41, %swap3A_42], %div3A_35 {strides = array<i32>} : memref<2048x1xf32, #tpu.memory_space<vmem>>, vector<2048x1xf32>,
    %sub3A_44 = arith.constant 1.000000e+00 : f32
    %sub3A_45 = vector.broadcast %sub3A_44 : f32 to vector<2048x1xf32>
    %sub3A_46 = arith.subf %sub3A_45, %div3A_35 : vector<2048x1xf32>
    %swap3A_47 = arith.constant 0 : index
    %swap3A_48 = arith.constant 0 : index
    %swap3A_49 = vector.load %arg5[%swap3A_47, %swap3A_48] : memref<2048x1xf32, #tpu.memory_space<vmem>>, vector<2048x1xf32>
    tpu.vector_store %arg5[%swap3A_47, %swap3A_48], %sub3A_46 {strides = array<i32>} : memref<2048x1xf32, #tpu.memory_space<vmem>>, vector<2048x1xf32>,
    return
  }
}

module attributes {stable_mosaic.version = 14 : i64} {
  func.func @_gmm_body(%arg0: i32, %arg1: memref<5x23xi32, #tpu.memory_space<smem>>, %arg2: memref<256x1024xf32, #tpu.memory_space<vmem>>, %arg3: memref<8x1024x4096xf32, #tpu.memory_space<any>>, %arg4: memref<8x2048x1024xf32, #tpu.memory_space<any>>, %arg5: memref<256x1xf32, #tpu.memory_space<vmem>>, %arg6: memref<256x1024xf32, #tpu.memory_space<vmem>>, %arg7: memref<2x1024x4096xf32, #tpu.memory_space<vmem>>, %arg8: memref<2x2048x1024xf32, #tpu.memory_space<vmem>>, %arg9: memref<2x!tpu.dma_semaphore, #tpu.memory_space<semaphore_mem>>, %arg10: memref<2x!tpu.dma_semaphore, #tpu.memory_space<semaphore_mem>>) attributes {dimension_semantics = [#tpu.dimension_semantics<arbitrary>], iteration_bounds = array<i64: 23>, scalar_prefetch = 1 : i64, scratch_operands = 4 : i64, tpu.core_type = #tpu.core_type<tc>, window_params = [{transform_indices = @transform_0, window_bounds = array<i64: 256, 1024>}, {}, {}, {transform_indices = @transform_3, window_bounds = array<i64: 256, 1>}, {transform_indices = @transform_4, window_bounds = array<i64: 256, 1024>}]} {
    %get3A = arith.constant 0 : index
    %get3A_0 = arith.index_cast %arg0 : i32 to index
    %get3A_1 = memref.load %arg1[%get3A, %get3A_0] : memref<5x23xi32, #tpu.memory_space<smem>>
    %get3A_2 = arith.constant 1 : index
    %get3A_3 = arith.index_cast %arg0 : i32 to index
    %get3A_4 = memref.load %arg1[%get3A_2, %get3A_3] : memref<5x23xi32, #tpu.memory_space<smem>>
    %get3A_5 = arith.constant 2 : index
    %get3A_6 = arith.index_cast %arg0 : i32 to index
    %get3A_7 = memref.load %arg1[%get3A_5, %get3A_6] : memref<5x23xi32, #tpu.memory_space<smem>>
    %get3A_8 = arith.constant 3 : index
    %get3A_9 = arith.index_cast %arg0 : i32 to index
    %get3A_10 = memref.load %arg1[%get3A_8, %get3A_9] : memref<5x23xi32, #tpu.memory_space<smem>>
    %get3A_11 = arith.constant 4 : index
    %get3A_12 = arith.index_cast %arg0 : i32 to index
    %get3A_13 = memref.load %arg1[%get3A_11, %get3A_12] : memref<5x23xi32, #tpu.memory_space<smem>>
    %eq3A = arith.constant 0 : i32
    %eq3A_14 = arith.cmpi eq, %arg0, %eq3A : i32
    %convert_element_type3A = arith.extui %eq3A_14 : i1 to i32
    %cond3A = arith.constant 0 : i32
    %cond3A_15 = arith.cmpi ne, %convert_element_type3A, %cond3A : i32
    scf.if %cond3A_15 {
      %dma_start3A = tpu.memref_slice %arg9[%get3A_4] : memref<2x!tpu.dma_semaphore, #tpu.memory_space<semaphore_mem>> -> memref<1x!tpu.dma_semaphore, #tpu.memory_space<semaphore_mem>>
      %dma_start3A_58 = tpu.memref_squeeze %dma_start3A : memref<1x!tpu.dma_semaphore, #tpu.memory_space<semaphore_mem>> -> memref<!tpu.dma_semaphore, #tpu.memory_space<semaphore_mem>>
      %dma_start3A_59 = arith.constant 0 : i32
      %dma_start3A_60 = arith.constant 0 : i32
      %dma_start3A_61 = tpu.memref_slice %arg7[%get3A_4, %dma_start3A_59, %dma_start3A_60] : memref<2x1024x4096xf32, #tpu.memory_space<vmem>> -> memref<1x1024x4096xf32, #tpu.memory_space<vmem>>
      %dma_start3A_62 = tpu.memref_squeeze %dma_start3A_61 : memref<1x1024x4096xf32, #tpu.memory_space<vmem>> -> memref<1024x4096xf32, #tpu.memory_space<vmem>>
      %dma_start3A_63 = arith.constant 0 : i32
      %dma_start3A_64 = arith.constant 0 : i32
      %dma_start3A_65 = tpu.memref_slice %arg3[%get3A_1, %dma_start3A_63, %dma_start3A_64] : memref<8x1024x4096xf32, #tpu.memory_space<any>> -> memref<1x1024x4096xf32, #tpu.memory_space<any>>
      %dma_start3A_66 = tpu.memref_squeeze %dma_start3A_65 : memref<1x1024x4096xf32, #tpu.memory_space<any>> -> memref<1024x4096xf32, #tpu.memory_space<any>>
      tpu.enqueue_dma source(%dma_start3A_66 : memref<1024x4096xf32, #tpu.memory_space<any>>) target(%dma_start3A_62 : memref<1024x4096xf32, #tpu.memory_space<vmem>>) target_semaphore(%dma_start3A_58 : memref<!tpu.dma_semaphore, #tpu.memory_space<semaphore_mem>>)
      %dma_start3A_67 = tpu.memref_slice %arg10[%get3A_4] : memref<2x!tpu.dma_semaphore, #tpu.memory_space<semaphore_mem>> -> memref<1x!tpu.dma_semaphore, #tpu.memory_space<semaphore_mem>>
      %dma_start3A_68 = tpu.memref_squeeze %dma_start3A_67 : memref<1x!tpu.dma_semaphore, #tpu.memory_space<semaphore_mem>> -> memref<!tpu.dma_semaphore, #tpu.memory_space<semaphore_mem>>
      %dma_start3A_69 = arith.constant 0 : i32
      %dma_start3A_70 = arith.constant 0 : i32
      %dma_start3A_71 = tpu.memref_slice %arg8[%get3A_4, %dma_start3A_69, %dma_start3A_70] : memref<2x2048x1024xf32, #tpu.memory_space<vmem>> -> memref<1x2048x1024xf32, #tpu.memory_space<vmem>>
      %dma_start3A_72 = tpu.memref_squeeze %dma_start3A_71 : memref<1x2048x1024xf32, #tpu.memory_space<vmem>> -> memref<2048x1024xf32, #tpu.memory_space<vmem>>
      %dma_start3A_73 = arith.constant 0 : i32
      %dma_start3A_74 = arith.constant 0 : i32
      %dma_start3A_75 = tpu.memref_slice %arg4[%get3A_1, %dma_start3A_73, %dma_start3A_74] : memref<8x2048x1024xf32, #tpu.memory_space<any>> -> memref<1x2048x1024xf32, #tpu.memory_space<any>>
      %dma_start3A_76 = tpu.memref_squeeze %dma_start3A_75 : memref<1x2048x1024xf32, #tpu.memory_space<any>> -> memref<2048x1024xf32, #tpu.memory_space<any>>
      tpu.enqueue_dma source(%dma_start3A_76 : memref<2048x1024xf32, #tpu.memory_space<any>>) target(%dma_start3A_72 : memref<2048x1024xf32, #tpu.memory_space<vmem>>) target_semaphore(%dma_start3A_68 : memref<!tpu.dma_semaphore, #tpu.memory_space<semaphore_mem>>)
    } else {
    }
    %eq3A_16 = arith.constant 1 : i32
    %eq3A_17 = arith.cmpi eq, %get3A_7, %eq3A_16 : i32
    %eq3A_18 = arith.constant 1 : i32
    %eq3A_19 = arith.cmpi eq, %get3A_13, %eq3A_18 : i32
    %and3A = arith.andi %eq3A_17, %eq3A_19 : i1
    %convert_element_type3A_20 = arith.extui %and3A : i1 to i32
    %cond3A_21 = arith.constant 0 : i32
    %cond3A_22 = arith.cmpi ne, %convert_element_type3A_20, %cond3A_21 : i32
    scf.if %cond3A_22 {
      %sub3A = arith.constant 1 : i32
      %sub3A_58 = arith.subi %sub3A, %get3A_4 : i32
      %dma_start3A = tpu.memref_slice %arg9[%sub3A_58] : memref<2x!tpu.dma_semaphore, #tpu.memory_space<semaphore_mem>> -> memref<1x!tpu.dma_semaphore, #tpu.memory_space<semaphore_mem>>
      %dma_start3A_59 = tpu.memref_squeeze %dma_start3A : memref<1x!tpu.dma_semaphore, #tpu.memory_space<semaphore_mem>> -> memref<!tpu.dma_semaphore, #tpu.memory_space<semaphore_mem>>
      %dma_start3A_60 = arith.constant 0 : i32
      %dma_start3A_61 = arith.constant 0 : i32
      %dma_start3A_62 = tpu.memref_slice %arg7[%sub3A_58, %dma_start3A_60, %dma_start3A_61] : memref<2x1024x4096xf32, #tpu.memory_space<vmem>> -> memref<1x1024x4096xf32, #tpu.memory_space<vmem>>
      %dma_start3A_63 = tpu.memref_squeeze %dma_start3A_62 : memref<1x1024x4096xf32, #tpu.memory_space<vmem>> -> memref<1024x4096xf32, #tpu.memory_space<vmem>>
      %dma_start3A_64 = arith.constant 0 : i32
      %dma_start3A_65 = arith.constant 0 : i32
      %dma_start3A_66 = tpu.memref_slice %arg3[%get3A_10, %dma_start3A_64, %dma_start3A_65] : memref<8x1024x4096xf32, #tpu.memory_space<any>> -> memref<1x1024x4096xf32, #tpu.memory_space<any>>
      %dma_start3A_67 = tpu.memref_squeeze %dma_start3A_66 : memref<1x1024x4096xf32, #tpu.memory_space<any>> -> memref<1024x4096xf32, #tpu.memory_space<any>>
      tpu.enqueue_dma source(%dma_start3A_67 : memref<1024x4096xf32, #tpu.memory_space<any>>) target(%dma_start3A_63 : memref<1024x4096xf32, #tpu.memory_space<vmem>>) target_semaphore(%dma_start3A_59 : memref<!tpu.dma_semaphore, #tpu.memory_space<semaphore_mem>>)
      %dma_start3A_68 = tpu.memref_slice %arg10[%sub3A_58] : memref<2x!tpu.dma_semaphore, #tpu.memory_space<semaphore_mem>> -> memref<1x!tpu.dma_semaphore, #tpu.memory_space<semaphore_mem>>
      %dma_start3A_69 = tpu.memref_squeeze %dma_start3A_68 : memref<1x!tpu.dma_semaphore, #tpu.memory_space<semaphore_mem>> -> memref<!tpu.dma_semaphore, #tpu.memory_space<semaphore_mem>>
      %dma_start3A_70 = arith.constant 0 : i32
      %dma_start3A_71 = arith.constant 0 : i32
      %dma_start3A_72 = tpu.memref_slice %arg8[%sub3A_58, %dma_start3A_70, %dma_start3A_71] : memref<2x2048x1024xf32, #tpu.memory_space<vmem>> -> memref<1x2048x1024xf32, #tpu.memory_space<vmem>>
      %dma_start3A_73 = tpu.memref_squeeze %dma_start3A_72 : memref<1x2048x1024xf32, #tpu.memory_space<vmem>> -> memref<2048x1024xf32, #tpu.memory_space<vmem>>
      %dma_start3A_74 = arith.constant 0 : i32
      %dma_start3A_75 = arith.constant 0 : i32
      %dma_start3A_76 = tpu.memref_slice %arg4[%get3A_10, %dma_start3A_74, %dma_start3A_75] : memref<8x2048x1024xf32, #tpu.memory_space<any>> -> memref<1x2048x1024xf32, #tpu.memory_space<any>>
      %dma_start3A_77 = tpu.memref_squeeze %dma_start3A_76 : memref<1x2048x1024xf32, #tpu.memory_space<any>> -> memref<2048x1024xf32, #tpu.memory_space<any>>
      tpu.enqueue_dma source(%dma_start3A_77 : memref<2048x1024xf32, #tpu.memory_space<any>>) target(%dma_start3A_73 : memref<2048x1024xf32, #tpu.memory_space<vmem>>) target_semaphore(%dma_start3A_69 : memref<!tpu.dma_semaphore, #tpu.memory_space<semaphore_mem>>)
    } else {
    }
    %eq3A_23 = arith.constant 1 : i32
    %eq3A_24 = arith.cmpi eq, %get3A_7, %eq3A_23 : i32
    %convert_element_type3A_25 = arith.extui %eq3A_24 : i1 to i32
    %cond3A_26 = arith.constant 0 : i32
    %cond3A_27 = arith.cmpi ne, %convert_element_type3A_25, %cond3A_26 : i32
    scf.if %cond3A_27 {
      %dma_wait3A = tpu.memref_slice %arg9[%get3A_4] : memref<2x!tpu.dma_semaphore, #tpu.memory_space<semaphore_mem>> -> memref<1x!tpu.dma_semaphore, #tpu.memory_space<semaphore_mem>>
      %dma_wait3A_58 = tpu.memref_squeeze %dma_wait3A : memref<1x!tpu.dma_semaphore, #tpu.memory_space<semaphore_mem>> -> memref<!tpu.dma_semaphore, #tpu.memory_space<semaphore_mem>>
      %dma_wait3A_59 = arith.constant 0 : i32
      %dma_wait3A_60 = arith.constant 0 : i32
      %dma_wait3A_61 = tpu.memref_slice %arg7[%get3A_4, %dma_wait3A_59, %dma_wait3A_60] : memref<2x1024x4096xf32, #tpu.memory_space<vmem>> -> memref<1x1024x4096xf32, #tpu.memory_space<vmem>>
      %dma_wait3A_62 = tpu.memref_squeeze %dma_wait3A_61 : memref<1x1024x4096xf32, #tpu.memory_space<vmem>> -> memref<1024x4096xf32, #tpu.memory_space<vmem>>
      %dma_wait3A_63 = arith.constant 0 : i32
      %dma_wait3A_64 = arith.constant 0 : i32
      %dma_wait3A_65 = tpu.memref_slice %arg3[%get3A_1, %dma_wait3A_63, %dma_wait3A_64] : memref<8x1024x4096xf32, #tpu.memory_space<any>> -> memref<1x1024x4096xf32, #tpu.memory_space<any>>
      %dma_wait3A_66 = tpu.memref_squeeze %dma_wait3A_65 : memref<1x1024x4096xf32, #tpu.memory_space<any>> -> memref<1024x4096xf32, #tpu.memory_space<any>>
      tpu.wait_dma2 semaphore(%dma_wait3A_58 : memref<!tpu.dma_semaphore, #tpu.memory_space<semaphore_mem>>) src(%dma_wait3A_66 : memref<1024x4096xf32, #tpu.memory_space<any>>) dst(%dma_wait3A_62 : memref<1024x4096xf32, #tpu.memory_space<vmem>>)
      %dma_wait3A_67 = tpu.memref_slice %arg10[%get3A_4] : memref<2x!tpu.dma_semaphore, #tpu.memory_space<semaphore_mem>> -> memref<1x!tpu.dma_semaphore, #tpu.memory_space<semaphore_mem>>
      %dma_wait3A_68 = tpu.memref_squeeze %dma_wait3A_67 : memref<1x!tpu.dma_semaphore, #tpu.memory_space<semaphore_mem>> -> memref<!tpu.dma_semaphore, #tpu.memory_space<semaphore_mem>>
      %dma_wait3A_69 = arith.constant 0 : i32
      %dma_wait3A_70 = arith.constant 0 : i32
      %dma_wait3A_71 = tpu.memref_slice %arg8[%get3A_4, %dma_wait3A_69, %dma_wait3A_70] : memref<2x2048x1024xf32, #tpu.memory_space<vmem>> -> memref<1x2048x1024xf32, #tpu.memory_space<vmem>>
      %dma_wait3A_72 = tpu.memref_squeeze %dma_wait3A_71 : memref<1x2048x1024xf32, #tpu.memory_space<vmem>> -> memref<2048x1024xf32, #tpu.memory_space<vmem>>
      %dma_wait3A_73 = arith.constant 0 : i32
      %dma_wait3A_74 = arith.constant 0 : i32
      %dma_wait3A_75 = tpu.memref_slice %arg4[%get3A_1, %dma_wait3A_73, %dma_wait3A_74] : memref<8x2048x1024xf32, #tpu.memory_space<any>> -> memref<1x2048x1024xf32, #tpu.memory_space<any>>
      %dma_wait3A_76 = tpu.memref_squeeze %dma_wait3A_75 : memref<1x2048x1024xf32, #tpu.memory_space<any>> -> memref<2048x1024xf32, #tpu.memory_space<any>>
      tpu.wait_dma2 semaphore(%dma_wait3A_68 : memref<!tpu.dma_semaphore, #tpu.memory_space<semaphore_mem>>) src(%dma_wait3A_76 : memref<2048x1024xf32, #tpu.memory_space<any>>) dst(%dma_wait3A_72 : memref<2048x1024xf32, #tpu.memory_space<vmem>>)
    } else {
    }
    %get3A_28 = arith.constant 0 : index
    %get3A_29 = arith.constant 0 : index
    %get3A_30 = vector.load %arg2[%get3A_28, %get3A_29] : memref<256x1024xf32, #tpu.memory_space<vmem>>, vector<256x1024xf32>
    %get3A_31 = arith.index_cast %get3A_4 : i32 to index
    %get3A_32 = arith.constant 0 : index
    %get3A_33 = arith.constant 0 : index
    %get3A_34 = vector.load %arg7[%get3A_31, %get3A_32, %get3A_33] : memref<2x1024x4096xf32, #tpu.memory_space<vmem>>, vector<1x1024x4096xf32>
    %get3A_35 = vector.shape_cast %get3A_34 : vector<1x1024x4096xf32> to vector<1024x4096xf32>
    %dot_general3A = arith.constant dense<0.000000e+00> : vector<256x4096xf32>
    %dot_general3A_36 = tpu.matmul %get3A_30, %get3A_35, %dot_general3A {dimension_numbers = #tpu.dot_dimension_numbers<[1], [0], [0], [1], [0, 0, 1, 1], [], []>, transpose_lhs_hint = false} : vector<256x1024xf32>, vector<1024x4096xf32>, vector<256x4096xf32> -> vector<256x4096xf32>
    %slice3A = vector.extract_strided_slice %dot_general3A_36 {offsets = [0, 0], sizes = [256, 2048], strides = [1, 1]} : vector<256x4096xf32> to vector<256x2048xf32>
    %slice3A_37 = vector.extract_strided_slice %dot_general3A_36 {offsets = [0, 2048], sizes = [256, 2048], strides = [1, 1]} : vector<256x4096xf32> to vector<256x2048xf32>
    %logistic3A = arith.negf %slice3A : vector<256x2048xf32>
    %logistic3A_38 = math.exp %logistic3A : vector<256x2048xf32>
    %logistic3A_39 = arith.constant 1.000000e+00 : f32
    %logistic3A_40 = vector.broadcast %logistic3A_39 : f32 to vector<256x2048xf32>
    %logistic3A_41 = arith.addf %logistic3A_40, %logistic3A_38 : vector<256x2048xf32>
    %logistic3A_42 = arith.divf %logistic3A_40, %logistic3A_41 : vector<256x2048xf32>
    %mul3A = arith.mulf %slice3A, %logistic3A_42 : vector<256x2048xf32>
    %mul3A_43 = arith.mulf %mul3A, %slice3A_37 : vector<256x2048xf32>
    %get3A_44 = arith.index_cast %get3A_4 : i32 to index
    %get3A_45 = arith.constant 0 : index
    %get3A_46 = arith.constant 0 : index
    %get3A_47 = vector.load %arg8[%get3A_44, %get3A_45, %get3A_46] : memref<2x2048x1024xf32, #tpu.memory_space<vmem>>, vector<1x2048x1024xf32>
    %get3A_48 = vector.shape_cast %get3A_47 : vector<1x2048x1024xf32> to vector<2048x1024xf32>
    %dot_general3A_49 = arith.constant dense<0.000000e+00> : vector<256x1024xf32>
    %dot_general3A_50 = tpu.matmul %mul3A_43, %get3A_48, %dot_general3A_49 {dimension_numbers = #tpu.dot_dimension_numbers<[1], [0], [0], [1], [0, 0, 1, 1], [], []>, transpose_lhs_hint = false} : vector<256x2048xf32>, vector<2048x1024xf32>, vector<256x1024xf32> -> vector<256x1024xf32>
    %get3A_51 = arith.constant 0 : index
    %get3A_52 = arith.constant 0 : index
    %get3A_53 = vector.load %arg5[%get3A_51, %get3A_52] : memref<256x1xf32, #tpu.memory_space<vmem>>, vector<256x1xf32>
    %mul3A_54 = vector.broadcast %get3A_53 : vector<256x1xf32> to vector<256x1024xf32>
    %mul3A_55 = arith.mulf %dot_general3A_50, %mul3A_54 : vector<256x1024xf32>
    %swap3A = arith.constant 0 : index
    %swap3A_56 = arith.constant 0 : index
    %swap3A_57 = vector.load %arg6[%swap3A, %swap3A_56] : memref<256x1024xf32, #tpu.memory_space<vmem>>, vector<256x1024xf32>
    tpu.vector_store %arg6[%swap3A, %swap3A_56], %mul3A_55 {strides = array<i32>} : memref<256x1024xf32, #tpu.memory_space<vmem>>, vector<256x1024xf32>,
    return
  }
  func.func @transform_0(%arg0: i32, %arg1: memref<5x23xi32, #tpu.memory_space<smem>>) -> (i32, i32) {
    %c0_i32 = arith.constant 0 : i32
    %c0_i32_0 = arith.constant 0 : i32
    return %arg0, %c0_i32 : i32, i32
  }
  func.func @transform_3(%arg0: i32, %arg1: memref<5x23xi32, #tpu.memory_space<smem>>) -> (i32, i32) {
    %c0_i32 = arith.constant 0 : i32
    %c0_i32_0 = arith.constant 0 : i32
    return %arg0, %c0_i32 : i32, i32
  }
  func.func @transform_4(%arg0: i32, %arg1: memref<5x23xi32, #tpu.memory_space<smem>>) -> (i32, i32) {
    %c0_i32 = arith.constant 0 : i32
    %c0_i32_0 = arith.constant 0 : i32
    return %arg0, %c0_i32 : i32, i32
  }
}

</mosaic_0001>

<sc_bundles>
// kernel: kernel.5.cloned.1.call-start
scs
__scs_entry_jumppad:
0x0: {  	(pc) =	sbr.rel $0x88, $3  }
0x1: {  	(tag) =	ssettag $0x0;
	lr =	simm.s32 $0x1  }
0x2: {  	[smem:$0x3F9D] =	sst lr;
	_ =	strace $0xD0000000  }
0x3: {  	_ = 	snop  }
0x4: {  	_ = 	snop  }
0x5: {  	_ = 	snop  }
0x6: {  	_ = 	snop  }
0x7: {  	_ = 	snop  }
__scs_overlays_trampoline_lowered:
0x8: {  	[smem:$0x3FAC] =	sst s0  }
0x9: {  	[smem:$0x3FAD] =	sst s1  }
0xa: {  	[smem:$0x3FAE] =	sst s2  }
0xb: {  	[smem:$0x3FAF] =	sst s3  }
0xc: {  	[smem:$0x3FB0] =	sst s4  }
0xd: {  	[smem:$0x3FB1] =	sst s5  }
0xe: {  	[smem:$0x3FB2] =	sst s6  }
0xf: {  	[smem:$0x3FB3] =	sst s7  }
0x10: {  	[smem:$0x3FB4] =	sst s8  }
0x11: {  	[smem:$0x3FB5] =	sst s9;
	s0 =	simm.s32 @!p0 $0x0  }
0x12: {  	s1 =	sld [smem:$0x3F9B];
	s0 =	simm.s32 @p0 $0x1  }
0x13: {  	[smem:$0x3FB6] =	sst s0;
	s0 =	simm.s32 @!p1 $0x0  }
0x14: {  	s2 =	sld [smem:$0x3F9A];
	s0 =	simm.s32 @p1 $0x1  }
0x15: {  	[smem:$0x3FB7] =	sst s0;
	s0 =	simm.s32 @!p2 $0x0  }
0x16: {  	s3 =	sld [smem:$0x3FDB];
	s0 =	simm.s32 @p2 $0x1  }
0x17: {  	s4 =	simm.s32 $0x1BF5;
	[smem:$0x3FB9] =	sst s0  }
0x18: {  	s0 =	sld [smem:$0x3F9C];
	_ =	swait.ge [sflag:s4], $0x0  }
0x19: {  	s7 =	sld [smem:$0x3F9D]  }
0x1a: {  	s8 =	sadd.s32 $0xFFFFE003, lr  }
0x1b: {  	s9 =	sadd.s32 $0xFFFFFEF7, lr;
	s5 =	simm.s32 $0xFFFFFFFF;
	p2 =	slt.u32 s8, $0xFFFFF086  }
0x1c: {  	p1 =	slt.u32 s9, $0xF7A;
	s5 =	simm.s32 @!p2 $0x0  }
0x1d: {  	s5 =	simm.s32 @p1 $0x1;
	p0 =	seq.s32 s7, s2  }
0x1e: {  	s7 =	smul.u32 @!p0 $0xF7A, s2;
	p2 =	seq.s32 @!p0 s5, $0x0  }
0x1f: {  	s9 =	smul.u32 $0xF7A, s1;
	s8 =	simm.s32 @!p0 $0x1BF5;
	p2 =	por !p2, p0  }
0x20: {  	[sflag:s8] =	ssyncset.s32 @!p0 $0xFFFFF086;
	s6 =	sadd.s32 @!p0 s3, s7;
	s7 =	simm.s32 @!p0 $0x108  }
0x21: {  	s3 =	sadd.s32 s3, s9;
	s6 =	sadd.s32 @!p0 $0x88, s6;
	s7 =	simm.s32 @p2 $0x1082  }
0x22: {  	[simem:s7], [sflag:s8] =	dma.local @!p0 [hbm:s6], $0xF7A  }
0x23: {  	s9 =	sor.u32 $0xD0000000, s2;
	s6 =	simm.s32 $0x108;
	_ =	swait.ge @!p0 [sflag:s8], $0x0  }
0x24: {  	s3 =	sadd.s32 $0x88, s3;
	s6 =	simm.s32 @!p1 $0x1082;
	[sflag:s4] =	ssyncset.s32 $0xFFFFF086  }
0x25: {  	[simem:s6], [sflag:s4] =	dma.local [hbm:s3], $0xF7A  }
0x26: {  	[smem:$0x3F9D] =	sst s1;
	(tag) =	ssettag s2;
	_ =	strace s9  }
0x27: {  	s1 =	sld [smem:$0x3FAD]  }
0x28: {  	s2 =	sld [smem:$0x3FAE]  }
0x29: {  	s4 =	sld [smem:$0x3FB0]  }
0x2a: {  	p0 =	seq.s32 s5, $0x0;
	s5 =	sld [smem:$0x3FB1]  }
0x2b: {  	s6 =	sld [smem:$0x3FB2]  }
0x2c: {  	s7 =	sld [smem:$0x3FB3]  }
0x2d: {  	s3 =	simm.s32 $0x108;
	s8 =	sld [smem:$0x3FB4]  }
0x2e: {  	s3 =	simm.s32 @!p0 $0x1082;
	s9 =	sld [smem:$0x3FB5]  }
0x2f: {  	lr =	sadd.s32 s0, s3;
	s0 =	sld [smem:$0x3FAC]  }
0x30: {  	s3 =	sld [smem:$0x3FAF]  }
0x31: {  	[smem:$0x3FB8] =	sst s10  }
0x32: {  	s10 =	sld [smem:$0x3FB6];
	_ =	sdelay $0x3  }
0x33: {  	p0 =	seq.s32 s10, $0x1;
	s10 =	sld [smem:$0x3FB8];
	_ =	sdelay $0x3  }
0x34: {  	[smem:$0x3FB8] =	sst s10  }
0x35: {  	s10 =	sld [smem:$0x3FB7];
	_ =	sdelay $0x3  }
0x36: {  	p1 =	seq.s32 s10, $0x1;
	s10 =	sld [smem:$0x3FB8];
	_ =	sdelay $0x3  }
0x37: {  	[smem:$0x3FB8] =	sst s10  }
0x38: {  	s10 =	sld [smem:$0x3FB9]  }
0x39: {  	_ = 	snop;
	(pc) =	sbr.ind lr, $3  }
0x3a: {  	_ = 	snop  }
0x3b: {  	_ = 	snop  }
0x3c: {  	p2 =	seq.s32 s10, $0x1;
	s10 =	sld [smem:$0x3FB8]  }
0x3d: {  	_ =	shalt  }
0x3e: {  	_ =	shalt  }
0x3f: {  	_ =	shalt  }
0x40: {  	_ =	shalt  }
0x41: {  	_ =	shalt  }
0x42: {  	_ =	shalt  }
0x43: {  	_ =	shalt  }
0x44: {  	_ =	shalt  }
0x45: {  	_ =	shalt  }
0x46: {  	_ =	shalt  }
0x47: {  	_ =	shalt  }
0x48: {  	_ =	shalt  }
0x49: {  	_ =	shalt  }
0x4a: {  	_ =	shalt  }
0x4b: {  	_ =	shalt  }
0x4c: {  	_ =	shalt  }
0x4d: {  	_ =	shalt  }
0x4e: {  	_ =	shalt  }
0x4f: {  	_ =	shalt  }
0x50: {  	_ =	shalt  }
0x51: {  	_ =	shalt  }
0x52: {  	_ =	shalt  }
0x53: {  	_ =	shalt  }
0x54: {  	_ =	shalt  }
0x55: {  	_ =	shalt  }
0x56: {  	_ =	shalt  }
0x57: {  	_ =	shalt  }
0x58: {  	_ =	shalt  }
0x59: {  	_ =	shalt  }
0x5a: {  	_ =	shalt  }
0x5b: {  	_ =	shalt  }
0x5c: {  	_ =	shalt  }
0x5d: {  	_ =	shalt  }
0x5e: {  	_ =	shalt  }
0x5f: {  	_ =	shalt  }
0x60: {  	_ =	shalt  }
0x61: {  	_ =	shalt  }
0x62: {  	_ =	shalt  }
0x63: {  	_ =	shalt  }
0x64: {  	_ =	shalt  }
0x65: {  	_ =	shalt  }
0x66: {  	_ =	shalt  }
0x67: {  	_ =	shalt  }
0x68: {  	_ =	shalt  }
0x69: {  	_ =	shalt  }
0x6a: {  	_ =	shalt  }
0x6b: {  	_ =	shalt  }
0x6c: {  	_ =	shalt  }
0x6d: {  	_ =	shalt  }
0x6e: {  	_ =	shalt  }
0x6f: {  	_ =	shalt  }
0x70: {  	_ =	shalt  }
0x71: {  	_ =	shalt  }
0x72: {  	_ =	shalt  }
0x73: {  	_ =	shalt  }
0x74: {  	_ =	shalt  }
0x75: {  	_ =	shalt  }
0x76: {  	_ =	shalt  }
0x77: {  	_ =	shalt  }
0x78: {  	_ =	shalt  }
0x79: {  	_ =	shalt  }
0x7a: {  	_ =	shalt  }
0x7b: {  	_ =	shalt  }
0x7c: {  	_ =	shalt  }
0x7d: {  	_ =	shalt  }
0x7e: {  	_ =	shalt  }
0x7f: {  	_ =	shalt  }
0x80: {  	_ =	shalt  }
0x81: {  	_ =	shalt  }
0x82: {  	_ =	shalt  }
0x83: {  	_ =	shalt  }
0x84: {  	_ =	shalt  }
0x85: {  	_ =	shalt  }
0x86: {  	_ =	shalt  }
0x87: {  	_ =	shalt  }
.Lfunc_end0:
.L_simem_size_0:
called_computation_lowered:
.L_overlay_start_0:
0x88: {  	s2 =	sld [smem:$0x3FD9]  }
0x89: {  	s3 =	sld [smem:$0x3FFE];
	_ =	sdelay $0x1  }
0x8a: {  	s1 =	srdreg.scid  }
0x8b: {  	s0 =	sand.u32 $0x1, s1  }
0x8c: {  	s17 =	sshll.u32 s0, $0xA;
	s2 =	sadd.s32 s3, s2  }
0x8d: {  	s2 =	sadd.s32 s2, s17  }
0x8e: {  	[smem:$0x3FC4] =	sst s2  }
0x8f: {  	_ = 	snop  }
0x90: {  	s2 =	sld [smem:$0x3FD0];
	(tm) =	ssettm $0x1  }
0x91: {  	s18 =	sld [smem:$0x3FFB];
	_ =	sdelay $0x3  }
0x92: {  	_ =	strace s18  }
0x93: {  	s3 =	sld [smem:$0x3FFC];
	_ =	sdelay $0x3  }
0x94: {  	_ =	strace s3  }
0x95: {  	s3 =	sld [smem:$0x3FFD];
	_ =	sdelay $0x3  }
0x96: {  	_ =	strace s3  }
0x97: {  	_ =	strace $0x8FFFFFFF  }
0x98: {  	s19 =	sld [smem:$0x3FDB];
	_ =	sdelay $0x1  }
0x99: {  	s4 =	simm.s32 $_scs_section_size  }
0x9a: {  	s5 =	simm.s32 $_size__tile_overlayer_lowered;
	s6 =	simm.s32 $_tile_overlayer_lowered  }
0x9b: {  	s22 =	simm.s32 $0x1BFF;
	s21 =	sshll.u32 s6, $0x1;
	s3 =	sadd.s32 s4, s19  }
0x9c: {  	s7 =	simm.s32 $0x0;
	s20 =	sshll.u32 s5, $0x1;
	s5 =	sadd.s32 s21, s3  }
0x9d: {  	[timem:s7], [sflag:s22] =	dma.local [hbm:s5], s20  }
0x9e: {  	_ =	swait.ge [sflag:s22], s20  }
0x9f: {  	s4 =	ssub.s32 $0x0, s20;
	[sflag:s22] =	ssyncset.done $0x0  }
0xa0: {  	[sflag:s22] =	ssyncadd.s32 s4;
	_ =	sdelay $0x1  }
0xa1: {  	s23 =	simm.s32 $0x1B8B  }
0xa2: {  	_ =	swait.ge [sflag:s23], $0x1  }
0xa3: {  	[sflag:s23] =	ssyncset.done $0x0  }
0xa4: {  	s25 =	simm.s32 $0x1B8E;
	s24 =	sld [smem:$0x3FFE];
	[sflag:s23] =	ssyncadd.s32 $0xFFFFFFFF  }
0xa5: {  	s26 =	simm.s32 $execute0_lowered;
	[smem:$0x3FD2] =	sst s25  }
0xa6: {  	s5 =	sshll.u32 s26, $0x1;
	_ =	strace $0x80000046;
	[dreg:$0x1] =	wrdreg $0xFFFFFFFF  }
0xa7: {  	s28 =	simm.s32 $_size_execute0_lowered;
	s3 =	sadd.s32 s3, s5;
	[dreg:$0x0] =	wrdreg $0x0  }
0xa8: {  	s5 =	sshll.u32 s28, $0x1;
	[dreg:$0x2] =	wrdreg s3  }
0xa9: {  	[dreg:$0x3] =	wrdreg s5  }
0xaa: {  	[dreg:$0x4] =	wrdreg $0xC0  }
0xab: {  	_ =	task [dreg:s7], $0x5FFFF  }
0xac: {  	[dreg:$0x1] =	wrdreg $0xFFFFFFFF  }
0xad: {  	[dreg:$0x0] =	wrdreg $0x60  }
0xae: {  	[dreg:$0x2] =	wrdreg s24  }
0xaf: {  	[dreg:$0x3] =	wrdreg s2  }
0xb0: {  	[dreg:$0x4] =	wrdreg $0x9  }
0xb1: {  	_ =	task.clear_ibuf [dreg:s7], $0x5FFFF;
	_ =	strace $0x90000046  }
0xb2: {  	s29 =	simm.s32 $0x9;
	_ =	strace $0x80000048  }
0xb3: {  	_ =	swait.ge [sflag:s29], $0x1  }
0xb4: {  	[sflag:s29] =	ssyncadd.s32 $0xFFFFFFFF  }
0xb5: {  	_ =	strace $0x90000048  }
0xb6: {  	_ =	sfence  }
0xb7: {  	s30 =	sld [smem:$0x0];
	_ =	sdelay $0x2  }
0xb8: {  	s31 =	sshll.u32 s1, $0xD;
	s1 =	sshrl.u32 s1, $0x2  }
0xb9: {  	s3 =	sand.u32 $0x4000, s31;
	s1 =	sadd.s32 s1, s30  }
0xba: {  	s0 =	sor.u32 s3, s0;
	s1 =	sshll.u32 s1, $0x11  }
0xbb: {  	s0 =	sor.u32 s1, s0  }
0xbc: {  	s0 =	sadd.s32 $0x8F2B, s0  }
0xbd: {  	[sflag:s0] =	ssyncadd.remote.s32 $0x1  }
0xbe: {  	_ =	sfence.sel $0xFFFF  }
0xbf: {  	[dreg:$0x0] =	wrdreg $0xFFFFFFFF;
	(pc) =	sbr.abs _section_cstart, $3  }
0xc0: {  	[dreg:$0x1] =	wrdreg $0xFFFFFFFF  }
0xc1: {  	_ =	task.clear_ibuf [dreg:s7], $0x2FFFF;
	_ =	strace $0x9FFFFFFF  }
0xc2: {  	(tm) =	ssettm $0x7FFFFFFF  }
0xc3: {  	_ =	shalt  }
tec
execute0_lowered:
.L_overlay_start_1:
0x0: {  	(tag) =	ssettag $0x1  }
0x1: {  	s0 =	rddreg [dreg:$0x0]  }
0x2: {  	s1 =	rddreg [dreg:$0x1]  }
0x3: {  	s2 =	srdreg.scid;
	s4 =	stileid.u32  }
0x4: {  	s14 =	simm.s32 $0x2;
	s15 =	simm.s32 $0x9100;
	s16 =	simm.s32 $0x9900  }
0x5: {  	s17 =	simm.s32 $0xA100;
	s18 =	simm.s32 $0xA900;
	s19 =	simm.s32 $0xB100  }
0x6: {  	s20 =	simm.s32 $0xC100;
	s21 =	simm.s32 $0xC900;
	s22 =	simm.s32 $0xD900  }
0x7: {  	s11 =	simm.s32 $0xE100;
	s23 =	simm.s32 $0xE900;
	s24 =	simm.s32 $0xF100  }
0x8: {  	s12 =	simm.s32 $0xF900;
	s25 =	simm.s32 $0x1;
	s13 =	simm.s32 $0x10100  }
0x9: {  	s3 =	sand.u32 $0x1, s2;
	s2 =	simm.s32 $0x0;
	s4 =	sshll.u32 s4, $0x7  }
0xa: {  	s8 =	sadd.s32 $0xB8700, s0;
	s5 =	sshll.u32 s3, $0x6;
	[smem:$0x7FF] =	sst s2  }
0xb: {  	s6 =	ssub.s32 $0x2, s3;
	s3 =	sadd.s32 $0xB8400, s0;
	s5 =	sor.u32 s5, s4  }
0xc: {  	_ =	strace $0x80000047;
	s7 =	sshrl.u32 s6, $0x1;
	s4 =	sshrl.u32 s5, $0x3  }
0xd: {  	s9 =	ssub.s32 s6, s7;
	s6 =	sadd.s32 $0xB8500, s0;
	s10 =	sshll.u32 s5, $0x7  }
0xe: {  	s7 =	sadd.s32 $0xB8600, s0;
	s5 =	sor.u32 $0x20, s5;
	s10 =	sadd.s32 s1, s10  }
0xf: {  	s4 =	sadd.s32 s0, s4;
	s31 =	smax.u32 s9, $0x1;
	[dreg:$0x4] =	wrdreg s10  }
0x10: {  	s28 =	sshrl.u32 s5, $0x3;
	s26 =	sadd.s32 $0x100, s4;
	[dreg:$0x8] =	wrdreg s31  }
0x11: {  	s30 =	sshll.u32 s5, $0x7;
	s0 =	sadd.s32 s0, s28;
	[dreg:$0x3] =	wrdreg s26  }
0x12: {  	v2 =	vlaneseq.u32;
	s5 =	simm.s32 $0x8900;
	s29 =	sadd.s32 $0x104, s4;
	[dreg:$0x5] =	wrdreg s0  }
0x13: {  	vm0 =	vmmov $0xffff;
	v1 =	vshrl.u32 v2, $0x3;
	s9 =	simm.s32 $0xB900;
	[dreg:$0x6] =	wrdreg s29;
	s0 =	sadd.s32 s1, s30  }
0x14: {  	v0 =	vand.u32 $0x7, v2;
	v2 =	vor.u32 $0x8, v2;
	v1 =	vmul.u32 $0x8, v1;
	s10 =	simm.s32 $0xD100;
	s26 =	simm.s32 $0x0;
	[dreg:$0x7] =	wrdreg s0  }
.LBB2_1:
0x15: {  	[tilespmem:s2], [sflag:$0x2] =	stream.linear.gather [hbm4b:s4+s2], $0x20, $0x38;
	[tilespmem:$0x18100] =	vst v63  }
0x16: {  	_ =	swait.ge [sflag:s14], $0x20  }
0x17: {  	[sflag:s14] =	ssyncset.done $0x0  }
0x18: {  	s1 =	simm.s32 $0x80;
	s0 =	rddreg [dreg:$0x3];
	[sflag:s14] =	ssyncadd.s32 $0xFFFFFFE0  }
0x19: {  	[tilespmem:s1], [sflag:$0x2] =	stream.linear.gather [hbm4b:s0+s2], $0x20, $0x38;
	[tilespmem:$0x18100] =	vst v63  }
0x1a: {  	_ =	swait.ge [sflag:s14], $0x20  }
0x1b: {  	[sflag:s14] =	ssyncset.done $0x0  }
0x1c: {  	[sflag:s14] =	ssyncadd.s32 $0xFFFFFFE0  }
0x1d: {  	v3 =	vld [tilespmem:$0x0];
	_ =	sdelay $0x4  }
0x1e: {  	v4 =	vshll.u32 v3, $0x3  }
0x1f: {  	v3 =	vand.u32 $0x7, v3;
	v4 =	vand.u32 $0xFFFFFFC0, v4  }
0x20: {  	v3 =	vor.u32 v3, v4  }
0x21: {  	v4 =	vperm.xlane v3, v0;
	_ =	sdelay $0x1  }
0x22: {  	v4 =	vadd.s32 v1, v4;
	_ =	sdelay $0x3  }
0x23: {  	s1 =	simm.s32 $0x100  }
0x24: {  	[tilespmem:s1], [sflag:$0x1] =	stream.indirect_vreg.gather [hbm4b:s3+s2], $0x80, v4, vm0, $0xb8;
	[tilespmem:$0x18100] =	vst v63  }
0x25: {  	v3 =	vperm.xlane v3, v2;
	s1 =	simm.s32 $0x900  }
0x26: {  	[tilespmem:s1], [sflag:$0x1] =	stream.indirect_vreg.gather [hbm4b:s6+s2], $0x80, v4, vm0, $0xb8;
	[tilespmem:$0x18100] =	vst v63  }
0x27: {  	v3 =	vadd.s32 v1, v3;
	s1 =	simm.s32 $0x1100  }
0x28: {  	[tilespmem:s1], [sflag:$0x1] =	stream.indirect_vreg.gather [hbm4b:s7+s2], $0x80, v4, vm0, $0xb8;
	[tilespmem:$0x18100] =	vst v63  }
0x29: {  	s1 =	simm.s32 $0x1900  }
0x2a: {  	[tilespmem:s1], [sflag:$0x1] =	stream.indirect_vreg.gather [hbm4b:s8+s2], $0x80, v4, vm0, $0xb8;
	[tilespmem:$0x18100] =	vst v63  }
0x2b: {  	s1 =	simm.s32 $0x2100  }
0x2c: {  	[tilespmem:s1], [sflag:$0x1] =	stream.indirect_vreg.gather [hbm4b:s3+s2], $0x80, v3, vm0, $0xb8;
	[tilespmem:$0x18100] =	vst v63  }
0x2d: {  	s1 =	simm.s32 $0x2900  }
0x2e: {  	[tilespmem:s1], [sflag:$0x1] =	stream.indirect_vreg.gather [hbm4b:s6+s2], $0x80, v3, vm0, $0xb8;
	[tilespmem:$0x18100] =	vst v63  }
0x2f: {  	s1 =	simm.s32 $0x3100  }
0x30: {  	[tilespmem:s1], [sflag:$0x1] =	stream.indirect_vreg.gather [hbm4b:s7+s2], $0x80, v3, vm0, $0xb8;
	[tilespmem:$0x18100] =	vst v63  }
0x31: {  	s1 =	simm.s32 $0x3900  }
0x32: {  	[tilespmem:s1], [sflag:$0x1] =	stream.indirect_vreg.gather [hbm4b:s8+s2], $0x80, v3, vm0, $0xb8;
	[tilespmem:$0x18100] =	vst v63  }
0x33: {  	v3 =	vld [tilespmem:$0x10];
	_ =	sdelay $0x4  }
0x34: {  	v61 =	vshll.u32 v3, $0x3  }
0x35: {  	v3 =	vand.u32 $0x7, v3;
	v4 =	vand.u32 $0xFFFFFFC0, v61  }
0x36: {  	v3 =	vor.u32 v3, v4  }
0x37: {  	v4 =	vperm.xlane v3, v0;
	_ =	sdelay $0x1  }
0x38: {  	v4 =	vadd.s32 v1, v4;
	_ =	sdelay $0x3  }
0x39: {  	s1 =	simm.s32 $0x4100  }
0x3a: {  	[tilespmem:s1], [sflag:$0x1] =	stream.indirect_vreg.gather [hbm4b:s3+s2], $0x80, v4, vm0, $0xb8;
	[tilespmem:$0x18100] =	vst v63  }
0x3b: {  	v3 =	vperm.xlane v3, v2;
	s1 =	simm.s32 $0x4900  }
0x3c: {  	[tilespmem:s1], [sflag:$0x1] =	stream.indirect_vreg.gather [hbm4b:s6+s2], $0x80, v4, vm0, $0xb8;
	[tilespmem:$0x18100] =	vst v63  }
0x3d: {  	v3 =	vadd.s32 v1, v3;
	s1 =	simm.s32 $0x5100  }
0x3e: {  	[tilespmem:s1], [sflag:$0x1] =	stream.indirect_vreg.gather [hbm4b:s7+s2], $0x80, v4, vm0, $0xb8;
	[tilespmem:$0x18100] =	vst v63  }
0x3f: {  	s1 =	simm.s32 $0x5900  }
0x40: {  	[tilespmem:s1], [sflag:$0x1] =	stream.indirect_vreg.gather [hbm4b:s8+s2], $0x80, v4, vm0, $0xb8;
	[tilespmem:$0x18100] =	vst v63  }
0x41: {  	s1 =	simm.s32 $0x6100  }
0x42: {  	[tilespmem:s1], [sflag:$0x1] =	stream.indirect_vreg.gather [hbm4b:s3+s2], $0x80, v3, vm0, $0xb8;
	[tilespmem:$0x18100] =	vst v63  }
0x43: {  	s1 =	simm.s32 $0x6900  }
0x44: {  	[tilespmem:s1], [sflag:$0x1] =	stream.indirect_vreg.gather [hbm4b:s6+s2], $0x80, v3, vm0, $0xb8;
	[tilespmem:$0x18100] =	vst v63  }
0x45: {  	s1 =	simm.s32 $0x7100  }
0x46: {  	[tilespmem:s1], [sflag:$0x1] =	stream.indirect_vreg.gather [hbm4b:s7+s2], $0x80, v3, vm0, $0xb8;
	[tilespmem:$0x18100] =	vst v63  }
0x47: {  	s1 =	simm.s32 $0x7900  }
0x48: {  	[tilespmem:s1], [sflag:$0x1] =	stream.indirect_vreg.gather [hbm4b:s8+s2], $0x80, v3, vm0, $0xb8;
	[tilespmem:$0x18100] =	vst v63  }
0x49: {  	v3 =	vld [tilespmem:$0x80];
	_ =	sdelay $0x4  }
0x4a: {  	v62 =	vshll.u32 v3, $0x3  }
0x4b: {  	v3 =	vand.u32 $0x7, v3;
	v4 =	vand.u32 $0xFFFFFFC0, v62  }
0x4c: {  	v3 =	vor.u32 v3, v4  }
0x4d: {  	v4 =	vperm.xlane v3, v0;
	_ =	sdelay $0x1  }
0x4e: {  	v4 =	vadd.s32 v1, v4;
	_ =	sdelay $0x3  }
0x4f: {  	s1 =	simm.s32 $0x8100  }
0x50: {  	[tilespmem:s1], [sflag:$0x1] =	stream.indirect_vreg.gather [hbm4b:s3+s2], $0x80, v4, vm0, $0xb8;
	[tilespmem:$0x18100] =	vst v63  }
0x51: {  	v3 =	vperm.xlane v3, v2  }
0x52: {  	[tilespmem:s5], [sflag:$0x1] =	stream.indirect_vreg.gather [hbm4b:s6+s2], $0x80, v4, vm0, $0xb8;
	[tilespmem:$0x18100] =	vst v63  }
0x53: {  	v3 =	vadd.s32 v1, v3  }
0x54: {  	[tilespmem:s15], [sflag:$0x1] =	stream.indirect_vreg.gather [hbm4b:s7+s2], $0x80, v4, vm0, $0xb8;
	[tilespmem:$0x18100] =	vst v63  }
0x55: {  	_ = 	snop  }
0x56: {  	[tilespmem:s16], [sflag:$0x1] =	stream.indirect_vreg.gather [hbm4b:s8+s2], $0x80, v4, vm0, $0xb8;
	[tilespmem:$0x18100] =	vst v63  }
0x57: {  	_ = 	snop  }
0x58: {  	[tilespmem:s17], [sflag:$0x1] =	stream.indirect_vreg.gather [hbm4b:s3+s2], $0x80, v3, vm0, $0xb8;
	[tilespmem:$0x18100] =	vst v63  }
0x59: {  	_ = 	snop  }
0x5a: {  	[tilespmem:s18], [sflag:$0x1] =	stream.indirect_vreg.gather [hbm4b:s6+s2], $0x80, v3, vm0, $0xb8;
	[tilespmem:$0x18100] =	vst v63  }
0x5b: {  	_ = 	snop  }
0x5c: {  	[tilespmem:s19], [sflag:$0x1] =	stream.indirect_vreg.gather [hbm4b:s7+s2], $0x80, v3, vm0, $0xb8;
	[tilespmem:$0x18100] =	vst v63  }
0x5d: {  	_ = 	snop  }
0x5e: {  	[tilespmem:s9], [sflag:$0x1] =	stream.indirect_vreg.gather [hbm4b:s8+s2], $0x80, v3, vm0, $0xb8;
	[tilespmem:$0x18100] =	vst v63  }
0x5f: {  	v3 =	vld [tilespmem:$0x90];
	_ =	sdelay $0x4  }
0x60: {  	v63 =	vshll.u32 v3, $0x3  }
0x61: {  	v3 =	vand.u32 $0x7, v3;
	v4 =	vand.u32 $0xFFFFFFC0, v63  }
0x62: {  	v3 =	vor.u32 v3, v4  }
0x63: {  	v4 =	vperm.xlane v3, v0;
	_ =	sdelay $0x1  }
0x64: {  	v4 =	vadd.s32 v1, v4;
	_ =	sdelay $0x4  }
0x65: {  	[tilespmem:s20], [sflag:$0x1] =	stream.indirect_vreg.gather [hbm4b:s3+s2], $0x80, v4, vm0, $0xb8;
	[tilespmem:$0x18100] =	vst v63  }
0x66: {  	v3 =	vperm.xlane v3, v2  }
0x67: {  	[tilespmem:s21], [sflag:$0x1] =	stream.indirect_vreg.gather [hbm4b:s6+s2], $0x80, v4, vm0, $0xb8;
	[tilespmem:$0x18100] =	vst v63  }
0x68: {  	v3 =	vadd.s32 v1, v3  }
0x69: {  	[tilespmem:s10], [sflag:$0x1] =	stream.indirect_vreg.gather [hbm4b:s7+s2], $0x80, v4, vm0, $0xb8;
	[tilespmem:$0x18100] =	vst v63  }
0x6a: {  	_ = 	snop  }
0x6b: {  	[tilespmem:s22], [sflag:$0x1] =	stream.indirect_vreg.gather [hbm4b:s8+s2], $0x80, v4, vm0, $0xb8;
	[tilespmem:$0x18100] =	vst v63  }
0x6c: {  	_ = 	snop  }
0x6d: {  	[tilespmem:s11], [sflag:$0x1] =	stream.indirect_vreg.gather [hbm4b:s3+s2], $0x80, v3, vm0, $0xb8;
	[tilespmem:$0x18100] =	vst v63  }
0x6e: {  	_ = 	snop  }
0x6f: {  	[tilespmem:s23], [sflag:$0x1] =	stream.indirect_vreg.gather [hbm4b:s6+s2], $0x80, v3, vm0, $0xb8;
	[tilespmem:$0x18100] =	vst v63  }
0x70: {  	_ = 	snop  }
0x71: {  	[tilespmem:s24], [sflag:$0x1] =	stream.indirect_vreg.gather [hbm4b:s7+s2], $0x80, v3, vm0, $0xb8;
	[tilespmem:$0x18100] =	vst v63  }
0x72: {  	_ = 	snop  }
0x73: {  	[tilespmem:s12], [sflag:$0x1] =	stream.indirect_vreg.gather [hbm4b:s8+s2], $0x80, v3, vm0, $0xb8;
	[tilespmem:$0x18100] =	vst v63  }
0x74: {  	_ =	swait.ge [sflag:s25], $0x8000  }
0x75: {  	[sflag:s25] =	ssyncset.done $0x0  }
0x76: {  	[sflag:s25] =	ssyncadd.s32 $0xFFFF8000  }
0x77: {  	_ =	swait.ge [sflag:s25], $0x8000  }
0x78: {  	s28 =	simm.s32 $0xFFFF8000;
	s29 =	simm.s32 $0x0;
	[sflag:s25] =	ssyncset.done $0x0  }
0x79: {  	s30 =	simm.s32 $0x0;
	s31 =	simm.s32 $0x0;
	[sflag:s25] =	ssyncadd.s32 $0xFFFF8000  }
.LBB2_2:
0x7a: {  	s0 =	sadd.s32 $0x8000, s28  }
0x7b: {  	s1 =	sand.u32 $0x380, s31;
	s0 =	sand.u32 $0x6000, s0  }
0x7c: {  	s0 =	sor.u32 s1, s0  }
0x7d: {  	v3 =	vld [tilespmem:s0+$0x100]  }
0x7e: {  	v4 =	vld [tilespmem:s0+$0x8100]  }
0x7f: {  	v5 =	vld [tilespmem:s0+$0x110]  }
0x80: {  	v6 =	vld [tilespmem:s0+$0x8110]  }
0x81: {  	v7 =	vld [tilespmem:s0+$0x120]  }
0x82: {  	v8 =	vld [tilespmem:s0+$0x8120]  }
0x83: {  	v9 =	vld [tilespmem:s0+$0x130]  }
0x84: {  	v10 =	vld [tilespmem:s0+$0x8130]  }
0x85: {  	v11 =	vld [tilespmem:s0+$0x140]  }
0x86: {  	v12 =	vld [tilespmem:s0+$0x8140]  }
0x87: {  	v13 =	vld [tilespmem:s0+$0x150]  }
0x88: {  	v14 =	vld [tilespmem:s0+$0x8150]  }
0x89: {  	v15 =	vld [tilespmem:s0+$0x160]  }
0x8a: {  	v16 =	vld [tilespmem:s0+$0x8160]  }
0x8b: {  	v17 =	vld [tilespmem:s0+$0x170]  }
0x8c: {  	v18 =	vld [tilespmem:s0+$0x8170]  }
0x8d: {  	v19 =	vld [tilespmem:s0+$0x500]  }
0x8e: {  	v20 =	vld [tilespmem:s0+$0x8500]  }
0x8f: {  	v21 =	vld [tilespmem:s0+$0x510]  }
0x90: {  	v22 =	vld [tilespmem:s0+$0x8510]  }
0x91: {  	v23 =	vld [tilespmem:s0+$0x520]  }
0x92: {  	v24 =	vld [tilespmem:s0+$0x8520]  }
0x93: {  	v25 =	vld [tilespmem:s0+$0x530]  }
0x94: {  	v26 =	vld [tilespmem:s0+$0x8530]  }
0x95: {  	v27 =	vld [tilespmem:s0+$0x540]  }
0x96: {  	v28 =	vld [tilespmem:s0+$0x8540]  }
0x97: {  	v29 =	vld [tilespmem:s0+$0x550]  }
0x98: {  	v30 =	vld [tilespmem:s0+$0x8550]  }
0x99: {  	v31 =	vld [tilespmem:s0+$0x560]  }
0x9a: {  	v32 =	vld [tilespmem:s0+$0x8560]  }
0x9b: {  	v33 =	vld [tilespmem:s0+$0x570]  }
0x9c: {  	v34 =	vld [tilespmem:s0+$0x8570]  }
0x9d: {  	v35 =	vld [tilespmem:s0+$0x900]  }
0x9e: {  	v36 =	vld [tilespmem:s0+$0x8900]  }
0x9f: {  	v37 =	vld [tilespmem:s0+$0x910]  }
0xa0: {  	v38 =	vld [tilespmem:s0+$0x8910]  }
0xa1: {  	v39 =	vld [tilespmem:s0+$0x920]  }
0xa2: {  	v40 =	vld [tilespmem:s0+$0x8920]  }
0xa3: {  	v41 =	vld [tilespmem:s0+$0x930]  }
0xa4: {  	v42 =	vld [tilespmem:s0+$0x8930]  }
0xa5: {  	v43 =	vld [tilespmem:s0+$0x940]  }
0xa6: {  	v44 =	vld [tilespmem:s0+$0x8940]  }
0xa7: {  	v45 =	vld [tilespmem:s0+$0x950]  }
0xa8: {  	v46 =	vld [tilespmem:s0+$0x8950]  }
0xa9: {  	v47 =	vld [tilespmem:s0+$0x960]  }
0xaa: {  	v48 =	vld [tilespmem:s0+$0x8960]  }
0xab: {  	v49 =	vld [tilespmem:s0+$0x970]  }
0xac: {  	v50 =	vld [tilespmem:s0+$0x8970]  }
0xad: {  	v51 =	vld [tilespmem:s0+$0xD00]  }
0xae: {  	v52 =	vld [tilespmem:s0+$0x8D00]  }
0xaf: {  	v53 =	vld [tilespmem:s0+$0xD10]  }
0xb0: {  	v54 =	vld [tilespmem:s0+$0x8D10]  }
0xb1: {  	v55 =	vld [tilespmem:s0+$0xD20]  }
0xb2: {  	v56 =	vld [tilespmem:s0+$0x8D20]  }
0xb3: {  	v57 =	vld [tilespmem:s0+$0xD30]  }
0xb4: {  	v58 =	vld [tilespmem:s0+$0x8D30]  }
0xb5: {  	v59 =	vld [tilespmem:s0+$0xD40]  }
0xb6: {  	v60 =	vld [tilespmem:s0+$0x8D40]  }
0xb7: {  	v61 =	vld [tilespmem:s0+$0xD50]  }
0xb8: {  	v62 =	vld [tilespmem:s0+$0x8D50]  }
0xb9: {  	v63 =	vld [tilespmem:s0+$0xD60]  }
0xba: {  	v3 =	vadd.f32 v4, v3;
	v4 =	vld [tilespmem:s0+$0x8D60]  }
0xbb: {  	v5 =	vadd.f32 v6, v5;
	v6 =	vld [tilespmem:s0+$0xD70]  }
0xbc: {  	v14 =	vadd.f32 v14, v13;
	v13 =	vld [tilespmem:s0+$0x9120];
	[tilespmem:s0+$0x10100] =	vst v3  }
0xbd: {  	v18 =	vadd.f32 v18, v17;
	v17 =	vld [tilespmem:s0+$0x9140];
	v3 =	vadd.f32 v8, v7;
	[tilespmem:s0+$0x10110] =	vst v5  }
0xbe: {  	v22 =	vadd.f32 v22, v21;
	v21 =	vld [tilespmem:s0+$0x9160];
	[tilespmem:s0+$0x10150] =	vst v14  }
0xbf: {  	v7 =	vld [tilespmem:s0+$0x8D70];
	[tilespmem:s0+$0x10120] =	vst v3;
	v3 =	vadd.f32 v12, v11  }
0xc0: {  	v8 =	vld [tilespmem:s0+$0x1100];
	[tilespmem:s0+$0x10170] =	vst v18  }
0xc1: {  	v5 =	vadd.f32 v10, v9;
	v9 =	vld [tilespmem:s0+$0x9100];
	[tilespmem:s0+$0x10140] =	vst v3;
	v3 =	vadd.f32 v16, v15  }
0xc2: {  	v26 =	vadd.f32 v26, v25;
	v10 =	vld [tilespmem:s0+$0x1110];
	[tilespmem:s0+$0x10510] =	vst v22  }
0xc3: {  	v14 =	vld [tilespmem:s0+$0x1130];
	[tilespmem:s0+$0x10160] =	vst v3;
	v3 =	vadd.f32 v20, v19  }
0xc4: {  	v30 =	vadd.f32 v30, v29;
	[tilespmem:s0+$0x10530] =	vst v26;
	v18 =	vld [tilespmem:s0+$0x1150]  }
0xc5: {  	v19 =	vld [tilespmem:s0+$0x9150];
	[tilespmem:s0+$0x10500] =	vst v3;
	v3 =	vadd.f32 v24, v23  }
0xc6: {  	v34 =	vadd.f32 v34, v33;
	[tilespmem:s0+$0x10550] =	vst v30;
	v22 =	vld [tilespmem:s0+$0x1170]  }
0xc7: {  	v11 =	vld [tilespmem:s0+$0x9110];
	[tilespmem:s0+$0x10520] =	vst v3;
	v3 =	vadd.f32 v28, v27  }
0xc8: {  	[tilespmem:s0+$0x10570] =	vst v34;
	v12 =	vld [tilespmem:s0+$0x1120]  }
0xc9: {  	v15 =	vld [tilespmem:s0+$0x9130];
	[tilespmem:s0+$0x10540] =	vst v3;
	v3 =	vadd.f32 v32, v31  }
0xca: {  	[tilespmem:s0+$0x10130] =	vst v5;
	v16 =	vld [tilespmem:s0+$0x1140];
	v19 =	vadd.f32 v19, v18  }
0xcb: {  	v20 =	vld [tilespmem:s0+$0x1160];
	[tilespmem:s0+$0x10560] =	vst v3;
	v3 =	vadd.f32 v36, v35  }
0xcc: {  	v24 =	vld [tilespmem:s0+$0x1500];
	[tilespmem:s0+$0x11150] =	vst v19;
	v36 =	vadd.f32 v38, v37  }
0xcd: {  	v37 =	vld [tilespmem:s0+$0x9170];
	[tilespmem:s0+$0x10900] =	vst v3;
	v3 =	vadd.f32 v40, v39  }
0xce: {  	v38 =	vadd.f32 v42, v41;
	v41 =	vld [tilespmem:s0+$0x1510];
	[tilespmem:s0+$0x10910] =	vst v36  }
0xcf: {  	v42 =	vld [tilespmem:s0+$0x9510];
	[tilespmem:s0+$0x10920] =	vst v3;
	v3 =	vadd.f32 v44, v43  }
0xd0: {  	v35 =	vld [tilespmem:s0+$0x1910];
	[tilespmem:s0+$0x10930] =	vst v38;
	v40 =	vadd.f32 v46, v45  }
0xd1: {  	v39 =	vld [tilespmem:s0+$0x9500];
	[tilespmem:s0+$0x10940] =	vst v3;
	v3 =	vadd.f32 v48, v47  }
0xd2: {  	v45 =	vld [tilespmem:s0+$0x9520];
	v46 =	vadd.f32 v54, v53;
	[tilespmem:s0+$0x10950] =	vst v40  }
0xd3: {  	v53 =	vld [tilespmem:s0+$0x1550];
	[tilespmem:s0+$0x10960] =	vst v3;
	v3 =	vadd.f32 v52, v51  }
0xd4: {  	v54 =	vld [tilespmem:s0+$0x9550];
	v43 =	vadd.f32 v50, v49;
	[tilespmem:s0+$0x10D10] =	vst v46  }
0xd5: {  	v36 =	vld [tilespmem:s0+$0x9910];
	[tilespmem:s0+$0x10D00] =	vst v3;
	v3 =	vadd.f32 v56, v55  }
0xd6: {  	v38 =	vld [tilespmem:s0+$0x1920];
	v49 =	vadd.f32 v58, v57;
	[tilespmem:s0+$0x10970] =	vst v43  }
0xd7: {  	v44 =	vld [tilespmem:s0+$0x1520];
	[tilespmem:s0+$0x10D20] =	vst v3;
	v3 =	vadd.f32 v60, v59  }
0xd8: {  	v50 =	vld [tilespmem:s0+$0x1540];
	v58 =	vadd.f32 v11, v10;
	[tilespmem:s0+$0x10D30] =	vst v49  }
0xd9: {  	v57 =	vld [tilespmem:s0+$0x9560];
	[tilespmem:s0+$0x10D40] =	vst v3;
	v3 =	vadd.f32 v4, v63  }
0xda: {  	v46 =	vld [tilespmem:s0+$0x1950];
	v37 =	vadd.f32 v37, v22;
	[tilespmem:s0+$0x11110] =	vst v58  }
0xdb: {  	v40 =	vadd.f32 v42, v41;
	v41 =	vld [tilespmem:s0+$0x1930];
	[tilespmem:s0+$0x10D60] =	vst v3;
	v3 =	vadd.f32 v9, v8  }
0xdc: {  	v42 =	vld [tilespmem:s0+$0x9930];
	[tilespmem:s0+$0x11170] =	vst v37  }
0xdd: {  	v47 =	vld [tilespmem:s0+$0x1530];
	[tilespmem:s0+$0x11100] =	vst v3;
	v3 =	vadd.f32 v13, v12  }
0xde: {  	v48 =	vld [tilespmem:s0+$0x9530];
	[tilespmem:s0+$0x11510] =	vst v40;
	v52 =	vadd.f32 v62, v61  }
0xdf: {  	v49 =	vld [tilespmem:s0+$0x1960];
	[tilespmem:s0+$0x11120] =	vst v3;
	v3 =	vadd.f32 v17, v16  }
0xe0: {  	v51 =	vld [tilespmem:s0+$0x9540];
	v61 =	vadd.f32 v15, v14;
	[tilespmem:s0+$0x10D50] =	vst v52  }
0xe1: {  	v62 =	vld [tilespmem:s0+$0x1900];
	[tilespmem:s0+$0x11140] =	vst v3;
	v3 =	vadd.f32 v21, v20  }
0xe2: {  	v55 =	vadd.f32 v7, v6;
	v56 =	vld [tilespmem:s0+$0x1560];
	[tilespmem:s0+$0x11130] =	vst v61  }
0xe3: {  	v52 =	vld [tilespmem:s0+$0x1970];
	[tilespmem:s0+$0x11160] =	vst v3;
	v3 =	vadd.f32 v39, v24  }
0xe4: {  	v43 =	vadd.f32 v48, v47;
	v47 =	vld [tilespmem:s0+$0x9950];
	[tilespmem:s0+$0x10D70] =	vst v55  }
0xe5: {  	v59 =	vld [tilespmem:s0+$0x1570];
	[tilespmem:s0+$0x11500] =	vst v3;
	v3 =	vadd.f32 v45, v44  }
0xe6: {  	[tilespmem:s0+$0x11530] =	vst v43;
	v63 =	vld [tilespmem:s0+$0x9900];
	v4 =	vadd.f32 v54, v53  }
0xe7: {  	v60 =	vld [tilespmem:s0+$0x9570];
	[tilespmem:s0+$0x11520] =	vst v3;
	v3 =	vadd.f32 v51, v50  }
0xe8: {  	v54 =	vadd.f32 v42, v41;
	[tilespmem:s0+$0x11550] =	vst v4;
	v39 =	vld [tilespmem:s0+$0x9920]  }
0xe9: {  	v44 =	vld [tilespmem:s0+$0x1940];
	[tilespmem:s0+$0x11540] =	vst v3;
	v3 =	vadd.f32 v57, v56  }
0xea: {  	[tilespmem:s0+$0x11930] =	vst v54;
	v55 =	vadd.f32 v47, v46;
	v45 =	vld [tilespmem:s0+$0x9940]  }
0xeb: {  	v53 =	vld [tilespmem:s0+$0x9970];
	[tilespmem:s0+$0x11560] =	vst v3;
	v3 =	vadd.f32 v63, v62  }
0xec: {  	v48 =	vadd.f32 v60, v59;
	[tilespmem:s0+$0x11950] =	vst v55;
	v50 =	vld [tilespmem:s0+$0x9960]  }
0xed: {  	[tilespmem:s0+$0x11900] =	vst v3;
	v3 =	vadd.f32 v39, v38  }
0xee: {  	[tilespmem:s0+$0x11570] =	vst v48;
	v51 =	vadd.f32 v36, v35  }
0xef: {  	[tilespmem:s0+$0x11920] =	vst v3;
	v3 =	vadd.f32 v45, v44  }
0xf0: {  	s1 =	sand.u32 $0x7, s29;
	[tilespmem:s0+$0x11910] =	vst v51;
	v56 =	vadd.f32 v53, v52  }
0xf1: {  	s1 =	sshll.u32 s1, $0x7;
	[tilespmem:s0+$0x11940] =	vst v3;
	v3 =	vadd.f32 v50, v49  }
0xf2: {  	s1 =	sadd.s32 s1, s30;
	[tilespmem:s0+$0x11970] =	vst v56  }
0xf3: {  	[tilespmem:s0+$0x11960] =	vst v3;
	s0 =	sor.u32 $0x1C00, s1  }
0xf4: {  	v3 =	vld [tilespmem:s0+$0x100]  }
0xf5: {  	v4 =	vld [tilespmem:s0+$0x8100];
	_ =	sdelay $0x4  }
0xf6: {  	v3 =	vadd.f32 v4, v3;
	_ =	sdelay $0x1  }
0xf7: {  	[tilespmem:s0+$0x10100] =	vst v3;
	s0 =	sor.u32 $0x1C10, s1  }
0xf8: {  	v3 =	vld [tilespmem:s0+$0x100]  }
0xf9: {  	v57 =	vld [tilespmem:s0+$0x8100];
	_ =	sdelay $0x4  }
0xfa: {  	v3 =	vadd.f32 v57, v3;
	_ =	sdelay $0x1  }
0xfb: {  	[tilespmem:s0+$0x10100] =	vst v3;
	s0 =	sor.u32 $0x1C20, s1  }
0xfc: {  	v3 =	vld [tilespmem:s0+$0x100]  }
0xfd: {  	v58 =	vld [tilespmem:s0+$0x8100];
	_ =	sdelay $0x4  }
0xfe: {  	v3 =	vadd.f32 v58, v3;
	_ =	sdelay $0x1  }
0xff: {  	[tilespmem:s0+$0x10100] =	vst v3;
	s0 =	sor.u32 $0x1C30, s1  }
0x100: {  	v3 =	vld [tilespmem:s0+$0x100]  }
0x101: {  	v59 =	vld [tilespmem:s0+$0x8100];
	_ =	sdelay $0x4  }
0x102: {  	v3 =	vadd.f32 v59, v3;
	_ =	sdelay $0x1  }
0x103: {  	[tilespmem:s0+$0x10100] =	vst v3;
	s0 =	sor.u32 $0x1C40, s1  }
0x104: {  	v3 =	vld [tilespmem:s0+$0x100]  }
0x105: {  	v60 =	vld [tilespmem:s0+$0x8100];
	_ =	sdelay $0x4  }
0x106: {  	v3 =	vadd.f32 v60, v3;
	_ =	sdelay $0x1  }
0x107: {  	[tilespmem:s0+$0x10100] =	vst v3;
	s0 =	sor.u32 $0x1C50, s1  }
0x108: {  	v3 =	vld [tilespmem:s0+$0x100]  }
0x109: {  	v61 =	vld [tilespmem:s0+$0x8100];
	_ =	sdelay $0x4  }
0x10a: {  	v3 =	vadd.f32 v61, v3;
	_ =	sdelay $0x1  }
0x10b: {  	[tilespmem:s0+$0x10100] =	vst v3;
	s0 =	sor.u32 $0x1C60, s1  }
0x10c: {  	v3 =	vld [tilespmem:s0+$0x100]  }
0x10d: {  	v62 =	vld [tilespmem:s0+$0x8100];
	_ =	sdelay $0x4  }
0x10e: {  	v3 =	vadd.f32 v62, v3;
	_ =	sdelay $0x1  }
0x10f: {  	s1 =	sor.u32 $0x1C70, s1;
	[tilespmem:s0+$0x10100] =	vst v3  }
0x110: {  	v3 =	vld [tilespmem:s1+$0x100]  }
0x111: {  	v63 =	vld [tilespmem:s1+$0x8100];
	_ =	sdelay $0x1  }
0x112: {  	p0 =	sne.s32 s31, $0xF80  }
.Ltmp0:
0x113: {  	_ = 	snop;
	(pc) =	sbr.rel @p0 .LBB2_2-.Ltmp0, $4  }
0x114: {  	_ = 	snop  }
0x115: {  	v3 =	vadd.f32 v63, v3  }
0x116: {  	s28 =	sadd.s32 $0x400, s28  }
0x117: {  	s31 =	sadd.s32 $0x80, s31;
	s29 =	sadd.s32 $0x1, s29;
	s30 =	sadd.s32 $0x400, s30;
	[tilespmem:s1+$0x10100] =	vst v3  }
0x118: {  	s28 =	simm.s32 $0x0;
	s0 =	rddreg [dreg:$0x4]  }
0x119: {  	[hbm4b:s0+s28] =	stream.linear.scatter [tilespmem:s13], [sflag:$0x2], $0x8000, $0x38;
	[tilespmem:$0x18100] =	vst v63  }
0x11a: {  	_ =	swait.ge [sflag:s14], $0x8000  }
0x11b: {  	[sflag:s14] =	ssyncset.done $0x0  }
0x11c: {  	s1 =	rddreg [dreg:$0x5];
	[sflag:s14] =	ssyncadd.s32 $0xFFFF8000  }
0x11d: {  	[tilespmem:s28], [sflag:$0x2] =	stream.linear.gather [hbm4b:s1+s28], $0x20, $0x38;
	[tilespmem:$0x18100] =	vst v63  }
0x11e: {  	_ =	swait.ge [sflag:s14], $0x20  }
0x11f: {  	[sflag:s14] =	ssyncset.done $0x0  }
0x120: {  	s1 =	simm.s32 $0x80;
	s0 =	rddreg [dreg:$0x6];
	[sflag:s14] =	ssyncadd.s32 $0xFFFFFFE0  }
0x121: {  	[tilespmem:s1], [sflag:$0x2] =	stream.linear.gather [hbm4b:s0+s28], $0x20, $0x38;
	[tilespmem:$0x18100] =	vst v63  }
0x122: {  	_ =	swait.ge [sflag:s14], $0x20  }
0x123: {  	[sflag:s14] =	ssyncset.done $0x0  }
0x124: {  	[sflag:s14] =	ssyncadd.s32 $0xFFFFFFE0  }
0x125: {  	v3 =	vld [tilespmem:$0x0];
	_ =	sdelay $0x4  }
0x126: {  	v4 =	vshll.u32 v3, $0x3  }
0x127: {  	v3 =	vand.u32 $0x7, v3;
	v4 =	vand.u32 $0xFFFFFFC0, v4  }
0x128: {  	v3 =	vor.u32 v3, v4  }
0x129: {  	v4 =	vperm.xlane v3, v0;
	_ =	sdelay $0x1  }
0x12a: {  	v4 =	vadd.s32 v1, v4;
	_ =	sdelay $0x3  }
0x12b: {  	s1 =	simm.s32 $0x100  }
0x12c: {  	[tilespmem:s1], [sflag:$0x1] =	stream.indirect_vreg.gather [hbm4b:s3+s28], $0x80, v4, vm0, $0xb8;
	[tilespmem:$0x18100] =	vst v63  }
0x12d: {  	v3 =	vperm.xlane v3, v2;
	s1 =	simm.s32 $0x900  }
0x12e: {  	[tilespmem:s1], [sflag:$0x1] =	stream.indirect_vreg.gather [hbm4b:s6+s28], $0x80, v4, vm0, $0xb8;
	[tilespmem:$0x18100] =	vst v63  }
0x12f: {  	v3 =	vadd.s32 v1, v3;
	s1 =	simm.s32 $0x1100  }
0x130: {  	[tilespmem:s1], [sflag:$0x1] =	stream.indirect_vreg.gather [hbm4b:s7+s28], $0x80, v4, vm0, $0xb8;
	[tilespmem:$0x18100] =	vst v63  }
0x131: {  	s1 =	simm.s32 $0x1900  }
0x132: {  	[tilespmem:s1], [sflag:$0x1] =	stream.indirect_vreg.gather [hbm4b:s8+s28], $0x80, v4, vm0, $0xb8;
	[tilespmem:$0x18100] =	vst v63  }
0x133: {  	s1 =	simm.s32 $0x2100  }
0x134: {  	[tilespmem:s1], [sflag:$0x1] =	stream.indirect_vreg.gather [hbm4b:s3+s28], $0x80, v3, vm0, $0xb8;
	[tilespmem:$0x18100] =	vst v63  }
0x135: {  	s1 =	simm.s32 $0x2900  }
0x136: {  	[tilespmem:s1], [sflag:$0x1] =	stream.indirect_vreg.gather [hbm4b:s6+s28], $0x80, v3, vm0, $0xb8;
	[tilespmem:$0x18100] =	vst v63  }
0x137: {  	s1 =	simm.s32 $0x3100  }
0x138: {  	[tilespmem:s1], [sflag:$0x1] =	stream.indirect_vreg.gather [hbm4b:s7+s28], $0x80, v3, vm0, $0xb8;
	[tilespmem:$0x18100] =	vst v63  }
0x139: {  	s1 =	simm.s32 $0x3900  }
0x13a: {  	[tilespmem:s1], [sflag:$0x1] =	stream.indirect_vreg.gather [hbm4b:s8+s28], $0x80, v3, vm0, $0xb8;
	[tilespmem:$0x18100] =	vst v63  }
0x13b: {  	v3 =	vld [tilespmem:$0x10];
	_ =	sdelay $0x4  }
0x13c: {  	v61 =	vshll.u32 v3, $0x3  }
0x13d: {  	v3 =	vand.u32 $0x7, v3;
	v4 =	vand.u32 $0xFFFFFFC0, v61  }
0x13e: {  	v3 =	vor.u32 v3, v4  }
0x13f: {  	v4 =	vperm.xlane v3, v0;
	_ =	sdelay $0x1  }
0x140: {  	v4 =	vadd.s32 v1, v4;
	_ =	sdelay $0x3  }
0x141: {  	s1 =	simm.s32 $0x4100  }
0x142: {  	[tilespmem:s1], [sflag:$0x1] =	stream.indirect_vreg.gather [hbm4b:s3+s28], $0x80, v4, vm0, $0xb8;
	[tilespmem:$0x18100] =	vst v63  }
0x143: {  	v3 =	vperm.xlane v3, v2;
	s1 =	simm.s32 $0x4900  }
0x144: {  	[tilespmem:s1], [sflag:$0x1] =	stream.indirect_vreg.gather [hbm4b:s6+s28], $0x80, v4, vm0, $0xb8;
	[tilespmem:$0x18100] =	vst v63  }
0x145: {  	v3 =	vadd.s32 v1, v3;
	s1 =	simm.s32 $0x5100  }
0x146: {  	[tilespmem:s1], [sflag:$0x1] =	stream.indirect_vreg.gather [hbm4b:s7+s28], $0x80, v4, vm0, $0xb8;
	[tilespmem:$0x18100] =	vst v63  }
0x147: {  	s1 =	simm.s32 $0x5900  }
0x148: {  	[tilespmem:s1], [sflag:$0x1] =	stream.indirect_vreg.gather [hbm4b:s8+s28], $0x80, v4, vm0, $0xb8;
	[tilespmem:$0x18100] =	vst v63  }
0x149: {  	s1 =	simm.s32 $0x6100  }
0x14a: {  	[tilespmem:s1], [sflag:$0x1] =	stream.indirect_vreg.gather [hbm4b:s3+s28], $0x80, v3, vm0, $0xb8;
	[tilespmem:$0x18100] =	vst v63  }
0x14b: {  	s1 =	simm.s32 $0x6900  }
0x14c: {  	[tilespmem:s1], [sflag:$0x1] =	stream.indirect_vreg.gather [hbm4b:s6+s28], $0x80, v3, vm0, $0xb8;
	[tilespmem:$0x18100] =	vst v63  }
0x14d: {  	s1 =	simm.s32 $0x7100  }
0x14e: {  	[tilespmem:s1], [sflag:$0x1] =	stream.indirect_vreg.gather [hbm4b:s7+s28], $0x80, v3, vm0, $0xb8;
	[tilespmem:$0x18100] =	vst v63  }
0x14f: {  	s1 =	simm.s32 $0x7900  }
0x150: {  	[tilespmem:s1], [sflag:$0x1] =	stream.indirect_vreg.gather [hbm4b:s8+s28], $0x80, v3, vm0, $0xb8;
	[tilespmem:$0x18100] =	vst v63  }
0x151: {  	v3 =	vld [tilespmem:$0x80];
	_ =	sdelay $0x4  }
0x152: {  	v62 =	vshll.u32 v3, $0x3  }
0x153: {  	v3 =	vand.u32 $0x7, v3;
	v4 =	vand.u32 $0xFFFFFFC0, v62  }
0x154: {  	v3 =	vor.u32 v3, v4  }
0x155: {  	v4 =	vperm.xlane v3, v0;
	_ =	sdelay $0x1  }
0x156: {  	v4 =	vadd.s32 v1, v4;
	_ =	sdelay $0x3  }
0x157: {  	s1 =	simm.s32 $0x8100  }
0x158: {  	[tilespmem:s1], [sflag:$0x1] =	stream.indirect_vreg.gather [hbm4b:s3+s28], $0x80, v4, vm0, $0xb8;
	[tilespmem:$0x18100] =	vst v63  }
0x159: {  	v3 =	vperm.xlane v3, v2  }
0x15a: {  	[tilespmem:s5], [sflag:$0x1] =	stream.indirect_vreg.gather [hbm4b:s6+s28], $0x80, v4, vm0, $0xb8;
	[tilespmem:$0x18100] =	vst v63  }
0x15b: {  	v3 =	vadd.s32 v1, v3  }
0x15c: {  	[tilespmem:s15], [sflag:$0x1] =	stream.indirect_vreg.gather [hbm4b:s7+s28], $0x80, v4, vm0, $0xb8;
	[tilespmem:$0x18100] =	vst v63  }
0x15d: {  	_ = 	snop  }
0x15e: {  	[tilespmem:s16], [sflag:$0x1] =	stream.indirect_vreg.gather [hbm4b:s8+s28], $0x80, v4, vm0, $0xb8;
	[tilespmem:$0x18100] =	vst v63  }
0x15f: {  	_ = 	snop  }
0x160: {  	[tilespmem:s17], [sflag:$0x1] =	stream.indirect_vreg.gather [hbm4b:s3+s28], $0x80, v3, vm0, $0xb8;
	[tilespmem:$0x18100] =	vst v63  }
0x161: {  	_ = 	snop  }
0x162: {  	[tilespmem:s18], [sflag:$0x1] =	stream.indirect_vreg.gather [hbm4b:s6+s28], $0x80, v3, vm0, $0xb8;
	[tilespmem:$0x18100] =	vst v63  }
0x163: {  	_ = 	snop  }
0x164: {  	[tilespmem:s19], [sflag:$0x1] =	stream.indirect_vreg.gather [hbm4b:s7+s28], $0x80, v3, vm0, $0xb8;
	[tilespmem:$0x18100] =	vst v63  }
0x165: {  	_ = 	snop  }
0x166: {  	[tilespmem:s9], [sflag:$0x1] =	stream.indirect_vreg.gather [hbm4b:s8+s28], $0x80, v3, vm0, $0xb8;
	[tilespmem:$0x18100] =	vst v63  }
0x167: {  	v3 =	vld [tilespmem:$0x90];
	_ =	sdelay $0x4  }
0x168: {  	v63 =	vshll.u32 v3, $0x3  }
0x169: {  	v3 =	vand.u32 $0x7, v3;
	v4 =	vand.u32 $0xFFFFFFC0, v63  }
0x16a: {  	v3 =	vor.u32 v3, v4  }
0x16b: {  	v4 =	vperm.xlane v3, v0;
	_ =	sdelay $0x1  }
0x16c: {  	v4 =	vadd.s32 v1, v4;
	_ =	sdelay $0x4  }
0x16d: {  	[tilespmem:s20], [sflag:$0x1] =	stream.indirect_vreg.gather [hbm4b:s3+s28], $0x80, v4, vm0, $0xb8;
	[tilespmem:$0x18100] =	vst v63  }
0x16e: {  	v3 =	vperm.xlane v3, v2  }
0x16f: {  	[tilespmem:s21], [sflag:$0x1] =	stream.indirect_vreg.gather [hbm4b:s6+s28], $0x80, v4, vm0, $0xb8;
	[tilespmem:$0x18100] =	vst v63  }
0x170: {  	v3 =	vadd.s32 v1, v3  }
0x171: {  	[tilespmem:s10], [sflag:$0x1] =	stream.indirect_vreg.gather [hbm4b:s7+s28], $0x80, v4, vm0, $0xb8;
	[tilespmem:$0x18100] =	vst v63  }
0x172: {  	_ = 	snop  }
0x173: {  	[tilespmem:s22], [sflag:$0x1] =	stream.indirect_vreg.gather [hbm4b:s8+s28], $0x80, v4, vm0, $0xb8;
	[tilespmem:$0x18100] =	vst v63  }
0x174: {  	_ = 	snop  }
0x175: {  	[tilespmem:s11], [sflag:$0x1] =	stream.indirect_vreg.gather [hbm4b:s3+s28], $0x80, v3, vm0, $0xb8;
	[tilespmem:$0x18100] =	vst v63  }
0x176: {  	_ = 	snop  }
0x177: {  	[tilespmem:s23], [sflag:$0x1] =	stream.indirect_vreg.gather [hbm4b:s6+s28], $0x80, v3, vm0, $0xb8;
	[tilespmem:$0x18100] =	vst v63  }
0x178: {  	_ = 	snop  }
0x179: {  	[tilespmem:s24], [sflag:$0x1] =	stream.indirect_vreg.gather [hbm4b:s7+s28], $0x80, v3, vm0, $0xb8;
	[tilespmem:$0x18100] =	vst v63  }
0x17a: {  	_ = 	snop  }
0x17b: {  	[tilespmem:s12], [sflag:$0x1] =	stream.indirect_vreg.gather [hbm4b:s8+s28], $0x80, v3, vm0, $0xb8;
	[tilespmem:$0x18100] =	vst v63  }
0x17c: {  	_ =	swait.ge [sflag:s25], $0x8000  }
0x17d: {  	[sflag:s25] =	ssyncset.done $0x0  }
0x17e: {  	[sflag:s25] =	ssyncadd.s32 $0xFFFF8000  }
0x17f: {  	_ =	swait.ge [sflag:s25], $0x8000  }
0x180: {  	s29 =	simm.s32 $0xFFFF8000;
	[sflag:s25] =	ssyncset.done $0x0  }
0x181: {  	s30 =	simm.s32 $0x0;
	s31 =	simm.s32 $0x0;
	[sflag:s25] =	ssyncadd.s32 $0xFFFF8000  }
.LBB2_4:
0x182: {  	s0 =	sadd.s32 $0x8000, s29  }
0x183: {  	s1 =	sand.u32 $0x380, s31;
	s0 =	sand.u32 $0x6000, s0  }
0x184: {  	s0 =	sor.u32 s1, s0  }
0x185: {  	v3 =	vld [tilespmem:s0+$0x100]  }
0x186: {  	v4 =	vld [tilespmem:s0+$0x8100]  }
0x187: {  	v5 =	vld [tilespmem:s0+$0x110]  }
0x188: {  	v6 =	vld [tilespmem:s0+$0x8110]  }
0x189: {  	v7 =	vld [tilespmem:s0+$0x120]  }
0x18a: {  	v8 =	vld [tilespmem:s0+$0x8120]  }
0x18b: {  	v9 =	vld [tilespmem:s0+$0x130]  }
0x18c: {  	v10 =	vld [tilespmem:s0+$0x8130]  }
0x18d: {  	v11 =	vld [tilespmem:s0+$0x140]  }
0x18e: {  	v12 =	vld [tilespmem:s0+$0x8140]  }
0x18f: {  	v13 =	vld [tilespmem:s0+$0x150]  }
0x190: {  	v14 =	vld [tilespmem:s0+$0x8150]  }
0x191: {  	v15 =	vld [tilespmem:s0+$0x160]  }
0x192: {  	v16 =	vld [tilespmem:s0+$0x8160]  }
0x193: {  	v17 =	vld [tilespmem:s0+$0x170]  }
0x194: {  	v18 =	vld [tilespmem:s0+$0x8170]  }
0x195: {  	v19 =	vld [tilespmem:s0+$0x500]  }
0x196: {  	v20 =	vld [tilespmem:s0+$0x8500]  }
0x197: {  	v21 =	vld [tilespmem:s0+$0x510]  }
0x198: {  	v22 =	vld [tilespmem:s0+$0x8510]  }
0x199: {  	v23 =	vld [tilespmem:s0+$0x520]  }
0x19a: {  	v24 =	vld [tilespmem:s0+$0x8520]  }
0x19b: {  	v25 =	vld [tilespmem:s0+$0x530]  }
0x19c: {  	v26 =	vld [tilespmem:s0+$0x8530]  }
0x19d: {  	v27 =	vld [tilespmem:s0+$0x540]  }
0x19e: {  	v28 =	vld [tilespmem:s0+$0x8540]  }
0x19f: {  	v29 =	vld [tilespmem:s0+$0x550]  }
0x1a0: {  	v30 =	vld [tilespmem:s0+$0x8550]  }
0x1a1: {  	v31 =	vld [tilespmem:s0+$0x560]  }
0x1a2: {  	v32 =	vld [tilespmem:s0+$0x8560]  }
0x1a3: {  	v33 =	vld [tilespmem:s0+$0x570]  }
0x1a4: {  	v34 =	vld [tilespmem:s0+$0x8570]  }
0x1a5: {  	v35 =	vld [tilespmem:s0+$0x900]  }
0x1a6: {  	v36 =	vld [tilespmem:s0+$0x8900]  }
0x1a7: {  	v37 =	vld [tilespmem:s0+$0x910]  }
0x1a8: {  	v38 =	vld [tilespmem:s0+$0x8910]  }
0x1a9: {  	v39 =	vld [tilespmem:s0+$0x920]  }
0x1aa: {  	v40 =	vld [tilespmem:s0+$0x8920]  }
0x1ab: {  	v41 =	vld [tilespmem:s0+$0x930]  }
0x1ac: {  	v42 =	vld [tilespmem:s0+$0x8930]  }
0x1ad: {  	v43 =	vld [tilespmem:s0+$0x940]  }
0x1ae: {  	v44 =	vld [tilespmem:s0+$0x8940]  }
0x1af: {  	v45 =	vld [tilespmem:s0+$0x950]  }
0x1b0: {  	v46 =	vld [tilespmem:s0+$0x8950]  }
0x1b1: {  	v47 =	vld [tilespmem:s0+$0x960]  }
0x1b2: {  	v48 =	vld [tilespmem:s0+$0x8960]  }
0x1b3: {  	v49 =	vld [tilespmem:s0+$0x970]  }
0x1b4: {  	v50 =	vld [tilespmem:s0+$0x8970]  }
0x1b5: {  	v51 =	vld [tilespmem:s0+$0xD00]  }
0x1b6: {  	v52 =	vld [tilespmem:s0+$0x8D00]  }
0x1b7: {  	v53 =	vld [tilespmem:s0+$0xD10]  }
0x1b8: {  	v54 =	vld [tilespmem:s0+$0x8D10]  }
0x1b9: {  	v55 =	vld [tilespmem:s0+$0xD20]  }
0x1ba: {  	v56 =	vld [tilespmem:s0+$0x8D20]  }
0x1bb: {  	v57 =	vld [tilespmem:s0+$0xD30]  }
0x1bc: {  	v58 =	vld [tilespmem:s0+$0x8D30]  }
0x1bd: {  	v59 =	vld [tilespmem:s0+$0xD40]  }
0x1be: {  	v60 =	vld [tilespmem:s0+$0x8D40]  }
0x1bf: {  	v61 =	vld [tilespmem:s0+$0xD50]  }
0x1c0: {  	v62 =	vld [tilespmem:s0+$0x8D50]  }
0x1c1: {  	v63 =	vld [tilespmem:s0+$0xD60]  }
0x1c2: {  	v3 =	vadd.f32 v4, v3;
	v4 =	vld [tilespmem:s0+$0x8D60]  }
0x1c3: {  	v5 =	vadd.f32 v6, v5;
	v6 =	vld [tilespmem:s0+$0xD70]  }
0x1c4: {  	v14 =	vadd.f32 v14, v13;
	v13 =	vld [tilespmem:s0+$0x9120];
	[tilespmem:s0+$0x10100] =	vst v3  }
0x1c5: {  	v18 =	vadd.f32 v18, v17;
	v17 =	vld [tilespmem:s0+$0x9140];
	v3 =	vadd.f32 v8, v7;
	[tilespmem:s0+$0x10110] =	vst v5  }
0x1c6: {  	v22 =	vadd.f32 v22, v21;
	v21 =	vld [tilespmem:s0+$0x9160];
	[tilespmem:s0+$0x10150] =	vst v14  }
0x1c7: {  	v7 =	vld [tilespmem:s0+$0x8D70];
	[tilespmem:s0+$0x10120] =	vst v3;
	v3 =	vadd.f32 v12, v11  }
0x1c8: {  	v8 =	vld [tilespmem:s0+$0x1100];
	[tilespmem:s0+$0x10170] =	vst v18  }
0x1c9: {  	v5 =	vadd.f32 v10, v9;
	v9 =	vld [tilespmem:s0+$0x9100];
	[tilespmem:s0+$0x10140] =	vst v3;
	v3 =	vadd.f32 v16, v15  }
0x1ca: {  	v26 =	vadd.f32 v26, v25;
	v10 =	vld [tilespmem:s0+$0x1110];
	[tilespmem:s0+$0x10510] =	vst v22  }
0x1cb: {  	v14 =	vld [tilespmem:s0+$0x1130];
	[tilespmem:s0+$0x10160] =	vst v3;
	v3 =	vadd.f32 v20, v19  }
0x1cc: {  	v30 =	vadd.f32 v30, v29;
	[tilespmem:s0+$0x10530] =	vst v26;
	v18 =	vld [tilespmem:s0+$0x1150]  }
0x1cd: {  	v19 =	vld [tilespmem:s0+$0x9150];
	[tilespmem:s0+$0x10500] =	vst v3;
	v3 =	vadd.f32 v24, v23  }
0x1ce: {  	v34 =	vadd.f32 v34, v33;
	[tilespmem:s0+$0x10550] =	vst v30;
	v22 =	vld [tilespmem:s0+$0x1170]  }
0x1cf: {  	v11 =	vld [tilespmem:s0+$0x9110];
	[tilespmem:s0+$0x10520] =	vst v3;
	v3 =	vadd.f32 v28, v27  }
0x1d0: {  	[tilespmem:s0+$0x10570] =	vst v34;
	v12 =	vld [tilespmem:s0+$0x1120]  }
0x1d1: {  	v15 =	vld [tilespmem:s0+$0x9130];
	[tilespmem:s0+$0x10540] =	vst v3;
	v3 =	vadd.f32 v32, v31  }
0x1d2: {  	[tilespmem:s0+$0x10130] =	vst v5;
	v16 =	vld [tilespmem:s0+$0x1140];
	v19 =	vadd.f32 v19, v18  }
0x1d3: {  	v20 =	vld [tilespmem:s0+$0x1160];
	[tilespmem:s0+$0x10560] =	vst v3;
	v3 =	vadd.f32 v36, v35  }
0x1d4: {  	v24 =	vld [tilespmem:s0+$0x1500];
	[tilespmem:s0+$0x11150] =	vst v19;
	v36 =	vadd.f32 v38, v37  }
0x1d5: {  	v37 =	vld [tilespmem:s0+$0x9170];
	[tilespmem:s0+$0x10900] =	vst v3;
	v3 =	vadd.f32 v40, v39  }
0x1d6: {  	v38 =	vadd.f32 v42, v41;
	v41 =	vld [tilespmem:s0+$0x1510];
	[tilespmem:s0+$0x10910] =	vst v36  }
0x1d7: {  	v42 =	vld [tilespmem:s0+$0x9510];
	[tilespmem:s0+$0x10920] =	vst v3;
	v3 =	vadd.f32 v44, v43  }
0x1d8: {  	v35 =	vld [tilespmem:s0+$0x1910];
	[tilespmem:s0+$0x10930] =	vst v38;
	v40 =	vadd.f32 v46, v45  }
0x1d9: {  	v39 =	vld [tilespmem:s0+$0x9500];
	[tilespmem:s0+$0x10940] =	vst v3;
	v3 =	vadd.f32 v48, v47  }
0x1da: {  	v45 =	vld [tilespmem:s0+$0x9520];
	v46 =	vadd.f32 v54, v53;
	[tilespmem:s0+$0x10950] =	vst v40  }
0x1db: {  	v53 =	vld [tilespmem:s0+$0x1550];
	[tilespmem:s0+$0x10960] =	vst v3;
	v3 =	vadd.f32 v52, v51  }
0x1dc: {  	v54 =	vld [tilespmem:s0+$0x9550];
	v43 =	vadd.f32 v50, v49;
	[tilespmem:s0+$0x10D10] =	vst v46  }
0x1dd: {  	v36 =	vld [tilespmem:s0+$0x9910];
	[tilespmem:s0+$0x10D00] =	vst v3;
	v3 =	vadd.f32 v56, v55  }
0x1de: {  	v38 =	vld [tilespmem:s0+$0x1920];
	v49 =	vadd.f32 v58, v57;
	[tilespmem:s0+$0x10970] =	vst v43  }
0x1df: {  	v44 =	vld [tilespmem:s0+$0x1520];
	[tilespmem:s0+$0x10D20] =	vst v3;
	v3 =	vadd.f32 v60, v59  }
0x1e0: {  	v50 =	vld [tilespmem:s0+$0x1540];
	v58 =	vadd.f32 v11, v10;
	[tilespmem:s0+$0x10D30] =	vst v49  }
0x1e1: {  	v57 =	vld [tilespmem:s0+$0x9560];
	[tilespmem:s0+$0x10D40] =	vst v3;
	v3 =	vadd.f32 v4, v63  }
0x1e2: {  	v46 =	vld [tilespmem:s0+$0x1950];
	v37 =	vadd.f32 v37, v22;
	[tilespmem:s0+$0x11110] =	vst v58  }
0x1e3: {  	v40 =	vadd.f32 v42, v41;
	v41 =	vld [tilespmem:s0+$0x1930];
	[tilespmem:s0+$0x10D60] =	vst v3;
	v3 =	vadd.f32 v9, v8  }
0x1e4: {  	v42 =	vld [tilespmem:s0+$0x9930];
	[tilespmem:s0+$0x11170] =	vst v37  }
0x1e5: {  	v47 =	vld [tilespmem:s0+$0x1530];
	[tilespmem:s0+$0x11100] =	vst v3;
	v3 =	vadd.f32 v13, v12  }
0x1e6: {  	v48 =	vld [tilespmem:s0+$0x9530];
	[tilespmem:s0+$0x11510] =	vst v40;
	v52 =	vadd.f32 v62, v61  }
0x1e7: {  	v49 =	vld [tilespmem:s0+$0x1960];
	[tilespmem:s0+$0x11120] =	vst v3;
	v3 =	vadd.f32 v17, v16  }
0x1e8: {  	v51 =	vld [tilespmem:s0+$0x9540];
	v61 =	vadd.f32 v15, v14;
	[tilespmem:s0+$0x10D50] =	vst v52  }
0x1e9: {  	v62 =	vld [tilespmem:s0+$0x1900];
	[tilespmem:s0+$0x11140] =	vst v3;
	v3 =	vadd.f32 v21, v20  }
0x1ea: {  	v55 =	vadd.f32 v7, v6;
	v56 =	vld [tilespmem:s0+$0x1560];
	[tilespmem:s0+$0x11130] =	vst v61  }
0x1eb: {  	v52 =	vld [tilespmem:s0+$0x1970];
	[tilespmem:s0+$0x11160] =	vst v3;
	v3 =	vadd.f32 v39, v24  }
0x1ec: {  	v43 =	vadd.f32 v48, v47;
	v47 =	vld [tilespmem:s0+$0x9950];
	[tilespmem:s0+$0x10D70] =	vst v55  }
0x1ed: {  	v59 =	vld [tilespmem:s0+$0x1570];
	[tilespmem:s0+$0x11500] =	vst v3;
	v3 =	vadd.f32 v45, v44  }
0x1ee: {  	[tilespmem:s0+$0x11530] =	vst v43;
	v63 =	vld [tilespmem:s0+$0x9900];
	v4 =	vadd.f32 v54, v53  }
0x1ef: {  	v60 =	vld [tilespmem:s0+$0x9570];
	[tilespmem:s0+$0x11520] =	vst v3;
	v3 =	vadd.f32 v51, v50  }
0x1f0: {  	v54 =	vadd.f32 v42, v41;
	[tilespmem:s0+$0x11550] =	vst v4;
	v39 =	vld [tilespmem:s0+$0x9920]  }
0x1f1: {  	v44 =	vld [tilespmem:s0+$0x1940];
	[tilespmem:s0+$0x11540] =	vst v3;
	v3 =	vadd.f32 v57, v56  }
0x1f2: {  	[tilespmem:s0+$0x11930] =	vst v54;
	v55 =	vadd.f32 v47, v46;
	v45 =	vld [tilespmem:s0+$0x9940]  }
0x1f3: {  	v53 =	vld [tilespmem:s0+$0x9970];
	[tilespmem:s0+$0x11560] =	vst v3;
	v3 =	vadd.f32 v63, v62  }
0x1f4: {  	v48 =	vadd.f32 v60, v59;
	[tilespmem:s0+$0x11950] =	vst v55;
	v50 =	vld [tilespmem:s0+$0x9960]  }
0x1f5: {  	[tilespmem:s0+$0x11900] =	vst v3;
	v3 =	vadd.f32 v39, v38  }
0x1f6: {  	[tilespmem:s0+$0x11570] =	vst v48;
	v51 =	vadd.f32 v36, v35  }
0x1f7: {  	[tilespmem:s0+$0x11920] =	vst v3;
	v3 =	vadd.f32 v45, v44  }
0x1f8: {  	s1 =	sand.u32 $0x7, s28;
	[tilespmem:s0+$0x11910] =	vst v51;
	v56 =	vadd.f32 v53, v52  }
0x1f9: {  	s1 =	sshll.u32 s1, $0x7;
	[tilespmem:s0+$0x11940] =	vst v3;
	v3 =	vadd.f32 v50, v49  }
0x1fa: {  	s1 =	sadd.s32 s1, s30;
	[tilespmem:s0+$0x11970] =	vst v56  }
0x1fb: {  	[tilespmem:s0+$0x11960] =	vst v3;
	s0 =	sor.u32 $0x1C00, s1  }
0x1fc: {  	v3 =	vld [tilespmem:s0+$0x100]  }
0x1fd: {  	v4 =	vld [tilespmem:s0+$0x8100];
	_ =	sdelay $0x4  }
0x1fe: {  	v3 =	vadd.f32 v4, v3;
	_ =	sdelay $0x1  }
0x1ff: {  	[tilespmem:s0+$0x10100] =	vst v3;
	s0 =	sor.u32 $0x1C10, s1  }
0x200: {  	v3 =	vld [tilespmem:s0+$0x100]  }
0x201: {  	v57 =	vld [tilespmem:s0+$0x8100];
	_ =	sdelay $0x4  }
0x202: {  	v3 =	vadd.f32 v57, v3;
	_ =	sdelay $0x1  }
0x203: {  	[tilespmem:s0+$0x10100] =	vst v3;
	s0 =	sor.u32 $0x1C20, s1  }
0x204: {  	v3 =	vld [tilespmem:s0+$0x100]  }
0x205: {  	v58 =	vld [tilespmem:s0+$0x8100];
	_ =	sdelay $0x4  }
0x206: {  	v3 =	vadd.f32 v58, v3;
	_ =	sdelay $0x1  }
0x207: {  	[tilespmem:s0+$0x10100] =	vst v3;
	s0 =	sor.u32 $0x1C30, s1  }
0x208: {  	v3 =	vld [tilespmem:s0+$0x100]  }
0x209: {  	v59 =	vld [tilespmem:s0+$0x8100];
	_ =	sdelay $0x4  }
0x20a: {  	v3 =	vadd.f32 v59, v3;
	_ =	sdelay $0x1  }
0x20b: {  	[tilespmem:s0+$0x10100] =	vst v3;
	s0 =	sor.u32 $0x1C40, s1  }
0x20c: {  	v3 =	vld [tilespmem:s0+$0x100]  }
0x20d: {  	v60 =	vld [tilespmem:s0+$0x8100];
	_ =	sdelay $0x4  }
0x20e: {  	v3 =	vadd.f32 v60, v3;
	_ =	sdelay $0x1  }
0x20f: {  	[tilespmem:s0+$0x10100] =	vst v3;
	s0 =	sor.u32 $0x1C50, s1  }
0x210: {  	v3 =	vld [tilespmem:s0+$0x100]  }
0x211: {  	v61 =	vld [tilespmem:s0+$0x8100];
	_ =	sdelay $0x4  }
0x212: {  	v3 =	vadd.f32 v61, v3;
	_ =	sdelay $0x1  }
0x213: {  	[tilespmem:s0+$0x10100] =	vst v3;
	s0 =	sor.u32 $0x1C60, s1  }
0x214: {  	v3 =	vld [tilespmem:s0+$0x100]  }
0x215: {  	v62 =	vld [tilespmem:s0+$0x8100];
	_ =	sdelay $0x4  }
0x216: {  	v3 =	vadd.f32 v62, v3;
	_ =	sdelay $0x1  }
0x217: {  	s1 =	sor.u32 $0x1C70, s1;
	[tilespmem:s0+$0x10100] =	vst v3  }
0x218: {  	v3 =	vld [tilespmem:s1+$0x100]  }
0x219: {  	v63 =	vld [tilespmem:s1+$0x8100];
	_ =	sdelay $0x1  }
0x21a: {  	p0 =	sne.s32 s31, $0xF80  }
.Ltmp1:
0x21b: {  	_ = 	snop;
	(pc) =	sbr.rel @p0 .LBB2_4-.Ltmp1, $4  }
0x21c: {  	_ = 	snop  }
0x21d: {  	v3 =	vadd.f32 v63, v3  }
0x21e: {  	s29 =	sadd.s32 $0x400, s29  }
0x21f: {  	s31 =	sadd.s32 $0x80, s31;
	s28 =	sadd.s32 $0x1, s28;
	s30 =	sadd.s32 $0x400, s30;
	[tilespmem:s1+$0x10100] =	vst v3  }
0x220: {  	s0 =	rddreg [dreg:$0x7]  }
0x221: {  	[hbm4b:s0+s2] =	stream.linear.scatter [tilespmem:s13], [sflag:$0x2], $0x8000, $0x38;
	[tilespmem:$0x18100] =	vst v63  }
0x222: {  	_ =	swait.ge [sflag:s14], $0x8000  }
0x223: {  	s26 =	sadd.s32 $0x1, s26;
	s31 =	rddreg [dreg:$0x8]  }
0x224: {  	p0 =	sne.s32 s26, s31  }
.Ltmp2:
0x225: {  	_ = 	snop;
	(pc) =	sbr.rel @p0 .LBB2_1-.Ltmp2, $3  }
0x226: {  	_ =	sdelay $0x1  }
0x227: {  	[sflag:s14] =	ssyncset.done $0x0  }
0x228: {  	[sflag:s14] =	ssyncadd.s32 $0xFFFF8000  }
0x229: {  	_ =	sfence.sel $0x180000  }
0x22a: {  	[bflag:$0x0] =	sbarrier.arrive $0xFFFF  }
0x22b: {  	_ =	strace $0x90000047  }
0x22c: {  	s0 =	stileid.u32;
	[bflag:$0x2] =	sbarrier.arrive $0xFFFF  }
0x22d: {  	p0 =	sne.s32 s0, $0x0;
	s0 =	rddreg [dreg:$0x2]  }
0x22e: {  	s0 =	sadd.s32 @!p0 $0x100000, s0  }
0x22f: {  	[sflag:s0] =	ssyncadd.tile.s32 @!p0 $0x1;
	_ =	shalt  }
.Lfunc_end2:
_tile_overlayer_lowered:
.L_overlay_start_2:
0x230: {  	(tag) =	ssettag $0x2  }
0x231: {  	s0 =	rddreg [dreg:$0x0];
	s2 =	stileid.u32  }
0x232: {  	s1 =	rddreg [dreg:$0x1];
	p0 =	sne.s32 s2, $0x0  }
0x233: {  	s3 =	rddreg [dreg:$0x2];
	[bflag:$0x3] =	sbarrier.arrive $0xFFFF;
	s2 =	simm.s32 @!p0 $0x1C02  }
0x234: {  	[timem:s3], [sflag:s2] =	dma.local @!p0 [hbm:s0], s1  }
0x235: {  	s0 =	simm.s32 @!p0 $0x2  }
0x236: {  	_ =	swait.ge @!p0 [sflag:s0], s1  }
0x237: {  	s1 =	ssub.s32 @!p0 $0x0, s1;
	[sflag:s0] =	ssyncset.done @!p0 $0x0  }
0x238: {  	[sflag:s0] =	ssyncadd.s32 @!p0 s1  }
0x239: {  	[bflag:$0x3] =	sbarrier.arrive $0xFFFF  }
0x23a: {  	_ =	shalt  }

</sc_bundles>
